<compile_context>
chip_gen: v7x
topology: tpu7x:2x2x1
jax: 0.10.2.dev20260603
libtpu: 0.0.44.dev20260713+nightly
codegen_flags: <defaults>
</compile_context>

<pallas_src>
import functools

import jax
import jax.numpy as jnp
from jax import lax
from jax.experimental import pallas as pl
from jax.experimental.pallas import tpu as pltpu
from jax.experimental.pallas import tpu_sc as plsc

_VOCAB = 1000000
_DIM = 64
_BATCH = 16384
_NEG = 20

_BG = 16
_RPB = _BG * (1 + _NEG)

_ROW_POS = 0
_ROW_TN = 1
_ROW_CN = 2
_ROW_ND = 8
_ROW_NN = 32
_NROWS = 64


def _sc_dots(trows, out_emb, cw, nwf):
    info = plsc.get_sparse_core_info()
    nworkers = info.num_cores * info.num_subcores
    b_per_w = _BATCH // nworkers
    nblk = b_per_w // _BG

    mesh = plsc.VectorSubcoreMesh(core_axis_name="c", subcore_axis_name="s")

    @functools.partial(
        pl.kernel,
        mesh=mesh,
        compiler_params=pltpu.CompilerParams(needs_layout_passes=False),
        out_type=jax.ShapeDtypeStruct((_NROWS, _BATCH), jnp.float32),
        scratch_types=[
            pltpu.VMEM((2 * _RPB,), jnp.int32),
            pltpu.VMEM((2, _RPB, _DIM), jnp.float32),
            pltpu.VMEM((2, _BG, _DIM), jnp.float32),
            pltpu.VMEM((_NROWS, b_per_w), jnp.float32),
            pltpu.SemaphoreType.DMA,
            pltpu.SemaphoreType.DMA,
            pltpu.SemaphoreType.DMA,
            pltpu.SemaphoreType.DMA,
        ],
    )
    def k(t_hbm, out_hbm, cw_hbm, nw_hbm, out_p,
          idx_v, buf, tcol, stage, isem, gsem, tsem, osem):
        wid = lax.axis_index("s") * info.num_cores + lax.axis_index("c")
        b0w = wid * b_per_w

        lane = lax.iota(jnp.int32, 16)
        m15 = lane == 15

        def issue_idx(blk, slot):
            b0 = b0w + blk * _BG
            off = slot * _RPB
            pltpu.async_copy(cw_hbm.at[pl.ds(b0, _BG)],
                             idx_v.at[pl.ds(off, _BG)], isem)
            pltpu.async_copy(nw_hbm.at[pl.ds(b0 * _NEG, _BG * _NEG)],
                             idx_v.at[pl.ds(off + _BG, _BG * _NEG)],
                             isem)

        def wait_idx():
            pltpu.make_async_copy(cw_hbm.at[pl.ds(0, _RPB)],
                                  idx_v.at[pl.ds(0, _RPB)], isem).wait()

        def issue_rows(blk, slot):
            b0 = b0w + blk * _BG
            pltpu.async_copy(t_hbm.at[pl.ds(b0, _BG)], tcol.at[slot], tsem)

            def group(g, _):
                idxv = idx_v[pl.ds(slot * _RPB + g * 16, 16)]
                for r in range(16):
                    pltpu.async_copy(
                        out_hbm.at[pl.ds(idxv[r], 1)],
                        buf.at[slot, pl.ds(g * 16 + r, 1)], gsem)
                return 0

            lax.fori_loop(0, _RPB // 16, group, 0)

        def wait_rows():
            pltpu.make_async_copy(t_hbm.at[pl.ds(0, _BG)],
                                  tcol.at[0], tsem).wait()
            pltpu.make_async_copy(out_hbm.at[pl.ds(0, _RPB)],
                                  buf.at[0], gsem).wait()

        def dot4(a, b):
            s = a[0] * b[0] + a[1] * b[1]
            s = s + a[2] * b[2] + a[3] * b[3]
            return plsc.cumsum(s)

        def put(row, p, v):
            plsc.store_scatter(stage,
                               [jnp.full((16,), row, jnp.int32),
                                jnp.full((16,), p, jnp.int32)],
                               v, mask=m15)

        def compute(blk, slot):
            def body(lb, _):
                p = blk * _BG + lb
                t = [tcol[slot, lb, pl.ds(j * 16, 16)] for j in range(4)]
                c = [buf[slot, lb, pl.ds(j * 16, 16)] for j in range(4)]
                put(_ROW_TN, p, dot4(t, t))
                put(_ROW_CN, p, dot4(c, c))
                put(_ROW_POS, p, dot4(t, c))
                for kk in range(_NEG):
                    row = _BG + lb * _NEG + kk
                    n = [buf[slot, row, pl.ds(j * 16, 16)]
                         for j in range(4)]
                    put(_ROW_ND + kk, p, dot4(n, t))
                    put(_ROW_NN + kk, p, dot4(n, n))
                return 0

            lax.fori_loop(0, _BG, body, 0)

        issue_idx(0, 0)
        wait_idx()
        issue_rows(0, 0)
        issue_idx(1, 1)

        def blk_body(blk, _):
            slot = lax.rem(blk, 2)
            nslot = lax.rem(blk + 1, 2)

            wait_rows()

            @pl.when(blk + 1 < nblk)
            def _():
                wait_idx()
                issue_rows(blk + 1, nslot)

            @pl.when(blk + 2 < nblk)
            def _():
                issue_idx(blk + 2, slot)

            compute(blk, slot)
            return 0

        lax.fori_loop(0, nblk, blk_body, 0)

        pltpu.async_copy(stage, out_p.at[:, pl.ds(b0w, b_per_w)],
                         osem).wait()

    return k(trows, out_emb, cw, nwf)


def _tc_loss_body(x_ref, lt_ref, o_ref):
    i = pl.program_id(0)
    inv_temp = jnp.exp(-lt_ref[0])

    pos_d = x_ref[_ROW_POS:_ROW_POS + 1, :]
    tn = x_ref[_ROW_TN:_ROW_TN + 1, :]
    cn = x_ref[_ROW_CN:_ROW_CN + 1, :]
    nd = x_ref[_ROW_ND:_ROW_ND + _NEG, :]
    nn = x_ref[_ROW_NN:_ROW_NN + _NEG, :]

    tnorm = jnp.maximum(jnp.sqrt(tn), 1e-12)
    cnorm = jnp.maximum(jnp.sqrt(cn), 1e-12)
    nnorm = jnp.maximum(jnp.sqrt(nn), 1e-12)

    pos = pos_d / (tnorm * cnorm) * inv_temp
    negs = nd / (nnorm * tnorm) * inv_temp

    m = jnp.maximum(pos, jnp.max(negs, axis=0, keepdims=True))
    lse = m + jnp.log(jnp.exp(pos - m)
                      + jnp.sum(jnp.exp(negs - m), axis=0, keepdims=True))
    part = jnp.sum(lse - pos) * (1.0 / _BATCH)

    @pl.when(i == 0)
    def _():
        o_ref[0, 0] = 0.0

    o_ref[0, 0] += part


def _tc_loss(partials, log_temperature):
    bs = 2048
    grid = _BATCH // bs
    out = pl.pallas_call(
        _tc_loss_body,
        grid=(grid,),
        in_specs=[
            pl.BlockSpec((_NROWS, bs), lambda i: (0, i)),
            pl.BlockSpec(memory_space=pltpu.SMEM),
        ],
        out_specs=pl.BlockSpec(memory_space=pltpu.SMEM),
        out_shape=jax.ShapeDtypeStruct((1, 1), jnp.float32),
    )(partials, jnp.reshape(log_temperature, (1,)))
    return out[0, 0]


def kernel(target_words, context_words, neg_words, in_emb, out_emb,
           log_temperature):
    tw = target_words.astype(jnp.int32)
    cw = context_words.astype(jnp.int32)
    nwf = jnp.reshape(neg_words.astype(jnp.int32), (-1,))

    in_t = jnp.swapaxes(in_emb, 0, 1)
    trows = jnp.swapaxes(jnp.take(in_t, tw, axis=1), 0, 1)
    partials = _sc_dots(trows, out_emb, cw, nwf)
    return _tc_loss(partials, log_temperature)

# --- scband reference (transcript-rebuilt; emitter-appended) ---
"""Pipeline reference for scband-skip-gram-86234353369346 (READ-ONLY COPY).

The authoritative reference and input builder live on the scoring server;
editing this copy changes nothing except your own understanding.
"""

import jax, jax.numpy as jnp
import numpy as np

VOCAB = 1000000
DIM = 64
BATCH = 16384
NEG = 20


def _normalize(x, axis):
    n = jnp.sqrt(jnp.sum(x * x, axis=axis, keepdims=True))
    return x / jnp.maximum(n, 1e-12)


def setup_inputs(seed: int = 0) -> dict:
    key = jax.random.key(seed)
    k1, k2, k3, k4, k5 = jax.random.split(key, 5)
    target_words = jax.random.randint(k1, (BATCH,), 0, VOCAB)
    context_words = jax.random.randint(k2, (BATCH,), 0, VOCAB)
    neg_words = jax.random.randint(k3, (BATCH, NEG), 0, VOCAB)
    in_emb = jax.random.uniform(k4, (VOCAB, DIM), dtype=jnp.float32, minval=-0.1, maxval=0.1)
    out_emb = jax.random.uniform(k5, (VOCAB, DIM), dtype=jnp.float32, minval=-0.1, maxval=0.1)
    log_temperature = jnp.array(0.0, dtype=jnp.float32)
    return {
        "target_words": target_words,
        "context_words": context_words,
        "neg_words": neg_words,
        "in_emb": in_emb,
        "out_emb": out_emb,
        "log_temperature": log_temperature,
    }


def reference(target_words, context_words, neg_words, in_emb, out_emb, log_temperature):
    # Embedding gathers
    target_embeds = jnp.take(in_emb, target_words, axis=0)          # [B, D]
    context_embeds = jnp.take(out_emb, context_words, axis=0)       # [B, D]
    neg_embeds = jnp.take(out_emb, neg_words, axis=0)               # [B, NEG, D]

    # L2 normalize (F.normalize semantics)
    target_embeds = _normalize(target_embeds, axis=1)
    context_embeds = _normalize(context_embeds, axis=1)
    neg_embeds = _normalize(neg_embeds, axis=2)

    temperature = jnp.exp(log_temperature)

    pos_scores = jnp.sum(target_embeds * context_embeds, axis=1) / temperature   # [B]
    # bmm(neg_embeds [B,NEG,D], target [B,D,1]) -> [B,NEG]
    neg_scores = jnp.einsum('bkd,bd->bk', neg_embeds, target_embeds) / temperature

    logits = jnp.concatenate([pos_scores[:, None], neg_scores], axis=1)          # [B, 1+NEG]
    # cross entropy with labels all zero
    loss = jnp.mean(jax.nn.logsumexp(logits, axis=1) - logits[:, 0])
    return loss

if __name__ == "__main__":
    import jax
    _d = setup_inputs()
    print(jax.jit(kernel)(*tuple(_d.values())))

</pallas_src>

<mosaic_0001>
#map = affine_map<(d0, d1) -> (0, 0)>
#map1 = affine_map<(d0, d1) -> (0)>
module attributes {stable_mosaic.version = 14 : i64} {
  func.func @k(%arg0: i32, %arg1: i32, %arg2: memref<16384x64xf32, #tpu.memory_space<hbm>>, %arg3: memref<1000000x64xf32, #tpu.memory_space<hbm>>, %arg4: memref<16384xi32, #tpu.memory_space<hbm>>, %arg5: memref<327680xi32, #tpu.memory_space<hbm>>, %arg6: memref<64x16384xf32, #tpu.memory_space<hbm>>, %arg7: memref<672xi32, #tpu.memory_space<vmem>>, %arg8: memref<2x336x64xf32, #tpu.memory_space<vmem>>, %arg9: memref<2x16x64xf32, #tpu.memory_space<vmem>>, %arg10: memref<64x512xf32, #tpu.memory_space<vmem>>, %arg11: memref<!tpu.dma_semaphore, #tpu.memory_space<semaphore_mem>>, %arg12: memref<!tpu.dma_semaphore, #tpu.memory_space<semaphore_mem>>, %arg13: memref<!tpu.dma_semaphore, #tpu.memory_space<semaphore_mem>>, %arg14: memref<!tpu.dma_semaphore, #tpu.memory_space<semaphore_mem>>) attributes {dimension_semantics = [#tpu.dimension_semantics<core_parallel>, #tpu.dimension_semantics<subcore_parallel>], iteration_bounds = array<i64: 2, 16>, scalar_prefetch = 0 : i64, scratch_operands = 8 : i64, tpu.core_type = #tpu.core_type<sc_vector_subcore>, window_params = [{transform_indices = #map}, {transform_indices = #map}, {transform_indices = #map1}, {transform_indices = #map1}, {transform_indices = #map}]} {
    %mul3A = arith.constant 2 : i32
    %mul3A_0 = arith.muli %arg1, %mul3A : i32
    %add3A = arith.addi %mul3A_0, %arg0 : i32
    %mul3A_1 = arith.constant 512 : i32
    %mul3A_2 = arith.muli %add3A, %mul3A_1 : i32
    %iota3A = tpu.iota {dimensions = array<i32: 0>} : vector<16xi32>
    %eq3A = arith.constant 15 : i32
    %eq3A_3 = vector.broadcast %eq3A : i32 to vector<16xi32>
    %eq3A_4 = arith.cmpi eq, %iota3A, %eq3A_3 : vector<16xi32>
    %add3A_5 = arith.constant 0 : i32
    %add3A_6 = arith.addi %mul3A_2, %add3A_5 : i32
    %dma_start3A = arith.constant 0 : i32
    %dma_start3A_7 = tpu.memref_slice %arg7[%dma_start3A] : memref<672xi32, #tpu.memory_space<vmem>> -> memref<16xi32, #tpu.memory_space<vmem>>
    %dma_start3A_8 = tpu.memref_slice %arg4[%add3A_6] : memref<16384xi32, #tpu.memory_space<hbm>> -> memref<16xi32, #tpu.memory_space<hbm>>
    %dma_start3A_9 = arith.constant 0 : i32
    %dma_start3A_10 = tpu.memref_slice %arg7[%dma_start3A_9] : memref<672xi32, #tpu.memory_space<vmem>> -> memref<16xi32, #tpu.memory_space<vmem>>
    %dma_start3A_11 = tpu.memref_slice %arg4[%add3A_6] : memref<16384xi32, #tpu.memory_space<hbm>> -> memref<16xi32, #tpu.memory_space<hbm>>
    tpu.enqueue_dma source(%dma_start3A_11 : memref<16xi32, #tpu.memory_space<hbm>>) target(%dma_start3A_10 : memref<16xi32, #tpu.memory_space<vmem>>) target_semaphore(%arg11 : memref<!tpu.dma_semaphore, #tpu.memory_space<semaphore_mem>>)
    %mul3A_12 = arith.constant 20 : i32
    %mul3A_13 = arith.muli %add3A_6, %mul3A_12 : i32
    %dma_start3A_14 = arith.constant 16 : i32
    %dma_start3A_15 = tpu.memref_slice %arg7[%dma_start3A_14] : memref<672xi32, #tpu.memory_space<vmem>> -> memref<320xi32, #tpu.memory_space<vmem>>
    %dma_start3A_16 = tpu.memref_slice %arg5[%mul3A_13] : memref<327680xi32, #tpu.memory_space<hbm>> -> memref<320xi32, #tpu.memory_space<hbm>>
    %dma_start3A_17 = arith.constant 16 : i32
    %dma_start3A_18 = tpu.memref_slice %arg7[%dma_start3A_17] : memref<672xi32, #tpu.memory_space<vmem>> -> memref<320xi32, #tpu.memory_space<vmem>>
    %dma_start3A_19 = tpu.memref_slice %arg5[%mul3A_13] : memref<327680xi32, #tpu.memory_space<hbm>> -> memref<320xi32, #tpu.memory_space<hbm>>
    tpu.enqueue_dma source(%dma_start3A_19 : memref<320xi32, #tpu.memory_space<hbm>>) target(%dma_start3A_18 : memref<320xi32, #tpu.memory_space<vmem>>) target_semaphore(%arg11 : memref<!tpu.dma_semaphore, #tpu.memory_space<semaphore_mem>>)
    %dma_wait3A = arith.constant 0 : i32
    %dma_wait3A_20 = tpu.memref_slice %arg7[%dma_wait3A] : memref<672xi32, #tpu.memory_space<vmem>> -> memref<336xi32, #tpu.memory_space<vmem>>
    %dma_wait3A_21 = arith.constant 0 : i32
    %dma_wait3A_22 = tpu.memref_slice %arg4[%dma_wait3A_21] : memref<16384xi32, #tpu.memory_space<hbm>> -> memref<336xi32, #tpu.memory_space<hbm>>
    %dma_wait3A_23 = arith.constant 0 : i32
    %dma_wait3A_24 = tpu.memref_slice %arg7[%dma_wait3A_23] : memref<672xi32, #tpu.memory_space<vmem>> -> memref<336xi32, #tpu.memory_space<vmem>>
    %dma_wait3A_25 = arith.constant 0 : i32
    %dma_wait3A_26 = tpu.memref_slice %arg4[%dma_wait3A_25] : memref<16384xi32, #tpu.memory_space<hbm>> -> memref<336xi32, #tpu.memory_space<hbm>>
    tpu.wait_dma2 semaphore(%arg11 : memref<!tpu.dma_semaphore, #tpu.memory_space<semaphore_mem>>) src(%dma_wait3A_26 : memref<336xi32, #tpu.memory_space<hbm>>) dst(%dma_wait3A_24 : memref<336xi32, #tpu.memory_space<vmem>>)
    %add3A_27 = arith.constant 0 : i32
    %add3A_28 = arith.addi %mul3A_2, %add3A_27 : i32
    %dma_start3A_29 = arith.constant 0 : i32
    %dma_start3A_30 = arith.constant 0 : i32
    %dma_start3A_31 = arith.constant 0 : i32
    %dma_start3A_32 = tpu.memref_slice %arg9[%dma_start3A_29, %dma_start3A_30, %dma_start3A_31] : memref<2x16x64xf32, #tpu.memory_space<vmem>> -> memref<1x16x64xf32, #tpu.memory_space<vmem>>
    %dma_start3A_33 = tpu.memref_squeeze %dma_start3A_32 : memref<1x16x64xf32, #tpu.memory_space<vmem>> -> memref<16x64xf32, #tpu.memory_space<vmem>>
    %dma_start3A_34 = arith.constant 0 : i32
    %dma_start3A_35 = tpu.memref_slice %arg2[%add3A_28, %dma_start3A_34] : memref<16384x64xf32, #tpu.memory_space<hbm>> -> memref<16x64xf32, #tpu.memory_space<hbm>>
    %dma_start3A_36 = arith.constant 0 : i32
    %dma_start3A_37 = arith.constant 0 : i32
    %dma_start3A_38 = tpu.memref_slice %arg9[%dma_start3A_29, %dma_start3A_36, %dma_start3A_37] : memref<2x16x64xf32, #tpu.memory_space<vmem>> -> memref<1x16x64xf32, #tpu.memory_space<vmem>>
    %dma_start3A_39 = tpu.memref_squeeze %dma_start3A_38 : memref<1x16x64xf32, #tpu.memory_space<vmem>> -> memref<16x64xf32, #tpu.memory_space<vmem>>
    %dma_start3A_40 = arith.constant 0 : i32
    %dma_start3A_41 = tpu.memref_slice %arg2[%add3A_28, %dma_start3A_40] : memref<16384x64xf32, #tpu.memory_space<hbm>> -> memref<16x64xf32, #tpu.memory_space<hbm>>
    tpu.enqueue_dma source(%dma_start3A_41 : memref<16x64xf32, #tpu.memory_space<hbm>>) target(%dma_start3A_39 : memref<16x64xf32, #tpu.memory_space<vmem>>) target_semaphore(%arg13 : memref<!tpu.dma_semaphore, #tpu.memory_space<semaphore_mem>>)
    %scan3A = arith.constant 0 : i32
    %scan3A_42 = arith.constant 0 : i32
    %scan3A_43 = arith.constant 21 : i32
    %scan3A_44 = arith.addi %scan3A_42, %scan3A_43 : i32
    %scan3A_45 = arith.constant 1 : i32
    %scan3A_46 = scf.for %scan3A_79 = %scan3A_42 to %scan3A_44 step %scan3A_45 iter_args(%scan3A_80 = %scan3A) -> (i32)  : i32 {
      %mul3A_81 = arith.constant 16 : i32
      %mul3A_82 = arith.muli %scan3A_79, %mul3A_81 : i32
      %add3A_83 = arith.constant 0 : i32
      %add3A_84 = arith.addi %add3A_83, %mul3A_82 : i32
      %get3A = arith.index_cast %add3A_84 : i32 to index
      %get3A_85 = tpu.vector_load %arg7[%get3A] {strides = array<i32>} : memref<672xi32, #tpu.memory_space<vmem>>, vector<16xi32>,
      %slice3A = vector.extract_strided_slice %get3A_85 {offsets = [0], sizes = [1], strides = [1]} : vector<16xi32> to vector<1xi32>
      %squeeze3A = vector.extract %slice3A[0] : i32 from vector<1xi32>
      %mul3A_86 = arith.constant 16 : i32
      %mul3A_87 = arith.muli %scan3A_79, %mul3A_86 : i32
      %add3A_88 = arith.constant 0 : i32
      %add3A_89 = arith.addi %mul3A_87, %add3A_88 : i32
      %dma_start3A_90 = arith.constant 0 : i32
      %dma_start3A_91 = arith.constant 0 : i32
      %dma_start3A_92 = tpu.memref_slice %arg8[%dma_start3A_90, %add3A_89, %dma_start3A_91] : memref<2x336x64xf32, #tpu.memory_space<vmem>> -> memref<1x1x64xf32, #tpu.memory_space<vmem>>
      %dma_start3A_93 = tpu.memref_squeeze %dma_start3A_92 : memref<1x1x64xf32, #tpu.memory_space<vmem>> -> memref<1x64xf32, #tpu.memory_space<vmem>>
      %dma_start3A_94 = arith.constant 0 : i32
      %dma_start3A_95 = tpu.memref_slice %arg3[%squeeze3A, %dma_start3A_94] : memref<1000000x64xf32, #tpu.memory_space<hbm>> -> memref<1x64xf32, #tpu.memory_space<hbm>>
      %dma_start3A_96 = arith.constant 0 : i32
      %dma_start3A_97 = tpu.memref_slice %arg8[%dma_start3A_90, %add3A_89, %dma_start3A_96] : memref<2x336x64xf32, #tpu.memory_space<vmem>> -> memref<1x1x64xf32, #tpu.memory_space<vmem>>
      %dma_start3A_98 = tpu.memref_squeeze %dma_start3A_97 : memref<1x1x64xf32, #tpu.memory_space<vmem>> -> memref<1x64xf32, #tpu.memory_space<vmem>>
      %dma_start3A_99 = arith.constant 0 : i32
      %dma_start3A_100 = tpu.memref_slice %arg3[%squeeze3A, %dma_start3A_99] : memref<1000000x64xf32, #tpu.memory_space<hbm>> -> memref<1x64xf32, #tpu.memory_space<hbm>>
      tpu.enqueue_dma source(%dma_start3A_100 : memref<1x64xf32, #tpu.memory_space<hbm>>) target(%dma_start3A_98 : memref<1x64xf32, #tpu.memory_space<vmem>>) target_semaphore(%arg12 : memref<!tpu.dma_semaphore, #tpu.memory_space<semaphore_mem>>)
      %slice3A_101 = vector.extract_strided_slice %get3A_85 {offsets = [1], sizes = [1], strides = [1]} : vector<16xi32> to vector<1xi32>
      %squeeze3A_102 = vector.extract %slice3A_101[0] : i32 from vector<1xi32>
      %mul3A_103 = arith.constant 16 : i32
      %mul3A_104 = arith.muli %scan3A_79, %mul3A_103 : i32
      %add3A_105 = arith.constant 1 : i32
      %add3A_106 = arith.addi %mul3A_104, %add3A_105 : i32
      %dma_start3A_107 = arith.constant 0 : i32
      %dma_start3A_108 = arith.constant 0 : i32
      %dma_start3A_109 = tpu.memref_slice %arg8[%dma_start3A_107, %add3A_106, %dma_start3A_108] : memref<2x336x64xf32, #tpu.memory_space<vmem>> -> memref<1x1x64xf32, #tpu.memory_space<vmem>>
      %dma_start3A_110 = tpu.memref_squeeze %dma_start3A_109 : memref<1x1x64xf32, #tpu.memory_space<vmem>> -> memref<1x64xf32, #tpu.memory_space<vmem>>
      %dma_start3A_111 = arith.constant 0 : i32
      %dma_start3A_112 = tpu.memref_slice %arg3[%squeeze3A_102, %dma_start3A_111] : memref<1000000x64xf32, #tpu.memory_space<hbm>> -> memref<1x64xf32, #tpu.memory_space<hbm>>
      %dma_start3A_113 = arith.constant 0 : i32
      %dma_start3A_114 = tpu.memref_slice %arg8[%dma_start3A_107, %add3A_106, %dma_start3A_113] : memref<2x336x64xf32, #tpu.memory_space<vmem>> -> memref<1x1x64xf32, #tpu.memory_space<vmem>>
      %dma_start3A_115 = tpu.memref_squeeze %dma_start3A_114 : memref<1x1x64xf32, #tpu.memory_space<vmem>> -> memref<1x64xf32, #tpu.memory_space<vmem>>
      %dma_start3A_116 = arith.constant 0 : i32
      %dma_start3A_117 = tpu.memref_slice %arg3[%squeeze3A_102, %dma_start3A_116] : memref<1000000x64xf32, #tpu.memory_space<hbm>> -> memref<1x64xf32, #tpu.memory_space<hbm>>
      tpu.enqueue_dma source(%dma_start3A_117 : memref<1x64xf32, #tpu.memory_space<hbm>>) target(%dma_start3A_115 : memref<1x64xf32, #tpu.memory_space<vmem>>) target_semaphore(%arg12 : memref<!tpu.dma_semaphore, #tpu.memory_space<semaphore_mem>>)
      %slice3A_118 = vector.extract_strided_slice %get3A_85 {offsets = [2], sizes = [1], strides = [1]} : vector<16xi32> to vector<1xi32>
      %squeeze3A_119 = vector.extract %slice3A_118[0] : i32 from vector<1xi32>
      %mul3A_120 = arith.constant 16 : i32
      %mul3A_121 = arith.muli %scan3A_79, %mul3A_120 : i32
      %add3A_122 = arith.constant 2 : i32
      %add3A_123 = arith.addi %mul3A_121, %add3A_122 : i32
      %dma_start3A_124 = arith.constant 0 : i32
      %dma_start3A_125 = arith.constant 0 : i32
      %dma_start3A_126 = tpu.memref_slice %arg8[%dma_start3A_124, %add3A_123, %dma_start3A_125] : memref<2x336x64xf32, #tpu.memory_space<vmem>> -> memref<1x1x64xf32, #tpu.memory_space<vmem>>
      %dma_start3A_127 = tpu.memref_squeeze %dma_start3A_126 : memref<1x1x64xf32, #tpu.memory_space<vmem>> -> memref<1x64xf32, #tpu.memory_space<vmem>>
      %dma_start3A_128 = arith.constant 0 : i32
      %dma_start3A_129 = tpu.memref_slice %arg3[%squeeze3A_119, %dma_start3A_128] : memref<1000000x64xf32, #tpu.memory_space<hbm>> -> memref<1x64xf32, #tpu.memory_space<hbm>>
      %dma_start3A_130 = arith.constant 0 : i32
      %dma_start3A_131 = tpu.memref_slice %arg8[%dma_start3A_124, %add3A_123, %dma_start3A_130] : memref<2x336x64xf32, #tpu.memory_space<vmem>> -> memref<1x1x64xf32, #tpu.memory_space<vmem>>
      %dma_start3A_132 = tpu.memref_squeeze %dma_start3A_131 : memref<1x1x64xf32, #tpu.memory_space<vmem>> -> memref<1x64xf32, #tpu.memory_space<vmem>>
      %dma_start3A_133 = arith.constant 0 : i32
      %dma_start3A_134 = tpu.memref_slice %arg3[%squeeze3A_119, %dma_start3A_133] : memref<1000000x64xf32, #tpu.memory_space<hbm>> -> memref<1x64xf32, #tpu.memory_space<hbm>>
      tpu.enqueue_dma source(%dma_start3A_134 : memref<1x64xf32, #tpu.memory_space<hbm>>) target(%dma_start3A_132 : memref<1x64xf32, #tpu.memory_space<vmem>>) target_semaphore(%arg12 : memref<!tpu.dma_semaphore, #tpu.memory_space<semaphore_mem>>)
      %slice3A_135 = vector.extract_strided_slice %get3A_85 {offsets = [3], sizes = [1], strides = [1]} : vector<16xi32> to vector<1xi32>
      %squeeze3A_136 = vector.extract %slice3A_135[0] : i32 from vector<1xi32>
      %mul3A_137 = arith.constant 16 : i32
      %mul3A_138 = arith.muli %scan3A_79, %mul3A_137 : i32
      %add3A_139 = arith.constant 3 : i32
      %add3A_140 = arith.addi %mul3A_138, %add3A_139 : i32
      %dma_start3A_141 = arith.constant 0 : i32
      %dma_start3A_142 = arith.constant 0 : i32
      %dma_start3A_143 = tpu.memref_slice %arg8[%dma_start3A_141, %add3A_140, %dma_start3A_142] : memref<2x336x64xf32, #tpu.memory_space<vmem>> -> memref<1x1x64xf32, #tpu.memory_space<vmem>>
      %dma_start3A_144 = tpu.memref_squeeze %dma_start3A_143 : memref<1x1x64xf32, #tpu.memory_space<vmem>> -> memref<1x64xf32, #tpu.memory_space<vmem>>
      %dma_start3A_145 = arith.constant 0 : i32
      %dma_start3A_146 = tpu.memref_slice %arg3[%squeeze3A_136, %dma_start3A_145] : memref<1000000x64xf32, #tpu.memory_space<hbm>> -> memref<1x64xf32, #tpu.memory_space<hbm>>
      %dma_start3A_147 = arith.constant 0 : i32
      %dma_start3A_148 = tpu.memref_slice %arg8[%dma_start3A_141, %add3A_140, %dma_start3A_147] : memref<2x336x64xf32, #tpu.memory_space<vmem>> -> memref<1x1x64xf32, #tpu.memory_space<vmem>>
      %dma_start3A_149 = tpu.memref_squeeze %dma_start3A_148 : memref<1x1x64xf32, #tpu.memory_space<vmem>> -> memref<1x64xf32, #tpu.memory_space<vmem>>
      %dma_start3A_150 = arith.constant 0 : i32
      %dma_start3A_151 = tpu.memref_slice %arg3[%squeeze3A_136, %dma_start3A_150] : memref<1000000x64xf32, #tpu.memory_space<hbm>> -> memref<1x64xf32, #tpu.memory_space<hbm>>
      tpu.enqueue_dma source(%dma_start3A_151 : memref<1x64xf32, #tpu.memory_space<hbm>>) target(%dma_start3A_149 : memref<1x64xf32, #tpu.memory_space<vmem>>) target_semaphore(%arg12 : memref<!tpu.dma_semaphore, #tpu.memory_space<semaphore_mem>>)
      %slice3A_152 = vector.extract_strided_slice %get3A_85 {offsets = [4], sizes = [1], strides = [1]} : vector<16xi32> to vector<1xi32>
      %squeeze3A_153 = vector.extract %slice3A_152[0] : i32 from vector<1xi32>
      %mul3A_154 = arith.constant 16 : i32
      %mul3A_155 = arith.muli %scan3A_79, %mul3A_154 : i32
      %add3A_156 = arith.constant 4 : i32
      %add3A_157 = arith.addi %mul3A_155, %add3A_156 : i32
      %dma_start3A_158 = arith.constant 0 : i32
      %dma_start3A_159 = arith.constant 0 : i32
      %dma_start3A_160 = tpu.memref_slice %arg8[%dma_start3A_158, %add3A_157, %dma_start3A_159] : memref<2x336x64xf32, #tpu.memory_space<vmem>> -> memref<1x1x64xf32, #tpu.memory_space<vmem>>
      %dma_start3A_161 = tpu.memref_squeeze %dma_start3A_160 : memref<1x1x64xf32, #tpu.memory_space<vmem>> -> memref<1x64xf32, #tpu.memory_space<vmem>>
      %dma_start3A_162 = arith.constant 0 : i32
      %dma_start3A_163 = tpu.memref_slice %arg3[%squeeze3A_153, %dma_start3A_162] : memref<1000000x64xf32, #tpu.memory_space<hbm>> -> memref<1x64xf32, #tpu.memory_space<hbm>>
      %dma_start3A_164 = arith.constant 0 : i32
      %dma_start3A_165 = tpu.memref_slice %arg8[%dma_start3A_158, %add3A_157, %dma_start3A_164] : memref<2x336x64xf32, #tpu.memory_space<vmem>> -> memref<1x1x64xf32, #tpu.memory_space<vmem>>
      %dma_start3A_166 = tpu.memref_squeeze %dma_start3A_165 : memref<1x1x64xf32, #tpu.memory_space<vmem>> -> memref<1x64xf32, #tpu.memory_space<vmem>>
      %dma_start3A_167 = arith.constant 0 : i32
      %dma_start3A_168 = tpu.memref_slice %arg3[%squeeze3A_153, %dma_start3A_167] : memref<1000000x64xf32, #tpu.memory_space<hbm>> -> memref<1x64xf32, #tpu.memory_space<hbm>>
      tpu.enqueue_dma source(%dma_start3A_168 : memref<1x64xf32, #tpu.memory_space<hbm>>) target(%dma_start3A_166 : memref<1x64xf32, #tpu.memory_space<vmem>>) target_semaphore(%arg12 : memref<!tpu.dma_semaphore, #tpu.memory_space<semaphore_mem>>)
      %slice3A_169 = vector.extract_strided_slice %get3A_85 {offsets = [5], sizes = [1], strides = [1]} : vector<16xi32> to vector<1xi32>
      %squeeze3A_170 = vector.extract %slice3A_169[0] : i32 from vector<1xi32>
      %mul3A_171 = arith.constant 16 : i32
      %mul3A_172 = arith.muli %scan3A_79, %mul3A_171 : i32
      %add3A_173 = arith.constant 5 : i32
      %add3A_174 = arith.addi %mul3A_172, %add3A_173 : i32
      %dma_start3A_175 = arith.constant 0 : i32
      %dma_start3A_176 = arith.constant 0 : i32
      %dma_start3A_177 = tpu.memref_slice %arg8[%dma_start3A_175, %add3A_174, %dma_start3A_176] : memref<2x336x64xf32, #tpu.memory_space<vmem>> -> memref<1x1x64xf32, #tpu.memory_space<vmem>>
      %dma_start3A_178 = tpu.memref_squeeze %dma_start3A_177 : memref<1x1x64xf32, #tpu.memory_space<vmem>> -> memref<1x64xf32, #tpu.memory_space<vmem>>
      %dma_start3A_179 = arith.constant 0 : i32
      %dma_start3A_180 = tpu.memref_slice %arg3[%squeeze3A_170, %dma_start3A_179] : memref<1000000x64xf32, #tpu.memory_space<hbm>> -> memref<1x64xf32, #tpu.memory_space<hbm>>
      %dma_start3A_181 = arith.constant 0 : i32
      %dma_start3A_182 = tpu.memref_slice %arg8[%dma_start3A_175, %add3A_174, %dma_start3A_181] : memref<2x336x64xf32, #tpu.memory_space<vmem>> -> memref<1x1x64xf32, #tpu.memory_space<vmem>>
      %dma_start3A_183 = tpu.memref_squeeze %dma_start3A_182 : memref<1x1x64xf32, #tpu.memory_space<vmem>> -> memref<1x64xf32, #tpu.memory_space<vmem>>
      %dma_start3A_184 = arith.constant 0 : i32
      %dma_start3A_185 = tpu.memref_slice %arg3[%squeeze3A_170, %dma_start3A_184] : memref<1000000x64xf32, #tpu.memory_space<hbm>> -> memref<1x64xf32, #tpu.memory_space<hbm>>
      tpu.enqueue_dma source(%dma_start3A_185 : memref<1x64xf32, #tpu.memory_space<hbm>>) target(%dma_start3A_183 : memref<1x64xf32, #tpu.memory_space<vmem>>) target_semaphore(%arg12 : memref<!tpu.dma_semaphore, #tpu.memory_space<semaphore_mem>>)
      %slice3A_186 = vector.extract_strided_slice %get3A_85 {offsets = [6], sizes = [1], strides = [1]} : vector<16xi32> to vector<1xi32>
      %squeeze3A_187 = vector.extract %slice3A_186[0] : i32 from vector<1xi32>
      %mul3A_188 = arith.constant 16 : i32
      %mul3A_189 = arith.muli %scan3A_79, %mul3A_188 : i32
      %add3A_190 = arith.constant 6 : i32
      %add3A_191 = arith.addi %mul3A_189, %add3A_190 : i32
      %dma_start3A_192 = arith.constant 0 : i32
      %dma_start3A_193 = arith.constant 0 : i32
      %dma_start3A_194 = tpu.memref_slice %arg8[%dma_start3A_192, %add3A_191, %dma_start3A_193] : memref<2x336x64xf32, #tpu.memory_space<vmem>> -> memref<1x1x64xf32, #tpu.memory_space<vmem>>
      %dma_start3A_195 = tpu.memref_squeeze %dma_start3A_194 : memref<1x1x64xf32, #tpu.memory_space<vmem>> -> memref<1x64xf32, #tpu.memory_space<vmem>>
      %dma_start3A_196 = arith.constant 0 : i32
      %dma_start3A_197 = tpu.memref_slice %arg3[%squeeze3A_187, %dma_start3A_196] : memref<1000000x64xf32, #tpu.memory_space<hbm>> -> memref<1x64xf32, #tpu.memory_space<hbm>>
      %dma_start3A_198 = arith.constant 0 : i32
      %dma_start3A_199 = tpu.memref_slice %arg8[%dma_start3A_192, %add3A_191, %dma_start3A_198] : memref<2x336x64xf32, #tpu.memory_space<vmem>> -> memref<1x1x64xf32, #tpu.memory_space<vmem>>
      %dma_start3A_200 = tpu.memref_squeeze %dma_start3A_199 : memref<1x1x64xf32, #tpu.memory_space<vmem>> -> memref<1x64xf32, #tpu.memory_space<vmem>>
      %dma_start3A_201 = arith.constant 0 : i32
      %dma_start3A_202 = tpu.memref_slice %arg3[%squeeze3A_187, %dma_start3A_201] : memref<1000000x64xf32, #tpu.memory_space<hbm>> -> memref<1x64xf32, #tpu.memory_space<hbm>>
      tpu.enqueue_dma source(%dma_start3A_202 : memref<1x64xf32, #tpu.memory_space<hbm>>) target(%dma_start3A_200 : memref<1x64xf32, #tpu.memory_space<vmem>>) target_semaphore(%arg12 : memref<!tpu.dma_semaphore, #tpu.memory_space<semaphore_mem>>)
      %slice3A_203 = vector.extract_strided_slice %get3A_85 {offsets = [7], sizes = [1], strides = [1]} : vector<16xi32> to vector<1xi32>
      %squeeze3A_204 = vector.extract %slice3A_203[0] : i32 from vector<1xi32>
      %mul3A_205 = arith.constant 16 : i32
      %mul3A_206 = arith.muli %scan3A_79, %mul3A_205 : i32
      %add3A_207 = arith.constant 7 : i32
      %add3A_208 = arith.addi %mul3A_206, %add3A_207 : i32
      %dma_start3A_209 = arith.constant 0 : i32
      %dma_start3A_210 = arith.constant 0 : i32
      %dma_start3A_211 = tpu.memref_slice %arg8[%dma_start3A_209, %add3A_208, %dma_start3A_210] : memref<2x336x64xf32, #tpu.memory_space<vmem>> -> memref<1x1x64xf32, #tpu.memory_space<vmem>>
      %dma_start3A_212 = tpu.memref_squeeze %dma_start3A_211 : memref<1x1x64xf32, #tpu.memory_space<vmem>> -> memref<1x64xf32, #tpu.memory_space<vmem>>
      %dma_start3A_213 = arith.constant 0 : i32
      %dma_start3A_214 = tpu.memref_slice %arg3[%squeeze3A_204, %dma_start3A_213] : memref<1000000x64xf32, #tpu.memory_space<hbm>> -> memref<1x64xf32, #tpu.memory_space<hbm>>
      %dma_start3A_215 = arith.constant 0 : i32
      %dma_start3A_216 = tpu.memref_slice %arg8[%dma_start3A_209, %add3A_208, %dma_start3A_215] : memref<2x336x64xf32, #tpu.memory_space<vmem>> -> memref<1x1x64xf32, #tpu.memory_space<vmem>>
      %dma_start3A_217 = tpu.memref_squeeze %dma_start3A_216 : memref<1x1x64xf32, #tpu.memory_space<vmem>> -> memref<1x64xf32, #tpu.memory_space<vmem>>
      %dma_start3A_218 = arith.constant 0 : i32
      %dma_start3A_219 = tpu.memref_slice %arg3[%squeeze3A_204, %dma_start3A_218] : memref<1000000x64xf32, #tpu.memory_space<hbm>> -> memref<1x64xf32, #tpu.memory_space<hbm>>
      tpu.enqueue_dma source(%dma_start3A_219 : memref<1x64xf32, #tpu.memory_space<hbm>>) target(%dma_start3A_217 : memref<1x64xf32, #tpu.memory_space<vmem>>) target_semaphore(%arg12 : memref<!tpu.dma_semaphore, #tpu.memory_space<semaphore_mem>>)
      %slice3A_220 = vector.extract_strided_slice %get3A_85 {offsets = [8], sizes = [1], strides = [1]} : vector<16xi32> to vector<1xi32>
      %squeeze3A_221 = vector.extract %slice3A_220[0] : i32 from vector<1xi32>
      %mul3A_222 = arith.constant 16 : i32
      %mul3A_223 = arith.muli %scan3A_79, %mul3A_222 : i32
      %add3A_224 = arith.constant 8 : i32
      %add3A_225 = arith.addi %mul3A_223, %add3A_224 : i32
      %dma_start3A_226 = arith.constant 0 : i32
      %dma_start3A_227 = arith.constant 0 : i32
      %dma_start3A_228 = tpu.memref_slice %arg8[%dma_start3A_226, %add3A_225, %dma_start3A_227] : memref<2x336x64xf32, #tpu.memory_space<vmem>> -> memref<1x1x64xf32, #tpu.memory_space<vmem>>
      %dma_start3A_229 = tpu.memref_squeeze %dma_start3A_228 : memref<1x1x64xf32, #tpu.memory_space<vmem>> -> memref<1x64xf32, #tpu.memory_space<vmem>>
      %dma_start3A_230 = arith.constant 0 : i32
      %dma_start3A_231 = tpu.memref_slice %arg3[%squeeze3A_221, %dma_start3A_230] : memref<1000000x64xf32, #tpu.memory_space<hbm>> -> memref<1x64xf32, #tpu.memory_space<hbm>>
      %dma_start3A_232 = arith.constant 0 : i32
      %dma_start3A_233 = tpu.memref_slice %arg8[%dma_start3A_226, %add3A_225, %dma_start3A_232] : memref<2x336x64xf32, #tpu.memory_space<vmem>> -> memref<1x1x64xf32, #tpu.memory_space<vmem>>
      %dma_start3A_234 = tpu.memref_squeeze %dma_start3A_233 : memref<1x1x64xf32, #tpu.memory_space<vmem>> -> memref<1x64xf32, #tpu.memory_space<vmem>>
      %dma_start3A_235 = arith.constant 0 : i32
      %dma_start3A_236 = tpu.memref_slice %arg3[%squeeze3A_221, %dma_start3A_235] : memref<1000000x64xf32, #tpu.memory_space<hbm>> -> memref<1x64xf32, #tpu.memory_space<hbm>>
      tpu.enqueue_dma source(%dma_start3A_236 : memref<1x64xf32, #tpu.memory_space<hbm>>) target(%dma_start3A_234 : memref<1x64xf32, #tpu.memory_space<vmem>>) target_semaphore(%arg12 : memref<!tpu.dma_semaphore, #tpu.memory_space<semaphore_mem>>)
      %slice3A_237 = vector.extract_strided_slice %get3A_85 {offsets = [9], sizes = [1], strides = [1]} : vector<16xi32> to vector<1xi32>
      %squeeze3A_238 = vector.extract %slice3A_237[0] : i32 from vector<1xi32>
      %mul3A_239 = arith.constant 16 : i32
      %mul3A_240 = arith.muli %scan3A_79, %mul3A_239 : i32
      %add3A_241 = arith.constant 9 : i32
      %add3A_242 = arith.addi %mul3A_240, %add3A_241 : i32
      %dma_start3A_243 = arith.constant 0 : i32
      %dma_start3A_244 = arith.constant 0 : i32
      %dma_start3A_245 = tpu.memref_slice %arg8[%dma_start3A_243, %add3A_242, %dma_start3A_244] : memref<2x336x64xf32, #tpu.memory_space<vmem>> -> memref<1x1x64xf32, #tpu.memory_space<vmem>>
      %dma_start3A_246 = tpu.memref_squeeze %dma_start3A_245 : memref<1x1x64xf32, #tpu.memory_space<vmem>> -> memref<1x64xf32, #tpu.memory_space<vmem>>
      %dma_start3A_247 = arith.constant 0 : i32
      %dma_start3A_248 = tpu.memref_slice %arg3[%squeeze3A_238, %dma_start3A_247] : memref<1000000x64xf32, #tpu.memory_space<hbm>> -> memref<1x64xf32, #tpu.memory_space<hbm>>
      %dma_start3A_249 = arith.constant 0 : i32
      %dma_start3A_250 = tpu.memref_slice %arg8[%dma_start3A_243, %add3A_242, %dma_start3A_249] : memref<2x336x64xf32, #tpu.memory_space<vmem>> -> memref<1x1x64xf32, #tpu.memory_space<vmem>>
      %dma_start3A_251 = tpu.memref_squeeze %dma_start3A_250 : memref<1x1x64xf32, #tpu.memory_space<vmem>> -> memref<1x64xf32, #tpu.memory_space<vmem>>
      %dma_start3A_252 = arith.constant 0 : i32
      %dma_start3A_253 = tpu.memref_slice %arg3[%squeeze3A_238, %dma_start3A_252] : memref<1000000x64xf32, #tpu.memory_space<hbm>> -> memref<1x64xf32, #tpu.memory_space<hbm>>
      tpu.enqueue_dma source(%dma_start3A_253 : memref<1x64xf32, #tpu.memory_space<hbm>>) target(%dma_start3A_251 : memref<1x64xf32, #tpu.memory_space<vmem>>) target_semaphore(%arg12 : memref<!tpu.dma_semaphore, #tpu.memory_space<semaphore_mem>>)
      %slice3A_254 = vector.extract_strided_slice %get3A_85 {offsets = [10], sizes = [1], strides = [1]} : vector<16xi32> to vector<1xi32>
      %squeeze3A_255 = vector.extract %slice3A_254[0] : i32 from vector<1xi32>
      %mul3A_256 = arith.constant 16 : i32
      %mul3A_257 = arith.muli %scan3A_79, %mul3A_256 : i32
      %add3A_258 = arith.constant 10 : i32
      %add3A_259 = arith.addi %mul3A_257, %add3A_258 : i32
      %dma_start3A_260 = arith.constant 0 : i32
      %dma_start3A_261 = arith.constant 0 : i32
      %dma_start3A_262 = tpu.memref_slice %arg8[%dma_start3A_260, %add3A_259, %dma_start3A_261] : memref<2x336x64xf32, #tpu.memory_space<vmem>> -> memref<1x1x64xf32, #tpu.memory_space<vmem>>
      %dma_start3A_263 = tpu.memref_squeeze %dma_start3A_262 : memref<1x1x64xf32, #tpu.memory_space<vmem>> -> memref<1x64xf32, #tpu.memory_space<vmem>>
      %dma_start3A_264 = arith.constant 0 : i32
      %dma_start3A_265 = tpu.memref_slice %arg3[%squeeze3A_255, %dma_start3A_264] : memref<1000000x64xf32, #tpu.memory_space<hbm>> -> memref<1x64xf32, #tpu.memory_space<hbm>>
      %dma_start3A_266 = arith.constant 0 : i32
      %dma_start3A_267 = tpu.memref_slice %arg8[%dma_start3A_260, %add3A_259, %dma_start3A_266] : memref<2x336x64xf32, #tpu.memory_space<vmem>> -> memref<1x1x64xf32, #tpu.memory_space<vmem>>
      %dma_start3A_268 = tpu.memref_squeeze %dma_start3A_267 : memref<1x1x64xf32, #tpu.memory_space<vmem>> -> memref<1x64xf32, #tpu.memory_space<vmem>>
      %dma_start3A_269 = arith.constant 0 : i32
      %dma_start3A_270 = tpu.memref_slice %arg3[%squeeze3A_255, %dma_start3A_269] : memref<1000000x64xf32, #tpu.memory_space<hbm>> -> memref<1x64xf32, #tpu.memory_space<hbm>>
      tpu.enqueue_dma source(%dma_start3A_270 : memref<1x64xf32, #tpu.memory_space<hbm>>) target(%dma_start3A_268 : memref<1x64xf32, #tpu.memory_space<vmem>>) target_semaphore(%arg12 : memref<!tpu.dma_semaphore, #tpu.memory_space<semaphore_mem>>)
      %slice3A_271 = vector.extract_strided_slice %get3A_85 {offsets = [11], sizes = [1], strides = [1]} : vector<16xi32> to vector<1xi32>
      %squeeze3A_272 = vector.extract %slice3A_271[0] : i32 from vector<1xi32>
      %mul3A_273 = arith.constant 16 : i32
      %mul3A_274 = arith.muli %scan3A_79, %mul3A_273 : i32
      %add3A_275 = arith.constant 11 : i32
      %add3A_276 = arith.addi %mul3A_274, %add3A_275 : i32
      %dma_start3A_277 = arith.constant 0 : i32
      %dma_start3A_278 = arith.constant 0 : i32
      %dma_start3A_279 = tpu.memref_slice %arg8[%dma_start3A_277, %add3A_276, %dma_start3A_278] : memref<2x336x64xf32, #tpu.memory_space<vmem>> -> memref<1x1x64xf32, #tpu.memory_space<vmem>>
      %dma_start3A_280 = tpu.memref_squeeze %dma_start3A_279 : memref<1x1x64xf32, #tpu.memory_space<vmem>> -> memref<1x64xf32, #tpu.memory_space<vmem>>
      %dma_start3A_281 = arith.constant 0 : i32
      %dma_start3A_282 = tpu.memref_slice %arg3[%squeeze3A_272, %dma_start3A_281] : memref<1000000x64xf32, #tpu.memory_space<hbm>> -> memref<1x64xf32, #tpu.memory_space<hbm>>
      %dma_start3A_283 = arith.constant 0 : i32
      %dma_start3A_284 = tpu.memref_slice %arg8[%dma_start3A_277, %add3A_276, %dma_start3A_283] : memref<2x336x64xf32, #tpu.memory_space<vmem>> -> memref<1x1x64xf32, #tpu.memory_space<vmem>>
      %dma_start3A_285 = tpu.memref_squeeze %dma_start3A_284 : memref<1x1x64xf32, #tpu.memory_space<vmem>> -> memref<1x64xf32, #tpu.memory_space<vmem>>
      %dma_start3A_286 = arith.constant 0 : i32
      %dma_start3A_287 = tpu.memref_slice %arg3[%squeeze3A_272, %dma_start3A_286] : memref<1000000x64xf32, #tpu.memory_space<hbm>> -> memref<1x64xf32, #tpu.memory_space<hbm>>
      tpu.enqueue_dma source(%dma_start3A_287 : memref<1x64xf32, #tpu.memory_space<hbm>>) target(%dma_start3A_285 : memref<1x64xf32, #tpu.memory_space<vmem>>) target_semaphore(%arg12 : memref<!tpu.dma_semaphore, #tpu.memory_space<semaphore_mem>>)
      %slice3A_288 = vector.extract_strided_slice %get3A_85 {offsets = [12], sizes = [1], strides = [1]} : vector<16xi32> to vector<1xi32>
      %squeeze3A_289 = vector.extract %slice3A_288[0] : i32 from vector<1xi32>
      %mul3A_290 = arith.constant 16 : i32
      %mul3A_291 = arith.muli %scan3A_79, %mul3A_290 : i32
      %add3A_292 = arith.constant 12 : i32
      %add3A_293 = arith.addi %mul3A_291, %add3A_292 : i32
      %dma_start3A_294 = arith.constant 0 : i32
      %dma_start3A_295 = arith.constant 0 : i32
      %dma_start3A_296 = tpu.memref_slice %arg8[%dma_start3A_294, %add3A_293, %dma_start3A_295] : memref<2x336x64xf32, #tpu.memory_space<vmem>> -> memref<1x1x64xf32, #tpu.memory_space<vmem>>
      %dma_start3A_297 = tpu.memref_squeeze %dma_start3A_296 : memref<1x1x64xf32, #tpu.memory_space<vmem>> -> memref<1x64xf32, #tpu.memory_space<vmem>>
      %dma_start3A_298 = arith.constant 0 : i32
      %dma_start3A_299 = tpu.memref_slice %arg3[%squeeze3A_289, %dma_start3A_298] : memref<1000000x64xf32, #tpu.memory_space<hbm>> -> memref<1x64xf32, #tpu.memory_space<hbm>>
      %dma_start3A_300 = arith.constant 0 : i32
      %dma_start3A_301 = tpu.memref_slice %arg8[%dma_start3A_294, %add3A_293, %dma_start3A_300] : memref<2x336x64xf32, #tpu.memory_space<vmem>> -> memref<1x1x64xf32, #tpu.memory_space<vmem>>
      %dma_start3A_302 = tpu.memref_squeeze %dma_start3A_301 : memref<1x1x64xf32, #tpu.memory_space<vmem>> -> memref<1x64xf32, #tpu.memory_space<vmem>>
      %dma_start3A_303 = arith.constant 0 : i32
      %dma_start3A_304 = tpu.memref_slice %arg3[%squeeze3A_289, %dma_start3A_303] : memref<1000000x64xf32, #tpu.memory_space<hbm>> -> memref<1x64xf32, #tpu.memory_space<hbm>>
      tpu.enqueue_dma source(%dma_start3A_304 : memref<1x64xf32, #tpu.memory_space<hbm>>) target(%dma_start3A_302 : memref<1x64xf32, #tpu.memory_space<vmem>>) target_semaphore(%arg12 : memref<!tpu.dma_semaphore, #tpu.memory_space<semaphore_mem>>)
      %slice3A_305 = vector.extract_strided_slice %get3A_85 {offsets = [13], sizes = [1], strides = [1]} : vector<16xi32> to vector<1xi32>
      %squeeze3A_306 = vector.extract %slice3A_305[0] : i32 from vector<1xi32>
      %mul3A_307 = arith.constant 16 : i32
      %mul3A_308 = arith.muli %scan3A_79, %mul3A_307 : i32
      %add3A_309 = arith.constant 13 : i32
      %add3A_310 = arith.addi %mul3A_308, %add3A_309 : i32
      %dma_start3A_311 = arith.constant 0 : i32
      %dma_start3A_312 = arith.constant 0 : i32
      %dma_start3A_313 = tpu.memref_slice %arg8[%dma_start3A_311, %add3A_310, %dma_start3A_312] : memref<2x336x64xf32, #tpu.memory_space<vmem>> -> memref<1x1x64xf32, #tpu.memory_space<vmem>>
      %dma_start3A_314 = tpu.memref_squeeze %dma_start3A_313 : memref<1x1x64xf32, #tpu.memory_space<vmem>> -> memref<1x64xf32, #tpu.memory_space<vmem>>
      %dma_start3A_315 = arith.constant 0 : i32
      %dma_start3A_316 = tpu.memref_slice %arg3[%squeeze3A_306, %dma_start3A_315] : memref<1000000x64xf32, #tpu.memory_space<hbm>> -> memref<1x64xf32, #tpu.memory_space<hbm>>
      %dma_start3A_317 = arith.constant 0 : i32
      %dma_start3A_318 = tpu.memref_slice %arg8[%dma_start3A_311, %add3A_310, %dma_start3A_317] : memref<2x336x64xf32, #tpu.memory_space<vmem>> -> memref<1x1x64xf32, #tpu.memory_space<vmem>>
      %dma_start3A_319 = tpu.memref_squeeze %dma_start3A_318 : memref<1x1x64xf32, #tpu.memory_space<vmem>> -> memref<1x64xf32, #tpu.memory_space<vmem>>
      %dma_start3A_320 = arith.constant 0 : i32
      %dma_start3A_321 = tpu.memref_slice %arg3[%squeeze3A_306, %dma_start3A_320] : memref<1000000x64xf32, #tpu.memory_space<hbm>> -> memref<1x64xf32, #tpu.memory_space<hbm>>
      tpu.enqueue_dma source(%dma_start3A_321 : memref<1x64xf32, #tpu.memory_space<hbm>>) target(%dma_start3A_319 : memref<1x64xf32, #tpu.memory_space<vmem>>) target_semaphore(%arg12 : memref<!tpu.dma_semaphore, #tpu.memory_space<semaphore_mem>>)
      %slice3A_322 = vector.extract_strided_slice %get3A_85 {offsets = [14], sizes = [1], strides = [1]} : vector<16xi32> to vector<1xi32>
      %squeeze3A_323 = vector.extract %slice3A_322[0] : i32 from vector<1xi32>
      %mul3A_324 = arith.constant 16 : i32
      %mul3A_325 = arith.muli %scan3A_79, %mul3A_324 : i32
      %add3A_326 = arith.constant 14 : i32
      %add3A_327 = arith.addi %mul3A_325, %add3A_326 : i32
      %dma_start3A_328 = arith.constant 0 : i32
      %dma_start3A_329 = arith.constant 0 : i32
      %dma_start3A_330 = tpu.memref_slice %arg8[%dma_start3A_328, %add3A_327, %dma_start3A_329] : memref<2x336x64xf32, #tpu.memory_space<vmem>> -> memref<1x1x64xf32, #tpu.memory_space<vmem>>
      %dma_start3A_331 = tpu.memref_squeeze %dma_start3A_330 : memref<1x1x64xf32, #tpu.memory_space<vmem>> -> memref<1x64xf32, #tpu.memory_space<vmem>>
      %dma_start3A_332 = arith.constant 0 : i32
      %dma_start3A_333 = tpu.memref_slice %arg3[%squeeze3A_323, %dma_start3A_332] : memref<1000000x64xf32, #tpu.memory_space<hbm>> -> memref<1x64xf32, #tpu.memory_space<hbm>>
      %dma_start3A_334 = arith.constant 0 : i32
      %dma_start3A_335 = tpu.memref_slice %arg8[%dma_start3A_328, %add3A_327, %dma_start3A_334] : memref<2x336x64xf32, #tpu.memory_space<vmem>> -> memref<1x1x64xf32, #tpu.memory_space<vmem>>
      %dma_start3A_336 = tpu.memref_squeeze %dma_start3A_335 : memref<1x1x64xf32, #tpu.memory_space<vmem>> -> memref<1x64xf32, #tpu.memory_space<vmem>>
      %dma_start3A_337 = arith.constant 0 : i32
      %dma_start3A_338 = tpu.memref_slice %arg3[%squeeze3A_323, %dma_start3A_337] : memref<1000000x64xf32, #tpu.memory_space<hbm>> -> memref<1x64xf32, #tpu.memory_space<hbm>>
      tpu.enqueue_dma source(%dma_start3A_338 : memref<1x64xf32, #tpu.memory_space<hbm>>) target(%dma_start3A_336 : memref<1x64xf32, #tpu.memory_space<vmem>>) target_semaphore(%arg12 : memref<!tpu.dma_semaphore, #tpu.memory_space<semaphore_mem>>)
      %slice3A_339 = vector.extract_strided_slice %get3A_85 {offsets = [15], sizes = [1], strides = [1]} : vector<16xi32> to vector<1xi32>
      %squeeze3A_340 = vector.extract %slice3A_339[0] : i32 from vector<1xi32>
      %mul3A_341 = arith.constant 16 : i32
      %mul3A_342 = arith.muli %scan3A_79, %mul3A_341 : i32
      %add3A_343 = arith.constant 15 : i32
      %add3A_344 = arith.addi %mul3A_342, %add3A_343 : i32
      %dma_start3A_345 = arith.constant 0 : i32
      %dma_start3A_346 = arith.constant 0 : i32
      %dma_start3A_347 = tpu.memref_slice %arg8[%dma_start3A_345, %add3A_344, %dma_start3A_346] : memref<2x336x64xf32, #tpu.memory_space<vmem>> -> memref<1x1x64xf32, #tpu.memory_space<vmem>>
      %dma_start3A_348 = tpu.memref_squeeze %dma_start3A_347 : memref<1x1x64xf32, #tpu.memory_space<vmem>> -> memref<1x64xf32, #tpu.memory_space<vmem>>
      %dma_start3A_349 = arith.constant 0 : i32
      %dma_start3A_350 = tpu.memref_slice %arg3[%squeeze3A_340, %dma_start3A_349] : memref<1000000x64xf32, #tpu.memory_space<hbm>> -> memref<1x64xf32, #tpu.memory_space<hbm>>
      %dma_start3A_351 = arith.constant 0 : i32
      %dma_start3A_352 = tpu.memref_slice %arg8[%dma_start3A_345, %add3A_344, %dma_start3A_351] : memref<2x336x64xf32, #tpu.memory_space<vmem>> -> memref<1x1x64xf32, #tpu.memory_space<vmem>>
      %dma_start3A_353 = tpu.memref_squeeze %dma_start3A_352 : memref<1x1x64xf32, #tpu.memory_space<vmem>> -> memref<1x64xf32, #tpu.memory_space<vmem>>
      %dma_start3A_354 = arith.constant 0 : i32
      %dma_start3A_355 = tpu.memref_slice %arg3[%squeeze3A_340, %dma_start3A_354] : memref<1000000x64xf32, #tpu.memory_space<hbm>> -> memref<1x64xf32, #tpu.memory_space<hbm>>
      tpu.enqueue_dma source(%dma_start3A_355 : memref<1x64xf32, #tpu.memory_space<hbm>>) target(%dma_start3A_353 : memref<1x64xf32, #tpu.memory_space<vmem>>) target_semaphore(%arg12 : memref<!tpu.dma_semaphore, #tpu.memory_space<semaphore_mem>>)
      %scan3A_356 = arith.constant 0 : i32
      scf.yield %scan3A_356 : i32
    }
    %scan3A_47 = arith.constant 21 : i32
    %add3A_48 = arith.constant 16 : i32
    %add3A_49 = arith.addi %mul3A_2, %add3A_48 : i32
    %dma_start3A_50 = arith.constant 336 : i32
    %dma_start3A_51 = tpu.memref_slice %arg7[%dma_start3A_50] : memref<672xi32, #tpu.memory_space<vmem>> -> memref<16xi32, #tpu.memory_space<vmem>>
    %dma_start3A_52 = tpu.memref_slice %arg4[%add3A_49] : memref<16384xi32, #tpu.memory_space<hbm>> -> memref<16xi32, #tpu.memory_space<hbm>>
    %dma_start3A_53 = arith.constant 336 : i32
    %dma_start3A_54 = tpu.memref_slice %arg7[%dma_start3A_53] : memref<672xi32, #tpu.memory_space<vmem>> -> memref<16xi32, #tpu.memory_space<vmem>>
    %dma_start3A_55 = tpu.memref_slice %arg4[%add3A_49] : memref<16384xi32, #tpu.memory_space<hbm>> -> memref<16xi32, #tpu.memory_space<hbm>>
    tpu.enqueue_dma source(%dma_start3A_55 : memref<16xi32, #tpu.memory_space<hbm>>) target(%dma_start3A_54 : memref<16xi32, #tpu.memory_space<vmem>>) target_semaphore(%arg11 : memref<!tpu.dma_semaphore, #tpu.memory_space<semaphore_mem>>)
    %mul3A_56 = arith.constant 20 : i32
    %mul3A_57 = arith.muli %add3A_49, %mul3A_56 : i32
    %dma_start3A_58 = arith.constant 352 : i32
    %dma_start3A_59 = tpu.memref_slice %arg7[%dma_start3A_58] : memref<672xi32, #tpu.memory_space<vmem>> -> memref<320xi32, #tpu.memory_space<vmem>>
    %dma_start3A_60 = tpu.memref_slice %arg5[%mul3A_57] : memref<327680xi32, #tpu.memory_space<hbm>> -> memref<320xi32, #tpu.memory_space<hbm>>
    %dma_start3A_61 = arith.constant 352 : i32
    %dma_start3A_62 = tpu.memref_slice %arg7[%dma_start3A_61] : memref<672xi32, #tpu.memory_space<vmem>> -> memref<320xi32, #tpu.memory_space<vmem>>
    %dma_start3A_63 = tpu.memref_slice %arg5[%mul3A_57] : memref<327680xi32, #tpu.memory_space<hbm>> -> memref<320xi32, #tpu.memory_space<hbm>>
    tpu.enqueue_dma source(%dma_start3A_63 : memref<320xi32, #tpu.memory_space<hbm>>) target(%dma_start3A_62 : memref<320xi32, #tpu.memory_space<vmem>>) target_semaphore(%arg11 : memref<!tpu.dma_semaphore, #tpu.memory_space<semaphore_mem>>)
    %scan3A_64 = arith.constant 0 : i32
    %scan3A_65 = arith.constant 0 : i32
    %scan3A_66 = arith.constant 32 : i32
    %scan3A_67 = arith.addi %scan3A_65, %scan3A_66 : i32
    %scan3A_68 = arith.constant 1 : i32
    %scan3A_69 = scf.for %scan3A_79 = %scan3A_65 to %scan3A_67 step %scan3A_68 iter_args(%scan3A_80 = %scan3A_64) -> (i32)  : i32 {
      %rem3A = arith.constant 2 : i32
      %rem3A_81 = arith.remsi %scan3A_79, %rem3A : i32
      %add3A_82 = arith.constant 1 : i32
      %add3A_83 = arith.addi %scan3A_79, %add3A_82 : i32
      %rem3A_84 = arith.constant 2 : i32
      %rem3A_85 = arith.remsi %add3A_83, %rem3A_84 : i32
      %dma_wait3A_86 = arith.constant 0 : i32
      %dma_wait3A_87 = arith.constant 0 : i32
      %dma_wait3A_88 = arith.constant 0 : i32
      %dma_wait3A_89 = tpu.memref_slice %arg9[%dma_wait3A_86, %dma_wait3A_87, %dma_wait3A_88] : memref<2x16x64xf32, #tpu.memory_space<vmem>> -> memref<1x16x64xf32, #tpu.memory_space<vmem>>
      %dma_wait3A_90 = tpu.memref_squeeze %dma_wait3A_89 : memref<1x16x64xf32, #tpu.memory_space<vmem>> -> memref<16x64xf32, #tpu.memory_space<vmem>>
      %dma_wait3A_91 = arith.constant 0 : i32
      %dma_wait3A_92 = arith.constant 0 : i32
      %dma_wait3A_93 = tpu.memref_slice %arg2[%dma_wait3A_91, %dma_wait3A_92] : memref<16384x64xf32, #tpu.memory_space<hbm>> -> memref<16x64xf32, #tpu.memory_space<hbm>>
      %dma_wait3A_94 = arith.constant 0 : i32
      %dma_wait3A_95 = arith.constant 0 : i32
      %dma_wait3A_96 = tpu.memref_slice %arg9[%dma_wait3A_86, %dma_wait3A_94, %dma_wait3A_95] : memref<2x16x64xf32, #tpu.memory_space<vmem>> -> memref<1x16x64xf32, #tpu.memory_space<vmem>>
      %dma_wait3A_97 = tpu.memref_squeeze %dma_wait3A_96 : memref<1x16x64xf32, #tpu.memory_space<vmem>> -> memref<16x64xf32, #tpu.memory_space<vmem>>
      %dma_wait3A_98 = arith.constant 0 : i32
      %dma_wait3A_99 = arith.constant 0 : i32
      %dma_wait3A_100 = tpu.memref_slice %arg2[%dma_wait3A_98, %dma_wait3A_99] : memref<16384x64xf32, #tpu.memory_space<hbm>> -> memref<16x64xf32, #tpu.memory_space<hbm>>
      tpu.wait_dma2 semaphore(%arg13 : memref<!tpu.dma_semaphore, #tpu.memory_space<semaphore_mem>>) src(%dma_wait3A_100 : memref<16x64xf32, #tpu.memory_space<hbm>>) dst(%dma_wait3A_97 : memref<16x64xf32, #tpu.memory_space<vmem>>)
      %dma_wait3A_101 = arith.constant 0 : i32
      %dma_wait3A_102 = arith.constant 0 : i32
      %dma_wait3A_103 = arith.constant 0 : i32
      %dma_wait3A_104 = tpu.memref_slice %arg8[%dma_wait3A_101, %dma_wait3A_102, %dma_wait3A_103] : memref<2x336x64xf32, #tpu.memory_space<vmem>> -> memref<1x336x64xf32, #tpu.memory_space<vmem>>
      %dma_wait3A_105 = tpu.memref_squeeze %dma_wait3A_104 : memref<1x336x64xf32, #tpu.memory_space<vmem>> -> memref<336x64xf32, #tpu.memory_space<vmem>>
      %dma_wait3A_106 = arith.constant 0 : i32
      %dma_wait3A_107 = arith.constant 0 : i32
      %dma_wait3A_108 = tpu.memref_slice %arg3[%dma_wait3A_106, %dma_wait3A_107] : memref<1000000x64xf32, #tpu.memory_space<hbm>> -> memref<336x64xf32, #tpu.memory_space<hbm>>
      %dma_wait3A_109 = arith.constant 0 : i32
      %dma_wait3A_110 = arith.constant 0 : i32
      %dma_wait3A_111 = tpu.memref_slice %arg8[%dma_wait3A_101, %dma_wait3A_109, %dma_wait3A_110] : memref<2x336x64xf32, #tpu.memory_space<vmem>> -> memref<1x336x64xf32, #tpu.memory_space<vmem>>
      %dma_wait3A_112 = tpu.memref_squeeze %dma_wait3A_111 : memref<1x336x64xf32, #tpu.memory_space<vmem>> -> memref<336x64xf32, #tpu.memory_space<vmem>>
      %dma_wait3A_113 = arith.constant 0 : i32
      %dma_wait3A_114 = arith.constant 0 : i32
      %dma_wait3A_115 = tpu.memref_slice %arg3[%dma_wait3A_113, %dma_wait3A_114] : memref<1000000x64xf32, #tpu.memory_space<hbm>> -> memref<336x64xf32, #tpu.memory_space<hbm>>
      tpu.wait_dma2 semaphore(%arg12 : memref<!tpu.dma_semaphore, #tpu.memory_space<semaphore_mem>>) src(%dma_wait3A_115 : memref<336x64xf32, #tpu.memory_space<hbm>>) dst(%dma_wait3A_112 : memref<336x64xf32, #tpu.memory_space<vmem>>)
      %add3A_116 = arith.constant 1 : i32
      %add3A_117 = arith.addi %scan3A_79, %add3A_116 : i32
      %lt3A = arith.constant 32 : i32
      %lt3A_118 = arith.cmpi slt, %add3A_117, %lt3A : i32
      %convert_element_type3A = arith.extui %lt3A_118 : i1 to i32
      %cond3A = arith.constant 0 : i32
      %cond3A_119 = arith.cmpi ne, %convert_element_type3A, %cond3A : i32
      scf.if %cond3A_119 {
        %dma_wait3A_135 = arith.constant 0 : i32
        %dma_wait3A_136 = tpu.memref_slice %arg7[%dma_wait3A_135] : memref<672xi32, #tpu.memory_space<vmem>> -> memref<336xi32, #tpu.memory_space<vmem>>
        %dma_wait3A_137 = arith.constant 0 : i32
        %dma_wait3A_138 = tpu.memref_slice %arg4[%dma_wait3A_137] : memref<16384xi32, #tpu.memory_space<hbm>> -> memref<336xi32, #tpu.memory_space<hbm>>
        %dma_wait3A_139 = arith.constant 0 : i32
        %dma_wait3A_140 = tpu.memref_slice %arg7[%dma_wait3A_139] : memref<672xi32, #tpu.memory_space<vmem>> -> memref<336xi32, #tpu.memory_space<vmem>>
        %dma_wait3A_141 = arith.constant 0 : i32
        %dma_wait3A_142 = tpu.memref_slice %arg4[%dma_wait3A_141] : memref<16384xi32, #tpu.memory_space<hbm>> -> memref<336xi32, #tpu.memory_space<hbm>>
        tpu.wait_dma2 semaphore(%arg11 : memref<!tpu.dma_semaphore, #tpu.memory_space<semaphore_mem>>) src(%dma_wait3A_142 : memref<336xi32, #tpu.memory_space<hbm>>) dst(%dma_wait3A_140 : memref<336xi32, #tpu.memory_space<vmem>>)
        %add3A_143 = arith.constant 1 : i32
        %add3A_144 = arith.addi %scan3A_79, %add3A_143 : i32
        %mul3A_145 = arith.constant 16 : i32
        %mul3A_146 = arith.muli %add3A_144, %mul3A_145 : i32
        %add3A_147 = arith.addi %mul3A_2, %mul3A_146 : i32
        %dma_start3A_148 = arith.constant 0 : i32
        %dma_start3A_149 = arith.constant 0 : i32
        %dma_start3A_150 = tpu.memref_slice %arg9[%rem3A_85, %dma_start3A_148, %dma_start3A_149] : memref<2x16x64xf32, #tpu.memory_space<vmem>> -> memref<1x16x64xf32, #tpu.memory_space<vmem>>
        %dma_start3A_151 = tpu.memref_squeeze %dma_start3A_150 : memref<1x16x64xf32, #tpu.memory_space<vmem>> -> memref<16x64xf32, #tpu.memory_space<vmem>>
        %dma_start3A_152 = arith.constant 0 : i32
        %dma_start3A_153 = tpu.memref_slice %arg2[%add3A_147, %dma_start3A_152] : memref<16384x64xf32, #tpu.memory_space<hbm>> -> memref<16x64xf32, #tpu.memory_space<hbm>>
        %dma_start3A_154 = arith.constant 0 : i32
        %dma_start3A_155 = arith.constant 0 : i32
        %dma_start3A_156 = tpu.memref_slice %arg9[%rem3A_85, %dma_start3A_154, %dma_start3A_155] : memref<2x16x64xf32, #tpu.memory_space<vmem>> -> memref<1x16x64xf32, #tpu.memory_space<vmem>>
        %dma_start3A_157 = tpu.memref_squeeze %dma_start3A_156 : memref<1x16x64xf32, #tpu.memory_space<vmem>> -> memref<16x64xf32, #tpu.memory_space<vmem>>
        %dma_start3A_158 = arith.constant 0 : i32
        %dma_start3A_159 = tpu.memref_slice %arg2[%add3A_147, %dma_start3A_158] : memref<16384x64xf32, #tpu.memory_space<hbm>> -> memref<16x64xf32, #tpu.memory_space<hbm>>
        tpu.enqueue_dma source(%dma_start3A_159 : memref<16x64xf32, #tpu.memory_space<hbm>>) target(%dma_start3A_157 : memref<16x64xf32, #tpu.memory_space<vmem>>) target_semaphore(%arg13 : memref<!tpu.dma_semaphore, #tpu.memory_space<semaphore_mem>>)
        %scan3A_160 = arith.constant 0 : i32
        %scan3A_161 = arith.constant 0 : i32
        %scan3A_162 = arith.constant 21 : i32
        %scan3A_163 = arith.addi %scan3A_161, %scan3A_162 : i32
        %scan3A_164 = arith.constant 1 : i32
        %scan3A_165 = scf.for %scan3A_167 = %scan3A_161 to %scan3A_163 step %scan3A_164 iter_args(%scan3A_168 = %scan3A_160) -> (i32)  : i32 {
          %mul3A_169 = arith.constant 336 : i32
          %mul3A_170 = arith.muli %rem3A_85, %mul3A_169 : i32
          %mul3A_171 = arith.constant 16 : i32
          %mul3A_172 = arith.muli %scan3A_167, %mul3A_171 : i32
          %add3A_173 = arith.addi %mul3A_170, %mul3A_172 : i32
          %get3A = arith.index_cast %add3A_173 : i32 to index
          %get3A_174 = tpu.vector_load %arg7[%get3A] {strides = array<i32>} : memref<672xi32, #tpu.memory_space<vmem>>, vector<16xi32>,
          %slice3A = vector.extract_strided_slice %get3A_174 {offsets = [0], sizes = [1], strides = [1]} : vector<16xi32> to vector<1xi32>
          %squeeze3A = vector.extract %slice3A[0] : i32 from vector<1xi32>
          %mul3A_175 = arith.constant 16 : i32
          %mul3A_176 = arith.muli %scan3A_167, %mul3A_175 : i32
          %add3A_177 = arith.constant 0 : i32
          %add3A_178 = arith.addi %mul3A_176, %add3A_177 : i32
          %dma_start3A_179 = arith.constant 0 : i32
          %dma_start3A_180 = tpu.memref_slice %arg8[%rem3A_85, %add3A_178, %dma_start3A_179] : memref<2x336x64xf32, #tpu.memory_space<vmem>> -> memref<1x1x64xf32, #tpu.memory_space<vmem>>
          %dma_start3A_181 = tpu.memref_squeeze %dma_start3A_180 : memref<1x1x64xf32, #tpu.memory_space<vmem>> -> memref<1x64xf32, #tpu.memory_space<vmem>>
          %dma_start3A_182 = arith.constant 0 : i32
          %dma_start3A_183 = tpu.memref_slice %arg3[%squeeze3A, %dma_start3A_182] : memref<1000000x64xf32, #tpu.memory_space<hbm>> -> memref<1x64xf32, #tpu.memory_space<hbm>>
          %dma_start3A_184 = arith.constant 0 : i32
          %dma_start3A_185 = tpu.memref_slice %arg8[%rem3A_85, %add3A_178, %dma_start3A_184] : memref<2x336x64xf32, #tpu.memory_space<vmem>> -> memref<1x1x64xf32, #tpu.memory_space<vmem>>
          %dma_start3A_186 = tpu.memref_squeeze %dma_start3A_185 : memref<1x1x64xf32, #tpu.memory_space<vmem>> -> memref<1x64xf32, #tpu.memory_space<vmem>>
          %dma_start3A_187 = arith.constant 0 : i32
          %dma_start3A_188 = tpu.memref_slice %arg3[%squeeze3A, %dma_start3A_187] : memref<1000000x64xf32, #tpu.memory_space<hbm>> -> memref<1x64xf32, #tpu.memory_space<hbm>>
          tpu.enqueue_dma source(%dma_start3A_188 : memref<1x64xf32, #tpu.memory_space<hbm>>) target(%dma_start3A_186 : memref<1x64xf32, #tpu.memory_space<vmem>>) target_semaphore(%arg12 : memref<!tpu.dma_semaphore, #tpu.memory_space<semaphore_mem>>)
          %slice3A_189 = vector.extract_strided_slice %get3A_174 {offsets = [1], sizes = [1], strides = [1]} : vector<16xi32> to vector<1xi32>
          %squeeze3A_190 = vector.extract %slice3A_189[0] : i32 from vector<1xi32>
          %mul3A_191 = arith.constant 16 : i32
          %mul3A_192 = arith.muli %scan3A_167, %mul3A_191 : i32
          %add3A_193 = arith.constant 1 : i32
          %add3A_194 = arith.addi %mul3A_192, %add3A_193 : i32
          %dma_start3A_195 = arith.constant 0 : i32
          %dma_start3A_196 = tpu.memref_slice %arg8[%rem3A_85, %add3A_194, %dma_start3A_195] : memref<2x336x64xf32, #tpu.memory_space<vmem>> -> memref<1x1x64xf32, #tpu.memory_space<vmem>>
          %dma_start3A_197 = tpu.memref_squeeze %dma_start3A_196 : memref<1x1x64xf32, #tpu.memory_space<vmem>> -> memref<1x64xf32, #tpu.memory_space<vmem>>
          %dma_start3A_198 = arith.constant 0 : i32
          %dma_start3A_199 = tpu.memref_slice %arg3[%squeeze3A_190, %dma_start3A_198] : memref<1000000x64xf32, #tpu.memory_space<hbm>> -> memref<1x64xf32, #tpu.memory_space<hbm>>
          %dma_start3A_200 = arith.constant 0 : i32
          %dma_start3A_201 = tpu.memref_slice %arg8[%rem3A_85, %add3A_194, %dma_start3A_200] : memref<2x336x64xf32, #tpu.memory_space<vmem>> -> memref<1x1x64xf32, #tpu.memory_space<vmem>>
          %dma_start3A_202 = tpu.memref_squeeze %dma_start3A_201 : memref<1x1x64xf32, #tpu.memory_space<vmem>> -> memref<1x64xf32, #tpu.memory_space<vmem>>
          %dma_start3A_203 = arith.constant 0 : i32
          %dma_start3A_204 = tpu.memref_slice %arg3[%squeeze3A_190, %dma_start3A_203] : memref<1000000x64xf32, #tpu.memory_space<hbm>> -> memref<1x64xf32, #tpu.memory_space<hbm>>
          tpu.enqueue_dma source(%dma_start3A_204 : memref<1x64xf32, #tpu.memory_space<hbm>>) target(%dma_start3A_202 : memref<1x64xf32, #tpu.memory_space<vmem>>) target_semaphore(%arg12 : memref<!tpu.dma_semaphore, #tpu.memory_space<semaphore_mem>>)
          %slice3A_205 = vector.extract_strided_slice %get3A_174 {offsets = [2], sizes = [1], strides = [1]} : vector<16xi32> to vector<1xi32>
          %squeeze3A_206 = vector.extract %slice3A_205[0] : i32 from vector<1xi32>
          %mul3A_207 = arith.constant 16 : i32
          %mul3A_208 = arith.muli %scan3A_167, %mul3A_207 : i32
          %add3A_209 = arith.constant 2 : i32
          %add3A_210 = arith.addi %mul3A_208, %add3A_209 : i32
          %dma_start3A_211 = arith.constant 0 : i32
          %dma_start3A_212 = tpu.memref_slice %arg8[%rem3A_85, %add3A_210, %dma_start3A_211] : memref<2x336x64xf32, #tpu.memory_space<vmem>> -> memref<1x1x64xf32, #tpu.memory_space<vmem>>
          %dma_start3A_213 = tpu.memref_squeeze %dma_start3A_212 : memref<1x1x64xf32, #tpu.memory_space<vmem>> -> memref<1x64xf32, #tpu.memory_space<vmem>>
          %dma_start3A_214 = arith.constant 0 : i32
          %dma_start3A_215 = tpu.memref_slice %arg3[%squeeze3A_206, %dma_start3A_214] : memref<1000000x64xf32, #tpu.memory_space<hbm>> -> memref<1x64xf32, #tpu.memory_space<hbm>>
          %dma_start3A_216 = arith.constant 0 : i32
          %dma_start3A_217 = tpu.memref_slice %arg8[%rem3A_85, %add3A_210, %dma_start3A_216] : memref<2x336x64xf32, #tpu.memory_space<vmem>> -> memref<1x1x64xf32, #tpu.memory_space<vmem>>
          %dma_start3A_218 = tpu.memref_squeeze %dma_start3A_217 : memref<1x1x64xf32, #tpu.memory_space<vmem>> -> memref<1x64xf32, #tpu.memory_space<vmem>>
          %dma_start3A_219 = arith.constant 0 : i32
          %dma_start3A_220 = tpu.memref_slice %arg3[%squeeze3A_206, %dma_start3A_219] : memref<1000000x64xf32, #tpu.memory_space<hbm>> -> memref<1x64xf32, #tpu.memory_space<hbm>>
          tpu.enqueue_dma source(%dma_start3A_220 : memref<1x64xf32, #tpu.memory_space<hbm>>) target(%dma_start3A_218 : memref<1x64xf32, #tpu.memory_space<vmem>>) target_semaphore(%arg12 : memref<!tpu.dma_semaphore, #tpu.memory_space<semaphore_mem>>)
          %slice3A_221 = vector.extract_strided_slice %get3A_174 {offsets = [3], sizes = [1], strides = [1]} : vector<16xi32> to vector<1xi32>
          %squeeze3A_222 = vector.extract %slice3A_221[0] : i32 from vector<1xi32>
          %mul3A_223 = arith.constant 16 : i32
          %mul3A_224 = arith.muli %scan3A_167, %mul3A_223 : i32
          %add3A_225 = arith.constant 3 : i32
          %add3A_226 = arith.addi %mul3A_224, %add3A_225 : i32
          %dma_start3A_227 = arith.constant 0 : i32
          %dma_start3A_228 = tpu.memref_slice %arg8[%rem3A_85, %add3A_226, %dma_start3A_227] : memref<2x336x64xf32, #tpu.memory_space<vmem>> -> memref<1x1x64xf32, #tpu.memory_space<vmem>>
          %dma_start3A_229 = tpu.memref_squeeze %dma_start3A_228 : memref<1x1x64xf32, #tpu.memory_space<vmem>> -> memref<1x64xf32, #tpu.memory_space<vmem>>
          %dma_start3A_230 = arith.constant 0 : i32
          %dma_start3A_231 = tpu.memref_slice %arg3[%squeeze3A_222, %dma_start3A_230] : memref<1000000x64xf32, #tpu.memory_space<hbm>> -> memref<1x64xf32, #tpu.memory_space<hbm>>
          %dma_start3A_232 = arith.constant 0 : i32
          %dma_start3A_233 = tpu.memref_slice %arg8[%rem3A_85, %add3A_226, %dma_start3A_232] : memref<2x336x64xf32, #tpu.memory_space<vmem>> -> memref<1x1x64xf32, #tpu.memory_space<vmem>>
          %dma_start3A_234 = tpu.memref_squeeze %dma_start3A_233 : memref<1x1x64xf32, #tpu.memory_space<vmem>> -> memref<1x64xf32, #tpu.memory_space<vmem>>
          %dma_start3A_235 = arith.constant 0 : i32
          %dma_start3A_236 = tpu.memref_slice %arg3[%squeeze3A_222, %dma_start3A_235] : memref<1000000x64xf32, #tpu.memory_space<hbm>> -> memref<1x64xf32, #tpu.memory_space<hbm>>
          tpu.enqueue_dma source(%dma_start3A_236 : memref<1x64xf32, #tpu.memory_space<hbm>>) target(%dma_start3A_234 : memref<1x64xf32, #tpu.memory_space<vmem>>) target_semaphore(%arg12 : memref<!tpu.dma_semaphore, #tpu.memory_space<semaphore_mem>>)
          %slice3A_237 = vector.extract_strided_slice %get3A_174 {offsets = [4], sizes = [1], strides = [1]} : vector<16xi32> to vector<1xi32>
          %squeeze3A_238 = vector.extract %slice3A_237[0] : i32 from vector<1xi32>
          %mul3A_239 = arith.constant 16 : i32
          %mul3A_240 = arith.muli %scan3A_167, %mul3A_239 : i32
          %add3A_241 = arith.constant 4 : i32
          %add3A_242 = arith.addi %mul3A_240, %add3A_241 : i32
          %dma_start3A_243 = arith.constant 0 : i32
          %dma_start3A_244 = tpu.memref_slice %arg8[%rem3A_85, %add3A_242, %dma_start3A_243] : memref<2x336x64xf32, #tpu.memory_space<vmem>> -> memref<1x1x64xf32, #tpu.memory_space<vmem>>
          %dma_start3A_245 = tpu.memref_squeeze %dma_start3A_244 : memref<1x1x64xf32, #tpu.memory_space<vmem>> -> memref<1x64xf32, #tpu.memory_space<vmem>>
          %dma_start3A_246 = arith.constant 0 : i32
          %dma_start3A_247 = tpu.memref_slice %arg3[%squeeze3A_238, %dma_start3A_246] : memref<1000000x64xf32, #tpu.memory_space<hbm>> -> memref<1x64xf32, #tpu.memory_space<hbm>>
          %dma_start3A_248 = arith.constant 0 : i32
          %dma_start3A_249 = tpu.memref_slice %arg8[%rem3A_85, %add3A_242, %dma_start3A_248] : memref<2x336x64xf32, #tpu.memory_space<vmem>> -> memref<1x1x64xf32, #tpu.memory_space<vmem>>
          %dma_start3A_250 = tpu.memref_squeeze %dma_start3A_249 : memref<1x1x64xf32, #tpu.memory_space<vmem>> -> memref<1x64xf32, #tpu.memory_space<vmem>>
          %dma_start3A_251 = arith.constant 0 : i32
          %dma_start3A_252 = tpu.memref_slice %arg3[%squeeze3A_238, %dma_start3A_251] : memref<1000000x64xf32, #tpu.memory_space<hbm>> -> memref<1x64xf32, #tpu.memory_space<hbm>>
          tpu.enqueue_dma source(%dma_start3A_252 : memref<1x64xf32, #tpu.memory_space<hbm>>) target(%dma_start3A_250 : memref<1x64xf32, #tpu.memory_space<vmem>>) target_semaphore(%arg12 : memref<!tpu.dma_semaphore, #tpu.memory_space<semaphore_mem>>)
          %slice3A_253 = vector.extract_strided_slice %get3A_174 {offsets = [5], sizes = [1], strides = [1]} : vector<16xi32> to vector<1xi32>
          %squeeze3A_254 = vector.extract %slice3A_253[0] : i32 from vector<1xi32>
          %mul3A_255 = arith.constant 16 : i32
          %mul3A_256 = arith.muli %scan3A_167, %mul3A_255 : i32
          %add3A_257 = arith.constant 5 : i32
          %add3A_258 = arith.addi %mul3A_256, %add3A_257 : i32
          %dma_start3A_259 = arith.constant 0 : i32
          %dma_start3A_260 = tpu.memref_slice %arg8[%rem3A_85, %add3A_258, %dma_start3A_259] : memref<2x336x64xf32, #tpu.memory_space<vmem>> -> memref<1x1x64xf32, #tpu.memory_space<vmem>>
          %dma_start3A_261 = tpu.memref_squeeze %dma_start3A_260 : memref<1x1x64xf32, #tpu.memory_space<vmem>> -> memref<1x64xf32, #tpu.memory_space<vmem>>
          %dma_start3A_262 = arith.constant 0 : i32
          %dma_start3A_263 = tpu.memref_slice %arg3[%squeeze3A_254, %dma_start3A_262] : memref<1000000x64xf32, #tpu.memory_space<hbm>> -> memref<1x64xf32, #tpu.memory_space<hbm>>
          %dma_start3A_264 = arith.constant 0 : i32
          %dma_start3A_265 = tpu.memref_slice %arg8[%rem3A_85, %add3A_258, %dma_start3A_264] : memref<2x336x64xf32, #tpu.memory_space<vmem>> -> memref<1x1x64xf32, #tpu.memory_space<vmem>>
          %dma_start3A_266 = tpu.memref_squeeze %dma_start3A_265 : memref<1x1x64xf32, #tpu.memory_space<vmem>> -> memref<1x64xf32, #tpu.memory_space<vmem>>
          %dma_start3A_267 = arith.constant 0 : i32
          %dma_start3A_268 = tpu.memref_slice %arg3[%squeeze3A_254, %dma_start3A_267] : memref<1000000x64xf32, #tpu.memory_space<hbm>> -> memref<1x64xf32, #tpu.memory_space<hbm>>
          tpu.enqueue_dma source(%dma_start3A_268 : memref<1x64xf32, #tpu.memory_space<hbm>>) target(%dma_start3A_266 : memref<1x64xf32, #tpu.memory_space<vmem>>) target_semaphore(%arg12 : memref<!tpu.dma_semaphore, #tpu.memory_space<semaphore_mem>>)
          %slice3A_269 = vector.extract_strided_slice %get3A_174 {offsets = [6], sizes = [1], strides = [1]} : vector<16xi32> to vector<1xi32>
          %squeeze3A_270 = vector.extract %slice3A_269[0] : i32 from vector<1xi32>
          %mul3A_271 = arith.constant 16 : i32
          %mul3A_272 = arith.muli %scan3A_167, %mul3A_271 : i32
          %add3A_273 = arith.constant 6 : i32
          %add3A_274 = arith.addi %mul3A_272, %add3A_273 : i32
          %dma_start3A_275 = arith.constant 0 : i32
          %dma_start3A_276 = tpu.memref_slice %arg8[%rem3A_85, %add3A_274, %dma_start3A_275] : memref<2x336x64xf32, #tpu.memory_space<vmem>> -> memref<1x1x64xf32, #tpu.memory_space<vmem>>
          %dma_start3A_277 = tpu.memref_squeeze %dma_start3A_276 : memref<1x1x64xf32, #tpu.memory_space<vmem>> -> memref<1x64xf32, #tpu.memory_space<vmem>>
          %dma_start3A_278 = arith.constant 0 : i32
          %dma_start3A_279 = tpu.memref_slice %arg3[%squeeze3A_270, %dma_start3A_278] : memref<1000000x64xf32, #tpu.memory_space<hbm>> -> memref<1x64xf32, #tpu.memory_space<hbm>>
          %dma_start3A_280 = arith.constant 0 : i32
          %dma_start3A_281 = tpu.memref_slice %arg8[%rem3A_85, %add3A_274, %dma_start3A_280] : memref<2x336x64xf32, #tpu.memory_space<vmem>> -> memref<1x1x64xf32, #tpu.memory_space<vmem>>
          %dma_start3A_282 = tpu.memref_squeeze %dma_start3A_281 : memref<1x1x64xf32, #tpu.memory_space<vmem>> -> memref<1x64xf32, #tpu.memory_space<vmem>>
          %dma_start3A_283 = arith.constant 0 : i32
          %dma_start3A_284 = tpu.memref_slice %arg3[%squeeze3A_270, %dma_start3A_283] : memref<1000000x64xf32, #tpu.memory_space<hbm>> -> memref<1x64xf32, #tpu.memory_space<hbm>>
          tpu.enqueue_dma source(%dma_start3A_284 : memref<1x64xf32, #tpu.memory_space<hbm>>) target(%dma_start3A_282 : memref<1x64xf32, #tpu.memory_space<vmem>>) target_semaphore(%arg12 : memref<!tpu.dma_semaphore, #tpu.memory_space<semaphore_mem>>)
          %slice3A_285 = vector.extract_strided_slice %get3A_174 {offsets = [7], sizes = [1], strides = [1]} : vector<16xi32> to vector<1xi32>
          %squeeze3A_286 = vector.extract %slice3A_285[0] : i32 from vector<1xi32>
          %mul3A_287 = arith.constant 16 : i32
          %mul3A_288 = arith.muli %scan3A_167, %mul3A_287 : i32
          %add3A_289 = arith.constant 7 : i32
          %add3A_290 = arith.addi %mul3A_288, %add3A_289 : i32
          %dma_start3A_291 = arith.constant 0 : i32
          %dma_start3A_292 = tpu.memref_slice %arg8[%rem3A_85, %add3A_290, %dma_start3A_291] : memref<2x336x64xf32, #tpu.memory_space<vmem>> -> memref<1x1x64xf32, #tpu.memory_space<vmem>>
          %dma_start3A_293 = tpu.memref_squeeze %dma_start3A_292 : memref<1x1x64xf32, #tpu.memory_space<vmem>> -> memref<1x64xf32, #tpu.memory_space<vmem>>
          %dma_start3A_294 = arith.constant 0 : i32
          %dma_start3A_295 = tpu.memref_slice %arg3[%squeeze3A_286, %dma_start3A_294] : memref<1000000x64xf32, #tpu.memory_space<hbm>> -> memref<1x64xf32, #tpu.memory_space<hbm>>
          %dma_start3A_296 = arith.constant 0 : i32
          %dma_start3A_297 = tpu.memref_slice %arg8[%rem3A_85, %add3A_290, %dma_start3A_296] : memref<2x336x64xf32, #tpu.memory_space<vmem>> -> memref<1x1x64xf32, #tpu.memory_space<vmem>>
          %dma_start3A_298 = tpu.memref_squeeze %dma_start3A_297 : memref<1x1x64xf32, #tpu.memory_space<vmem>> -> memref<1x64xf32, #tpu.memory_space<vmem>>
          %dma_start3A_299 = arith.constant 0 : i32
          %dma_start3A_300 = tpu.memref_slice %arg3[%squeeze3A_286, %dma_start3A_299] : memref<1000000x64xf32, #tpu.memory_space<hbm>> -> memref<1x64xf32, #tpu.memory_space<hbm>>
          tpu.enqueue_dma source(%dma_start3A_300 : memref<1x64xf32, #tpu.memory_space<hbm>>) target(%dma_start3A_298 : memref<1x64xf32, #tpu.memory_space<vmem>>) target_semaphore(%arg12 : memref<!tpu.dma_semaphore, #tpu.memory_space<semaphore_mem>>)
          %slice3A_301 = vector.extract_strided_slice %get3A_174 {offsets = [8], sizes = [1], strides = [1]} : vector<16xi32> to vector<1xi32>
          %squeeze3A_302 = vector.extract %slice3A_301[0] : i32 from vector<1xi32>
          %mul3A_303 = arith.constant 16 : i32
          %mul3A_304 = arith.muli %scan3A_167, %mul3A_303 : i32
          %add3A_305 = arith.constant 8 : i32
          %add3A_306 = arith.addi %mul3A_304, %add3A_305 : i32
          %dma_start3A_307 = arith.constant 0 : i32
          %dma_start3A_308 = tpu.memref_slice %arg8[%rem3A_85, %add3A_306, %dma_start3A_307] : memref<2x336x64xf32, #tpu.memory_space<vmem>> -> memref<1x1x64xf32, #tpu.memory_space<vmem>>
          %dma_start3A_309 = tpu.memref_squeeze %dma_start3A_308 : memref<1x1x64xf32, #tpu.memory_space<vmem>> -> memref<1x64xf32, #tpu.memory_space<vmem>>
          %dma_start3A_310 = arith.constant 0 : i32
          %dma_start3A_311 = tpu.memref_slice %arg3[%squeeze3A_302, %dma_start3A_310] : memref<1000000x64xf32, #tpu.memory_space<hbm>> -> memref<1x64xf32, #tpu.memory_space<hbm>>
          %dma_start3A_312 = arith.constant 0 : i32
          %dma_start3A_313 = tpu.memref_slice %arg8[%rem3A_85, %add3A_306, %dma_start3A_312] : memref<2x336x64xf32, #tpu.memory_space<vmem>> -> memref<1x1x64xf32, #tpu.memory_space<vmem>>
          %dma_start3A_314 = tpu.memref_squeeze %dma_start3A_313 : memref<1x1x64xf32, #tpu.memory_space<vmem>> -> memref<1x64xf32, #tpu.memory_space<vmem>>
          %dma_start3A_315 = arith.constant 0 : i32
          %dma_start3A_316 = tpu.memref_slice %arg3[%squeeze3A_302, %dma_start3A_315] : memref<1000000x64xf32, #tpu.memory_space<hbm>> -> memref<1x64xf32, #tpu.memory_space<hbm>>
          tpu.enqueue_dma source(%dma_start3A_316 : memref<1x64xf32, #tpu.memory_space<hbm>>) target(%dma_start3A_314 : memref<1x64xf32, #tpu.memory_space<vmem>>) target_semaphore(%arg12 : memref<!tpu.dma_semaphore, #tpu.memory_space<semaphore_mem>>)
          %slice3A_317 = vector.extract_strided_slice %get3A_174 {offsets = [9], sizes = [1], strides = [1]} : vector<16xi32> to vector<1xi32>
          %squeeze3A_318 = vector.extract %slice3A_317[0] : i32 from vector<1xi32>
          %mul3A_319 = arith.constant 16 : i32
          %mul3A_320 = arith.muli %scan3A_167, %mul3A_319 : i32
          %add3A_321 = arith.constant 9 : i32
          %add3A_322 = arith.addi %mul3A_320, %add3A_321 : i32
          %dma_start3A_323 = arith.constant 0 : i32
          %dma_start3A_324 = tpu.memref_slice %arg8[%rem3A_85, %add3A_322, %dma_start3A_323] : memref<2x336x64xf32, #tpu.memory_space<vmem>> -> memref<1x1x64xf32, #tpu.memory_space<vmem>>
          %dma_start3A_325 = tpu.memref_squeeze %dma_start3A_324 : memref<1x1x64xf32, #tpu.memory_space<vmem>> -> memref<1x64xf32, #tpu.memory_space<vmem>>
          %dma_start3A_326 = arith.constant 0 : i32
          %dma_start3A_327 = tpu.memref_slice %arg3[%squeeze3A_318, %dma_start3A_326] : memref<1000000x64xf32, #tpu.memory_space<hbm>> -> memref<1x64xf32, #tpu.memory_space<hbm>>
          %dma_start3A_328 = arith.constant 0 : i32
          %dma_start3A_329 = tpu.memref_slice %arg8[%rem3A_85, %add3A_322, %dma_start3A_328] : memref<2x336x64xf32, #tpu.memory_space<vmem>> -> memref<1x1x64xf32, #tpu.memory_space<vmem>>
          %dma_start3A_330 = tpu.memref_squeeze %dma_start3A_329 : memref<1x1x64xf32, #tpu.memory_space<vmem>> -> memref<1x64xf32, #tpu.memory_space<vmem>>
          %dma_start3A_331 = arith.constant 0 : i32
          %dma_start3A_332 = tpu.memref_slice %arg3[%squeeze3A_318, %dma_start3A_331] : memref<1000000x64xf32, #tpu.memory_space<hbm>> -> memref<1x64xf32, #tpu.memory_space<hbm>>
          tpu.enqueue_dma source(%dma_start3A_332 : memref<1x64xf32, #tpu.memory_space<hbm>>) target(%dma_start3A_330 : memref<1x64xf32, #tpu.memory_space<vmem>>) target_semaphore(%arg12 : memref<!tpu.dma_semaphore, #tpu.memory_space<semaphore_mem>>)
          %slice3A_333 = vector.extract_strided_slice %get3A_174 {offsets = [10], sizes = [1], strides = [1]} : vector<16xi32> to vector<1xi32>
          %squeeze3A_334 = vector.extract %slice3A_333[0] : i32 from vector<1xi32>
          %mul3A_335 = arith.constant 16 : i32
          %mul3A_336 = arith.muli %scan3A_167, %mul3A_335 : i32
          %add3A_337 = arith.constant 10 : i32
          %add3A_338 = arith.addi %mul3A_336, %add3A_337 : i32
          %dma_start3A_339 = arith.constant 0 : i32
          %dma_start3A_340 = tpu.memref_slice %arg8[%rem3A_85, %add3A_338, %dma_start3A_339] : memref<2x336x64xf32, #tpu.memory_space<vmem>> -> memref<1x1x64xf32, #tpu.memory_space<vmem>>
          %dma_start3A_341 = tpu.memref_squeeze %dma_start3A_340 : memref<1x1x64xf32, #tpu.memory_space<vmem>> -> memref<1x64xf32, #tpu.memory_space<vmem>>
          %dma_start3A_342 = arith.constant 0 : i32
          %dma_start3A_343 = tpu.memref_slice %arg3[%squeeze3A_334, %dma_start3A_342] : memref<1000000x64xf32, #tpu.memory_space<hbm>> -> memref<1x64xf32, #tpu.memory_space<hbm>>
          %dma_start3A_344 = arith.constant 0 : i32
          %dma_start3A_345 = tpu.memref_slice %arg8[%rem3A_85, %add3A_338, %dma_start3A_344] : memref<2x336x64xf32, #tpu.memory_space<vmem>> -> memref<1x1x64xf32, #tpu.memory_space<vmem>>
          %dma_start3A_346 = tpu.memref_squeeze %dma_start3A_345 : memref<1x1x64xf32, #tpu.memory_space<vmem>> -> memref<1x64xf32, #tpu.memory_space<vmem>>
          %dma_start3A_347 = arith.constant 0 : i32
          %dma_start3A_348 = tpu.memref_slice %arg3[%squeeze3A_334, %dma_start3A_347] : memref<1000000x64xf32, #tpu.memory_space<hbm>> -> memref<1x64xf32, #tpu.memory_space<hbm>>
          tpu.enqueue_dma source(%dma_start3A_348 : memref<1x64xf32, #tpu.memory_space<hbm>>) target(%dma_start3A_346 : memref<1x64xf32, #tpu.memory_space<vmem>>) target_semaphore(%arg12 : memref<!tpu.dma_semaphore, #tpu.memory_space<semaphore_mem>>)
          %slice3A_349 = vector.extract_strided_slice %get3A_174 {offsets = [11], sizes = [1], strides = [1]} : vector<16xi32> to vector<1xi32>
          %squeeze3A_350 = vector.extract %slice3A_349[0] : i32 from vector<1xi32>
          %mul3A_351 = arith.constant 16 : i32
          %mul3A_352 = arith.muli %scan3A_167, %mul3A_351 : i32
          %add3A_353 = arith.constant 11 : i32
          %add3A_354 = arith.addi %mul3A_352, %add3A_353 : i32
          %dma_start3A_355 = arith.constant 0 : i32
          %dma_start3A_356 = tpu.memref_slice %arg8[%rem3A_85, %add3A_354, %dma_start3A_355] : memref<2x336x64xf32, #tpu.memory_space<vmem>> -> memref<1x1x64xf32, #tpu.memory_space<vmem>>
          %dma_start3A_357 = tpu.memref_squeeze %dma_start3A_356 : memref<1x1x64xf32, #tpu.memory_space<vmem>> -> memref<1x64xf32, #tpu.memory_space<vmem>>
          %dma_start3A_358 = arith.constant 0 : i32
          %dma_start3A_359 = tpu.memref_slice %arg3[%squeeze3A_350, %dma_start3A_358] : memref<1000000x64xf32, #tpu.memory_space<hbm>> -> memref<1x64xf32, #tpu.memory_space<hbm>>
          %dma_start3A_360 = arith.constant 0 : i32
          %dma_start3A_361 = tpu.memref_slice %arg8[%rem3A_85, %add3A_354, %dma_start3A_360] : memref<2x336x64xf32, #tpu.memory_space<vmem>> -> memref<1x1x64xf32, #tpu.memory_space<vmem>>
          %dma_start3A_362 = tpu.memref_squeeze %dma_start3A_361 : memref<1x1x64xf32, #tpu.memory_space<vmem>> -> memref<1x64xf32, #tpu.memory_space<vmem>>
          %dma_start3A_363 = arith.constant 0 : i32
          %dma_start3A_364 = tpu.memref_slice %arg3[%squeeze3A_350, %dma_start3A_363] : memref<1000000x64xf32, #tpu.memory_space<hbm>> -> memref<1x64xf32, #tpu.memory_space<hbm>>
          tpu.enqueue_dma source(%dma_start3A_364 : memref<1x64xf32, #tpu.memory_space<hbm>>) target(%dma_start3A_362 : memref<1x64xf32, #tpu.memory_space<vmem>>) target_semaphore(%arg12 : memref<!tpu.dma_semaphore, #tpu.memory_space<semaphore_mem>>)
          %slice3A_365 = vector.extract_strided_slice %get3A_174 {offsets = [12], sizes = [1], strides = [1]} : vector<16xi32> to vector<1xi32>
          %squeeze3A_366 = vector.extract %slice3A_365[0] : i32 from vector<1xi32>
          %mul3A_367 = arith.constant 16 : i32
          %mul3A_368 = arith.muli %scan3A_167, %mul3A_367 : i32
          %add3A_369 = arith.constant 12 : i32
          %add3A_370 = arith.addi %mul3A_368, %add3A_369 : i32
          %dma_start3A_371 = arith.constant 0 : i32
          %dma_start3A_372 = tpu.memref_slice %arg8[%rem3A_85, %add3A_370, %dma_start3A_371] : memref<2x336x64xf32, #tpu.memory_space<vmem>> -> memref<1x1x64xf32, #tpu.memory_space<vmem>>
          %dma_start3A_373 = tpu.memref_squeeze %dma_start3A_372 : memref<1x1x64xf32, #tpu.memory_space<vmem>> -> memref<1x64xf32, #tpu.memory_space<vmem>>
          %dma_start3A_374 = arith.constant 0 : i32
          %dma_start3A_375 = tpu.memref_slice %arg3[%squeeze3A_366, %dma_start3A_374] : memref<1000000x64xf32, #tpu.memory_space<hbm>> -> memref<1x64xf32, #tpu.memory_space<hbm>>
          %dma_start3A_376 = arith.constant 0 : i32
          %dma_start3A_377 = tpu.memref_slice %arg8[%rem3A_85, %add3A_370, %dma_start3A_376] : memref<2x336x64xf32, #tpu.memory_space<vmem>> -> memref<1x1x64xf32, #tpu.memory_space<vmem>>
          %dma_start3A_378 = tpu.memref_squeeze %dma_start3A_377 : memref<1x1x64xf32, #tpu.memory_space<vmem>> -> memref<1x64xf32, #tpu.memory_space<vmem>>
          %dma_start3A_379 = arith.constant 0 : i32
          %dma_start3A_380 = tpu.memref_slice %arg3[%squeeze3A_366, %dma_start3A_379] : memref<1000000x64xf32, #tpu.memory_space<hbm>> -> memref<1x64xf32, #tpu.memory_space<hbm>>
          tpu.enqueue_dma source(%dma_start3A_380 : memref<1x64xf32, #tpu.memory_space<hbm>>) target(%dma_start3A_378 : memref<1x64xf32, #tpu.memory_space<vmem>>) target_semaphore(%arg12 : memref<!tpu.dma_semaphore, #tpu.memory_space<semaphore_mem>>)
          %slice3A_381 = vector.extract_strided_slice %get3A_174 {offsets = [13], sizes = [1], strides = [1]} : vector<16xi32> to vector<1xi32>
          %squeeze3A_382 = vector.extract %slice3A_381[0] : i32 from vector<1xi32>
          %mul3A_383 = arith.constant 16 : i32
          %mul3A_384 = arith.muli %scan3A_167, %mul3A_383 : i32
          %add3A_385 = arith.constant 13 : i32
          %add3A_386 = arith.addi %mul3A_384, %add3A_385 : i32
          %dma_start3A_387 = arith.constant 0 : i32
          %dma_start3A_388 = tpu.memref_slice %arg8[%rem3A_85, %add3A_386, %dma_start3A_387] : memref<2x336x64xf32, #tpu.memory_space<vmem>> -> memref<1x1x64xf32, #tpu.memory_space<vmem>>
          %dma_start3A_389 = tpu.memref_squeeze %dma_start3A_388 : memref<1x1x64xf32, #tpu.memory_space<vmem>> -> memref<1x64xf32, #tpu.memory_space<vmem>>
          %dma_start3A_390 = arith.constant 0 : i32
          %dma_start3A_391 = tpu.memref_slice %arg3[%squeeze3A_382, %dma_start3A_390] : memref<1000000x64xf32, #tpu.memory_space<hbm>> -> memref<1x64xf32, #tpu.memory_space<hbm>>
          %dma_start3A_392 = arith.constant 0 : i32
          %dma_start3A_393 = tpu.memref_slice %arg8[%rem3A_85, %add3A_386, %dma_start3A_392] : memref<2x336x64xf32, #tpu.memory_space<vmem>> -> memref<1x1x64xf32, #tpu.memory_space<vmem>>
          %dma_start3A_394 = tpu.memref_squeeze %dma_start3A_393 : memref<1x1x64xf32, #tpu.memory_space<vmem>> -> memref<1x64xf32, #tpu.memory_space<vmem>>
          %dma_start3A_395 = arith.constant 0 : i32
          %dma_start3A_396 = tpu.memref_slice %arg3[%squeeze3A_382, %dma_start3A_395] : memref<1000000x64xf32, #tpu.memory_space<hbm>> -> memref<1x64xf32, #tpu.memory_space<hbm>>
          tpu.enqueue_dma source(%dma_start3A_396 : memref<1x64xf32, #tpu.memory_space<hbm>>) target(%dma_start3A_394 : memref<1x64xf32, #tpu.memory_space<vmem>>) target_semaphore(%arg12 : memref<!tpu.dma_semaphore, #tpu.memory_space<semaphore_mem>>)
          %slice3A_397 = vector.extract_strided_slice %get3A_174 {offsets = [14], sizes = [1], strides = [1]} : vector<16xi32> to vector<1xi32>
          %squeeze3A_398 = vector.extract %slice3A_397[0] : i32 from vector<1xi32>
          %mul3A_399 = arith.constant 16 : i32
          %mul3A_400 = arith.muli %scan3A_167, %mul3A_399 : i32
          %add3A_401 = arith.constant 14 : i32
          %add3A_402 = arith.addi %mul3A_400, %add3A_401 : i32
          %dma_start3A_403 = arith.constant 0 : i32
          %dma_start3A_404 = tpu.memref_slice %arg8[%rem3A_85, %add3A_402, %dma_start3A_403] : memref<2x336x64xf32, #tpu.memory_space<vmem>> -> memref<1x1x64xf32, #tpu.memory_space<vmem>>
          %dma_start3A_405 = tpu.memref_squeeze %dma_start3A_404 : memref<1x1x64xf32, #tpu.memory_space<vmem>> -> memref<1x64xf32, #tpu.memory_space<vmem>>
          %dma_start3A_406 = arith.constant 0 : i32
          %dma_start3A_407 = tpu.memref_slice %arg3[%squeeze3A_398, %dma_start3A_406] : memref<1000000x64xf32, #tpu.memory_space<hbm>> -> memref<1x64xf32, #tpu.memory_space<hbm>>
          %dma_start3A_408 = arith.constant 0 : i32
          %dma_start3A_409 = tpu.memref_slice %arg8[%rem3A_85, %add3A_402, %dma_start3A_408] : memref<2x336x64xf32, #tpu.memory_space<vmem>> -> memref<1x1x64xf32, #tpu.memory_space<vmem>>
          %dma_start3A_410 = tpu.memref_squeeze %dma_start3A_409 : memref<1x1x64xf32, #tpu.memory_space<vmem>> -> memref<1x64xf32, #tpu.memory_space<vmem>>
          %dma_start3A_411 = arith.constant 0 : i32
          %dma_start3A_412 = tpu.memref_slice %arg3[%squeeze3A_398, %dma_start3A_411] : memref<1000000x64xf32, #tpu.memory_space<hbm>> -> memref<1x64xf32, #tpu.memory_space<hbm>>
          tpu.enqueue_dma source(%dma_start3A_412 : memref<1x64xf32, #tpu.memory_space<hbm>>) target(%dma_start3A_410 : memref<1x64xf32, #tpu.memory_space<vmem>>) target_semaphore(%arg12 : memref<!tpu.dma_semaphore, #tpu.memory_space<semaphore_mem>>)
          %slice3A_413 = vector.extract_strided_slice %get3A_174 {offsets = [15], sizes = [1], strides = [1]} : vector<16xi32> to vector<1xi32>
          %squeeze3A_414 = vector.extract %slice3A_413[0] : i32 from vector<1xi32>
          %mul3A_415 = arith.constant 16 : i32
          %mul3A_416 = arith.muli %scan3A_167, %mul3A_415 : i32
          %add3A_417 = arith.constant 15 : i32
          %add3A_418 = arith.addi %mul3A_416, %add3A_417 : i32
          %dma_start3A_419 = arith.constant 0 : i32
          %dma_start3A_420 = tpu.memref_slice %arg8[%rem3A_85, %add3A_418, %dma_start3A_419] : memref<2x336x64xf32, #tpu.memory_space<vmem>> -> memref<1x1x64xf32, #tpu.memory_space<vmem>>
          %dma_start3A_421 = tpu.memref_squeeze %dma_start3A_420 : memref<1x1x64xf32, #tpu.memory_space<vmem>> -> memref<1x64xf32, #tpu.memory_space<vmem>>
          %dma_start3A_422 = arith.constant 0 : i32
          %dma_start3A_423 = tpu.memref_slice %arg3[%squeeze3A_414, %dma_start3A_422] : memref<1000000x64xf32, #tpu.memory_space<hbm>> -> memref<1x64xf32, #tpu.memory_space<hbm>>
          %dma_start3A_424 = arith.constant 0 : i32
          %dma_start3A_425 = tpu.memref_slice %arg8[%rem3A_85, %add3A_418, %dma_start3A_424] : memref<2x336x64xf32, #tpu.memory_space<vmem>> -> memref<1x1x64xf32, #tpu.memory_space<vmem>>
          %dma_start3A_426 = tpu.memref_squeeze %dma_start3A_425 : memref<1x1x64xf32, #tpu.memory_space<vmem>> -> memref<1x64xf32, #tpu.memory_space<vmem>>
          %dma_start3A_427 = arith.constant 0 : i32
          %dma_start3A_428 = tpu.memref_slice %arg3[%squeeze3A_414, %dma_start3A_427] : memref<1000000x64xf32, #tpu.memory_space<hbm>> -> memref<1x64xf32, #tpu.memory_space<hbm>>
          tpu.enqueue_dma source(%dma_start3A_428 : memref<1x64xf32, #tpu.memory_space<hbm>>) target(%dma_start3A_426 : memref<1x64xf32, #tpu.memory_space<vmem>>) target_semaphore(%arg12 : memref<!tpu.dma_semaphore, #tpu.memory_space<semaphore_mem>>)
          %scan3A_429 = arith.constant 0 : i32
          scf.yield %scan3A_429 : i32
        }
        %scan3A_166 = arith.constant 21 : i32
      } else {
      }
      %add3A_120 = arith.constant 2 : i32
      %add3A_121 = arith.addi %scan3A_79, %add3A_120 : i32
      %lt3A_122 = arith.constant 32 : i32
      %lt3A_123 = arith.cmpi slt, %add3A_121, %lt3A_122 : i32
      %convert_element_type3A_124 = arith.extui %lt3A_123 : i1 to i32
      %cond3A_125 = arith.constant 0 : i32
      %cond3A_126 = arith.cmpi ne, %convert_element_type3A_124, %cond3A_125 : i32
      scf.if %cond3A_126 {
        %add3A_135 = arith.constant 2 : i32
        %add3A_136 = arith.addi %scan3A_79, %add3A_135 : i32
        %mul3A_137 = arith.constant 16 : i32
        %mul3A_138 = arith.muli %add3A_136, %mul3A_137 : i32
        %add3A_139 = arith.addi %mul3A_2, %mul3A_138 : i32
        %mul3A_140 = arith.constant 336 : i32
        %mul3A_141 = arith.muli %rem3A_81, %mul3A_140 : i32
        %dma_start3A_142 = tpu.memref_slice %arg7[%mul3A_141] : memref<672xi32, #tpu.memory_space<vmem>> -> memref<16xi32, #tpu.memory_space<vmem>>
        %dma_start3A_143 = tpu.memref_slice %arg4[%add3A_139] : memref<16384xi32, #tpu.memory_space<hbm>> -> memref<16xi32, #tpu.memory_space<hbm>>
        %dma_start3A_144 = tpu.memref_slice %arg7[%mul3A_141] : memref<672xi32, #tpu.memory_space<vmem>> -> memref<16xi32, #tpu.memory_space<vmem>>
        %dma_start3A_145 = tpu.memref_slice %arg4[%add3A_139] : memref<16384xi32, #tpu.memory_space<hbm>> -> memref<16xi32, #tpu.memory_space<hbm>>
        tpu.enqueue_dma source(%dma_start3A_145 : memref<16xi32, #tpu.memory_space<hbm>>) target(%dma_start3A_144 : memref<16xi32, #tpu.memory_space<vmem>>) target_semaphore(%arg11 : memref<!tpu.dma_semaphore, #tpu.memory_space<semaphore_mem>>)
        %mul3A_146 = arith.constant 20 : i32
        %mul3A_147 = arith.muli %add3A_139, %mul3A_146 : i32
        %add3A_148 = arith.constant 16 : i32
        %add3A_149 = arith.addi %mul3A_141, %add3A_148 : i32
        %dma_start3A_150 = tpu.memref_slice %arg7[%add3A_149] : memref<672xi32, #tpu.memory_space<vmem>> -> memref<320xi32, #tpu.memory_space<vmem>>
        %dma_start3A_151 = tpu.memref_slice %arg5[%mul3A_147] : memref<327680xi32, #tpu.memory_space<hbm>> -> memref<320xi32, #tpu.memory_space<hbm>>
        %dma_start3A_152 = tpu.memref_slice %arg7[%add3A_149] : memref<672xi32, #tpu.memory_space<vmem>> -> memref<320xi32, #tpu.memory_space<vmem>>
        %dma_start3A_153 = tpu.memref_slice %arg5[%mul3A_147] : memref<327680xi32, #tpu.memory_space<hbm>> -> memref<320xi32, #tpu.memory_space<hbm>>
        tpu.enqueue_dma source(%dma_start3A_153 : memref<320xi32, #tpu.memory_space<hbm>>) target(%dma_start3A_152 : memref<320xi32, #tpu.memory_space<vmem>>) target_semaphore(%arg11 : memref<!tpu.dma_semaphore, #tpu.memory_space<semaphore_mem>>)
      } else {
      }
      %scan3A_127 = arith.constant 0 : i32
      %scan3A_128 = arith.constant 0 : i32
      %scan3A_129 = arith.constant 16 : i32
      %scan3A_130 = arith.addi %scan3A_128, %scan3A_129 : i32
      %scan3A_131 = arith.constant 1 : i32
      %scan3A_132 = scf.for %scan3A_135 = %scan3A_128 to %scan3A_130 step %scan3A_131 iter_args(%scan3A_136 = %scan3A_127) -> (i32)  : i32 {
        %mul3A_137 = arith.constant 16 : i32
        %mul3A_138 = arith.muli %scan3A_79, %mul3A_137 : i32
        %add3A_139 = arith.addi %mul3A_138, %scan3A_135 : i32
        %get3A = arith.index_cast %rem3A_81 : i32 to index
        %get3A_140 = arith.index_cast %scan3A_135 : i32 to index
        %get3A_141 = arith.constant 0 : index
        %get3A_142 = tpu.vector_load %arg9[%get3A, %get3A_140, %get3A_141] {strides = array<i32>} : memref<2x16x64xf32, #tpu.memory_space<vmem>>, vector<16xf32>,
        %get3A_143 = arith.index_cast %rem3A_81 : i32 to index
        %get3A_144 = arith.index_cast %scan3A_135 : i32 to index
        %get3A_145 = arith.constant 16 : index
        %get3A_146 = tpu.vector_load %arg9[%get3A_143, %get3A_144, %get3A_145] {strides = array<i32>} : memref<2x16x64xf32, #tpu.memory_space<vmem>>, vector<16xf32>,
        %get3A_147 = arith.index_cast %rem3A_81 : i32 to index
        %get3A_148 = arith.index_cast %scan3A_135 : i32 to index
        %get3A_149 = arith.constant 32 : index
        %get3A_150 = tpu.vector_load %arg9[%get3A_147, %get3A_148, %get3A_149] {strides = array<i32>} : memref<2x16x64xf32, #tpu.memory_space<vmem>>, vector<16xf32>,
        %get3A_151 = arith.index_cast %rem3A_81 : i32 to index
        %get3A_152 = arith.index_cast %scan3A_135 : i32 to index
        %get3A_153 = arith.constant 48 : index
        %get3A_154 = tpu.vector_load %arg9[%get3A_151, %get3A_152, %get3A_153] {strides = array<i32>} : memref<2x16x64xf32, #tpu.memory_space<vmem>>, vector<16xf32>,
        %get3A_155 = arith.index_cast %rem3A_81 : i32 to index
        %get3A_156 = arith.index_cast %scan3A_135 : i32 to index
        %get3A_157 = arith.constant 0 : index
        %get3A_158 = tpu.vector_load %arg8[%get3A_155, %get3A_156, %get3A_157] {strides = array<i32>} : memref<2x336x64xf32, #tpu.memory_space<vmem>>, vector<16xf32>,
        %get3A_159 = arith.index_cast %rem3A_81 : i32 to index
        %get3A_160 = arith.index_cast %scan3A_135 : i32 to index
        %get3A_161 = arith.constant 16 : index
        %get3A_162 = tpu.vector_load %arg8[%get3A_159, %get3A_160, %get3A_161] {strides = array<i32>} : memref<2x336x64xf32, #tpu.memory_space<vmem>>, vector<16xf32>,
        %get3A_163 = arith.index_cast %rem3A_81 : i32 to index
        %get3A_164 = arith.index_cast %scan3A_135 : i32 to index
        %get3A_165 = arith.constant 32 : index
        %get3A_166 = tpu.vector_load %arg8[%get3A_163, %get3A_164, %get3A_165] {strides = array<i32>} : memref<2x336x64xf32, #tpu.memory_space<vmem>>, vector<16xf32>,
        %get3A_167 = arith.index_cast %rem3A_81 : i32 to index
        %get3A_168 = arith.index_cast %scan3A_135 : i32 to index
        %get3A_169 = arith.constant 48 : index
        %get3A_170 = tpu.vector_load %arg8[%get3A_167, %get3A_168, %get3A_169] {strides = array<i32>} : memref<2x336x64xf32, #tpu.memory_space<vmem>>, vector<16xf32>,
        %mul3A_171 = arith.mulf %get3A_142, %get3A_142 : vector<16xf32>
        %mul3A_172 = arith.mulf %get3A_146, %get3A_146 : vector<16xf32>
        %add3A_173 = arith.addf %mul3A_171, %mul3A_172 : vector<16xf32>
        %mul3A_174 = arith.mulf %get3A_150, %get3A_150 : vector<16xf32>
        %add3A_175 = arith.addf %add3A_173, %mul3A_174 : vector<16xf32>
        %mul3A_176 = arith.mulf %get3A_154, %get3A_154 : vector<16xf32>
        %add3A_177 = arith.addf %add3A_175, %mul3A_176 : vector<16xf32>
        %broadcast_in_dim3A = arith.constant true
        %broadcast_in_dim3A_178 = vector.broadcast %broadcast_in_dim3A : i1 to vector<16xi1>
        %masked_cumsum3A = tpu.scan <sum>, %add3A_177 masked %broadcast_in_dim3A_178 : vector<16xf32>, vector<16xi1> -> vector<16xf32>
        %broadcast_in_dim3A_179 = arith.constant 1 : i32
        %broadcast_in_dim3A_180 = vector.broadcast %broadcast_in_dim3A_179 : i32 to vector<16xi32>
        %broadcast_in_dim3A_181 = vector.broadcast %add3A_139 : i32 to vector<16xi32>
        tpu.vector_store_idx %arg10[%broadcast_in_dim3A_180, %broadcast_in_dim3A_181], %masked_cumsum3A masked %eq3A_4 : memref<64x512xf32, #tpu.memory_space<vmem>>[vector<16xi32>, vector<16xi32>], vector<16xf32>, vector<16xi1>
        %mul3A_182 = arith.mulf %get3A_158, %get3A_158 : vector<16xf32>
        %mul3A_183 = arith.mulf %get3A_162, %get3A_162 : vector<16xf32>
        %add3A_184 = arith.addf %mul3A_182, %mul3A_183 : vector<16xf32>
        %mul3A_185 = arith.mulf %get3A_166, %get3A_166 : vector<16xf32>
        %add3A_186 = arith.addf %add3A_184, %mul3A_185 : vector<16xf32>
        %mul3A_187 = arith.mulf %get3A_170, %get3A_170 : vector<16xf32>
        %add3A_188 = arith.addf %add3A_186, %mul3A_187 : vector<16xf32>
        %broadcast_in_dim3A_189 = arith.constant true
        %broadcast_in_dim3A_190 = vector.broadcast %broadcast_in_dim3A_189 : i1 to vector<16xi1>
        %masked_cumsum3A_191 = tpu.scan <sum>, %add3A_188 masked %broadcast_in_dim3A_190 : vector<16xf32>, vector<16xi1> -> vector<16xf32>
        %broadcast_in_dim3A_192 = arith.constant 2 : i32
        %broadcast_in_dim3A_193 = vector.broadcast %broadcast_in_dim3A_192 : i32 to vector<16xi32>
        %broadcast_in_dim3A_194 = vector.broadcast %add3A_139 : i32 to vector<16xi32>
        tpu.vector_store_idx %arg10[%broadcast_in_dim3A_193, %broadcast_in_dim3A_194], %masked_cumsum3A_191 masked %eq3A_4 : memref<64x512xf32, #tpu.memory_space<vmem>>[vector<16xi32>, vector<16xi32>], vector<16xf32>, vector<16xi1>
        %mul3A_195 = arith.mulf %get3A_142, %get3A_158 : vector<16xf32>
        %mul3A_196 = arith.mulf %get3A_146, %get3A_162 : vector<16xf32>
        %add3A_197 = arith.addf %mul3A_195, %mul3A_196 : vector<16xf32>
        %mul3A_198 = arith.mulf %get3A_150, %get3A_166 : vector<16xf32>
        %add3A_199 = arith.addf %add3A_197, %mul3A_198 : vector<16xf32>
        %mul3A_200 = arith.mulf %get3A_154, %get3A_170 : vector<16xf32>
        %add3A_201 = arith.addf %add3A_199, %mul3A_200 : vector<16xf32>
        %broadcast_in_dim3A_202 = arith.constant true
        %broadcast_in_dim3A_203 = vector.broadcast %broadcast_in_dim3A_202 : i1 to vector<16xi1>
        %masked_cumsum3A_204 = tpu.scan <sum>, %add3A_201 masked %broadcast_in_dim3A_203 : vector<16xf32>, vector<16xi1> -> vector<16xf32>
        %broadcast_in_dim3A_205 = arith.constant 0 : i32
        %broadcast_in_dim3A_206 = vector.broadcast %broadcast_in_dim3A_205 : i32 to vector<16xi32>
        %broadcast_in_dim3A_207 = vector.broadcast %add3A_139 : i32 to vector<16xi32>
        tpu.vector_store_idx %arg10[%broadcast_in_dim3A_206, %broadcast_in_dim3A_207], %masked_cumsum3A_204 masked %eq3A_4 : memref<64x512xf32, #tpu.memory_space<vmem>>[vector<16xi32>, vector<16xi32>], vector<16xf32>, vector<16xi1>
        %mul3A_208 = arith.constant 20 : i32
        %mul3A_209 = arith.muli %scan3A_135, %mul3A_208 : i32
        %add3A_210 = arith.constant 16 : i32
        %add3A_211 = arith.addi %add3A_210, %mul3A_209 : i32
        %add3A_212 = arith.constant 0 : i32
        %add3A_213 = arith.addi %add3A_211, %add3A_212 : i32
        %get3A_214 = arith.index_cast %rem3A_81 : i32 to index
        %get3A_215 = arith.index_cast %add3A_213 : i32 to index
        %get3A_216 = arith.constant 0 : index
        %get3A_217 = tpu.vector_load %arg8[%get3A_214, %get3A_215, %get3A_216] {strides = array<i32>} : memref<2x336x64xf32, #tpu.memory_space<vmem>>, vector<16xf32>,
        %get3A_218 = arith.index_cast %rem3A_81 : i32 to index
        %get3A_219 = arith.index_cast %add3A_213 : i32 to index
        %get3A_220 = arith.constant 16 : index
        %get3A_221 = tpu.vector_load %arg8[%get3A_218, %get3A_219, %get3A_220] {strides = array<i32>} : memref<2x336x64xf32, #tpu.memory_space<vmem>>, vector<16xf32>,
        %get3A_222 = arith.index_cast %rem3A_81 : i32 to index
        %get3A_223 = arith.index_cast %add3A_213 : i32 to index
        %get3A_224 = arith.constant 32 : index
        %get3A_225 = tpu.vector_load %arg8[%get3A_222, %get3A_223, %get3A_224] {strides = array<i32>} : memref<2x336x64xf32, #tpu.memory_space<vmem>>, vector<16xf32>,
        %get3A_226 = arith.index_cast %rem3A_81 : i32 to index
        %get3A_227 = arith.index_cast %add3A_213 : i32 to index
        %get3A_228 = arith.constant 48 : index
        %get3A_229 = tpu.vector_load %arg8[%get3A_226, %get3A_227, %get3A_228] {strides = array<i32>} : memref<2x336x64xf32, #tpu.memory_space<vmem>>, vector<16xf32>,
        %mul3A_230 = arith.mulf %get3A_217, %get3A_142 : vector<16xf32>
        %mul3A_231 = arith.mulf %get3A_221, %get3A_146 : vector<16xf32>
        %add3A_232 = arith.addf %mul3A_230, %mul3A_231 : vector<16xf32>
        %mul3A_233 = arith.mulf %get3A_225, %get3A_150 : vector<16xf32>
        %add3A_234 = arith.addf %add3A_232, %mul3A_233 : vector<16xf32>
        %mul3A_235 = arith.mulf %get3A_229, %get3A_154 : vector<16xf32>
        %add3A_236 = arith.addf %add3A_234, %mul3A_235 : vector<16xf32>
        %broadcast_in_dim3A_237 = arith.constant true
        %broadcast_in_dim3A_238 = vector.broadcast %broadcast_in_dim3A_237 : i1 to vector<16xi1>
        %masked_cumsum3A_239 = tpu.scan <sum>, %add3A_236 masked %broadcast_in_dim3A_238 : vector<16xf32>, vector<16xi1> -> vector<16xf32>
        %broadcast_in_dim3A_240 = arith.constant 8 : i32
        %broadcast_in_dim3A_241 = vector.broadcast %broadcast_in_dim3A_240 : i32 to vector<16xi32>
        %broadcast_in_dim3A_242 = vector.broadcast %add3A_139 : i32 to vector<16xi32>
        tpu.vector_store_idx %arg10[%broadcast_in_dim3A_241, %broadcast_in_dim3A_242], %masked_cumsum3A_239 masked %eq3A_4 : memref<64x512xf32, #tpu.memory_space<vmem>>[vector<16xi32>, vector<16xi32>], vector<16xf32>, vector<16xi1>
        %mul3A_243 = arith.mulf %get3A_217, %get3A_217 : vector<16xf32>
        %mul3A_244 = arith.mulf %get3A_221, %get3A_221 : vector<16xf32>
        %add3A_245 = arith.addf %mul3A_243, %mul3A_244 : vector<16xf32>
        %mul3A_246 = arith.mulf %get3A_225, %get3A_225 : vector<16xf32>
        %add3A_247 = arith.addf %add3A_245, %mul3A_246 : vector<16xf32>
        %mul3A_248 = arith.mulf %get3A_229, %get3A_229 : vector<16xf32>
        %add3A_249 = arith.addf %add3A_247, %mul3A_248 : vector<16xf32>
        %broadcast_in_dim3A_250 = arith.constant true
        %broadcast_in_dim3A_251 = vector.broadcast %broadcast_in_dim3A_250 : i1 to vector<16xi1>
        %masked_cumsum3A_252 = tpu.scan <sum>, %add3A_249 masked %broadcast_in_dim3A_251 : vector<16xf32>, vector<16xi1> -> vector<16xf32>
        %broadcast_in_dim3A_253 = arith.constant 32 : i32
        %broadcast_in_dim3A_254 = vector.broadcast %broadcast_in_dim3A_253 : i32 to vector<16xi32>
        %broadcast_in_dim3A_255 = vector.broadcast %add3A_139 : i32 to vector<16xi32>
        tpu.vector_store_idx %arg10[%broadcast_in_dim3A_254, %broadcast_in_dim3A_255], %masked_cumsum3A_252 masked %eq3A_4 : memref<64x512xf32, #tpu.memory_space<vmem>>[vector<16xi32>, vector<16xi32>], vector<16xf32>, vector<16xi1>
        %mul3A_256 = arith.constant 20 : i32
        %mul3A_257 = arith.muli %scan3A_135, %mul3A_256 : i32
        %add3A_258 = arith.constant 16 : i32
        %add3A_259 = arith.addi %add3A_258, %mul3A_257 : i32
        %add3A_260 = arith.constant 1 : i32
        %add3A_261 = arith.addi %add3A_259, %add3A_260 : i32
        %get3A_262 = arith.index_cast %rem3A_81 : i32 to index
        %get3A_263 = arith.index_cast %add3A_261 : i32 to index
        %get3A_264 = arith.constant 0 : index
        %get3A_265 = tpu.vector_load %arg8[%get3A_262, %get3A_263, %get3A_264] {strides = array<i32>} : memref<2x336x64xf32, #tpu.memory_space<vmem>>, vector<16xf32>,
        %get3A_266 = arith.index_cast %rem3A_81 : i32 to index
        %get3A_267 = arith.index_cast %add3A_261 : i32 to index
        %get3A_268 = arith.constant 16 : index
        %get3A_269 = tpu.vector_load %arg8[%get3A_266, %get3A_267, %get3A_268] {strides = array<i32>} : memref<2x336x64xf32, #tpu.memory_space<vmem>>, vector<16xf32>,
        %get3A_270 = arith.index_cast %rem3A_81 : i32 to index
        %get3A_271 = arith.index_cast %add3A_261 : i32 to index
        %get3A_272 = arith.constant 32 : index
        %get3A_273 = tpu.vector_load %arg8[%get3A_270, %get3A_271, %get3A_272] {strides = array<i32>} : memref<2x336x64xf32, #tpu.memory_space<vmem>>, vector<16xf32>,
        %get3A_274 = arith.index_cast %rem3A_81 : i32 to index
        %get3A_275 = arith.index_cast %add3A_261 : i32 to index
        %get3A_276 = arith.constant 48 : index
        %get3A_277 = tpu.vector_load %arg8[%get3A_274, %get3A_275, %get3A_276] {strides = array<i32>} : memref<2x336x64xf32, #tpu.memory_space<vmem>>, vector<16xf32>,
        %mul3A_278 = arith.mulf %get3A_265, %get3A_142 : vector<16xf32>
        %mul3A_279 = arith.mulf %get3A_269, %get3A_146 : vector<16xf32>
        %add3A_280 = arith.addf %mul3A_278, %mul3A_279 : vector<16xf32>
        %mul3A_281 = arith.mulf %get3A_273, %get3A_150 : vector<16xf32>
        %add3A_282 = arith.addf %add3A_280, %mul3A_281 : vector<16xf32>
        %mul3A_283 = arith.mulf %get3A_277, %get3A_154 : vector<16xf32>
        %add3A_284 = arith.addf %add3A_282, %mul3A_283 : vector<16xf32>
        %broadcast_in_dim3A_285 = arith.constant true
        %broadcast_in_dim3A_286 = vector.broadcast %broadcast_in_dim3A_285 : i1 to vector<16xi1>
        %masked_cumsum3A_287 = tpu.scan <sum>, %add3A_284 masked %broadcast_in_dim3A_286 : vector<16xf32>, vector<16xi1> -> vector<16xf32>
        %broadcast_in_dim3A_288 = arith.constant 9 : i32
        %broadcast_in_dim3A_289 = vector.broadcast %broadcast_in_dim3A_288 : i32 to vector<16xi32>
        %broadcast_in_dim3A_290 = vector.broadcast %add3A_139 : i32 to vector<16xi32>
        tpu.vector_store_idx %arg10[%broadcast_in_dim3A_289, %broadcast_in_dim3A_290], %masked_cumsum3A_287 masked %eq3A_4 : memref<64x512xf32, #tpu.memory_space<vmem>>[vector<16xi32>, vector<16xi32>], vector<16xf32>, vector<16xi1>
        %mul3A_291 = arith.mulf %get3A_265, %get3A_265 : vector<16xf32>
        %mul3A_292 = arith.mulf %get3A_269, %get3A_269 : vector<16xf32>
        %add3A_293 = arith.addf %mul3A_291, %mul3A_292 : vector<16xf32>
        %mul3A_294 = arith.mulf %get3A_273, %get3A_273 : vector<16xf32>
        %add3A_295 = arith.addf %add3A_293, %mul3A_294 : vector<16xf32>
        %mul3A_296 = arith.mulf %get3A_277, %get3A_277 : vector<16xf32>
        %add3A_297 = arith.addf %add3A_295, %mul3A_296 : vector<16xf32>
        %broadcast_in_dim3A_298 = arith.constant true
        %broadcast_in_dim3A_299 = vector.broadcast %broadcast_in_dim3A_298 : i1 to vector<16xi1>
        %masked_cumsum3A_300 = tpu.scan <sum>, %add3A_297 masked %broadcast_in_dim3A_299 : vector<16xf32>, vector<16xi1> -> vector<16xf32>
        %broadcast_in_dim3A_301 = arith.constant 33 : i32
        %broadcast_in_dim3A_302 = vector.broadcast %broadcast_in_dim3A_301 : i32 to vector<16xi32>
        %broadcast_in_dim3A_303 = vector.broadcast %add3A_139 : i32 to vector<16xi32>
        tpu.vector_store_idx %arg10[%broadcast_in_dim3A_302, %broadcast_in_dim3A_303], %masked_cumsum3A_300 masked %eq3A_4 : memref<64x512xf32, #tpu.memory_space<vmem>>[vector<16xi32>, vector<16xi32>], vector<16xf32>, vector<16xi1>
        %mul3A_304 = arith.constant 20 : i32
        %mul3A_305 = arith.muli %scan3A_135, %mul3A_304 : i32
        %add3A_306 = arith.constant 16 : i32
        %add3A_307 = arith.addi %add3A_306, %mul3A_305 : i32
        %add3A_308 = arith.constant 2 : i32
        %add3A_309 = arith.addi %add3A_307, %add3A_308 : i32
        %get3A_310 = arith.index_cast %rem3A_81 : i32 to index
        %get3A_311 = arith.index_cast %add3A_309 : i32 to index
        %get3A_312 = arith.constant 0 : index
        %get3A_313 = tpu.vector_load %arg8[%get3A_310, %get3A_311, %get3A_312] {strides = array<i32>} : memref<2x336x64xf32, #tpu.memory_space<vmem>>, vector<16xf32>,
        %get3A_314 = arith.index_cast %rem3A_81 : i32 to index
        %get3A_315 = arith.index_cast %add3A_309 : i32 to index
        %get3A_316 = arith.constant 16 : index
        %get3A_317 = tpu.vector_load %arg8[%get3A_314, %get3A_315, %get3A_316] {strides = array<i32>} : memref<2x336x64xf32, #tpu.memory_space<vmem>>, vector<16xf32>,
        %get3A_318 = arith.index_cast %rem3A_81 : i32 to index
        %get3A_319 = arith.index_cast %add3A_309 : i32 to index
        %get3A_320 = arith.constant 32 : index
        %get3A_321 = tpu.vector_load %arg8[%get3A_318, %get3A_319, %get3A_320] {strides = array<i32>} : memref<2x336x64xf32, #tpu.memory_space<vmem>>, vector<16xf32>,
        %get3A_322 = arith.index_cast %rem3A_81 : i32 to index
        %get3A_323 = arith.index_cast %add3A_309 : i32 to index
        %get3A_324 = arith.constant 48 : index
        %get3A_325 = tpu.vector_load %arg8[%get3A_322, %get3A_323, %get3A_324] {strides = array<i32>} : memref<2x336x64xf32, #tpu.memory_space<vmem>>, vector<16xf32>,
        %mul3A_326 = arith.mulf %get3A_313, %get3A_142 : vector<16xf32>
        %mul3A_327 = arith.mulf %get3A_317, %get3A_146 : vector<16xf32>
        %add3A_328 = arith.addf %mul3A_326, %mul3A_327 : vector<16xf32>
        %mul3A_329 = arith.mulf %get3A_321, %get3A_150 : vector<16xf32>
        %add3A_330 = arith.addf %add3A_328, %mul3A_329 : vector<16xf32>
        %mul3A_331 = arith.mulf %get3A_325, %get3A_154 : vector<16xf32>
        %add3A_332 = arith.addf %add3A_330, %mul3A_331 : vector<16xf32>
        %broadcast_in_dim3A_333 = arith.constant true
        %broadcast_in_dim3A_334 = vector.broadcast %broadcast_in_dim3A_333 : i1 to vector<16xi1>
        %masked_cumsum3A_335 = tpu.scan <sum>, %add3A_332 masked %broadcast_in_dim3A_334 : vector<16xf32>, vector<16xi1> -> vector<16xf32>
        %broadcast_in_dim3A_336 = arith.constant 10 : i32
        %broadcast_in_dim3A_337 = vector.broadcast %broadcast_in_dim3A_336 : i32 to vector<16xi32>
        %broadcast_in_dim3A_338 = vector.broadcast %add3A_139 : i32 to vector<16xi32>
        tpu.vector_store_idx %arg10[%broadcast_in_dim3A_337, %broadcast_in_dim3A_338], %masked_cumsum3A_335 masked %eq3A_4 : memref<64x512xf32, #tpu.memory_space<vmem>>[vector<16xi32>, vector<16xi32>], vector<16xf32>, vector<16xi1>
        %mul3A_339 = arith.mulf %get3A_313, %get3A_313 : vector<16xf32>
        %mul3A_340 = arith.mulf %get3A_317, %get3A_317 : vector<16xf32>
        %add3A_341 = arith.addf %mul3A_339, %mul3A_340 : vector<16xf32>
        %mul3A_342 = arith.mulf %get3A_321, %get3A_321 : vector<16xf32>
        %add3A_343 = arith.addf %add3A_341, %mul3A_342 : vector<16xf32>
        %mul3A_344 = arith.mulf %get3A_325, %get3A_325 : vector<16xf32>
        %add3A_345 = arith.addf %add3A_343, %mul3A_344 : vector<16xf32>
        %broadcast_in_dim3A_346 = arith.constant true
        %broadcast_in_dim3A_347 = vector.broadcast %broadcast_in_dim3A_346 : i1 to vector<16xi1>
        %masked_cumsum3A_348 = tpu.scan <sum>, %add3A_345 masked %broadcast_in_dim3A_347 : vector<16xf32>, vector<16xi1> -> vector<16xf32>
        %broadcast_in_dim3A_349 = arith.constant 34 : i32
        %broadcast_in_dim3A_350 = vector.broadcast %broadcast_in_dim3A_349 : i32 to vector<16xi32>
        %broadcast_in_dim3A_351 = vector.broadcast %add3A_139 : i32 to vector<16xi32>
        tpu.vector_store_idx %arg10[%broadcast_in_dim3A_350, %broadcast_in_dim3A_351], %masked_cumsum3A_348 masked %eq3A_4 : memref<64x512xf32, #tpu.memory_space<vmem>>[vector<16xi32>, vector<16xi32>], vector<16xf32>, vector<16xi1>
        %mul3A_352 = arith.constant 20 : i32
        %mul3A_353 = arith.muli %scan3A_135, %mul3A_352 : i32
        %add3A_354 = arith.constant 16 : i32
        %add3A_355 = arith.addi %add3A_354, %mul3A_353 : i32
        %add3A_356 = arith.constant 3 : i32
        %add3A_357 = arith.addi %add3A_355, %add3A_356 : i32
        %get3A_358 = arith.index_cast %rem3A_81 : i32 to index
        %get3A_359 = arith.index_cast %add3A_357 : i32 to index
        %get3A_360 = arith.constant 0 : index
        %get3A_361 = tpu.vector_load %arg8[%get3A_358, %get3A_359, %get3A_360] {strides = array<i32>} : memref<2x336x64xf32, #tpu.memory_space<vmem>>, vector<16xf32>,
        %get3A_362 = arith.index_cast %rem3A_81 : i32 to index
        %get3A_363 = arith.index_cast %add3A_357 : i32 to index
        %get3A_364 = arith.constant 16 : index
        %get3A_365 = tpu.vector_load %arg8[%get3A_362, %get3A_363, %get3A_364] {strides = array<i32>} : memref<2x336x64xf32, #tpu.memory_space<vmem>>, vector<16xf32>,
        %get3A_366 = arith.index_cast %rem3A_81 : i32 to index
        %get3A_367 = arith.index_cast %add3A_357 : i32 to index
        %get3A_368 = arith.constant 32 : index
        %get3A_369 = tpu.vector_load %arg8[%get3A_366, %get3A_367, %get3A_368] {strides = array<i32>} : memref<2x336x64xf32, #tpu.memory_space<vmem>>, vector<16xf32>,
        %get3A_370 = arith.index_cast %rem3A_81 : i32 to index
        %get3A_371 = arith.index_cast %add3A_357 : i32 to index
        %get3A_372 = arith.constant 48 : index
        %get3A_373 = tpu.vector_load %arg8[%get3A_370, %get3A_371, %get3A_372] {strides = array<i32>} : memref<2x336x64xf32, #tpu.memory_space<vmem>>, vector<16xf32>,
        %mul3A_374 = arith.mulf %get3A_361, %get3A_142 : vector<16xf32>
        %mul3A_375 = arith.mulf %get3A_365, %get3A_146 : vector<16xf32>
        %add3A_376 = arith.addf %mul3A_374, %mul3A_375 : vector<16xf32>
        %mul3A_377 = arith.mulf %get3A_369, %get3A_150 : vector<16xf32>
        %add3A_378 = arith.addf %add3A_376, %mul3A_377 : vector<16xf32>
        %mul3A_379 = arith.mulf %get3A_373, %get3A_154 : vector<16xf32>
        %add3A_380 = arith.addf %add3A_378, %mul3A_379 : vector<16xf32>
        %broadcast_in_dim3A_381 = arith.constant true
        %broadcast_in_dim3A_382 = vector.broadcast %broadcast_in_dim3A_381 : i1 to vector<16xi1>
        %masked_cumsum3A_383 = tpu.scan <sum>, %add3A_380 masked %broadcast_in_dim3A_382 : vector<16xf32>, vector<16xi1> -> vector<16xf32>
        %broadcast_in_dim3A_384 = arith.constant 11 : i32
        %broadcast_in_dim3A_385 = vector.broadcast %broadcast_in_dim3A_384 : i32 to vector<16xi32>
        %broadcast_in_dim3A_386 = vector.broadcast %add3A_139 : i32 to vector<16xi32>
        tpu.vector_store_idx %arg10[%broadcast_in_dim3A_385, %broadcast_in_dim3A_386], %masked_cumsum3A_383 masked %eq3A_4 : memref<64x512xf32, #tpu.memory_space<vmem>>[vector<16xi32>, vector<16xi32>], vector<16xf32>, vector<16xi1>
        %mul3A_387 = arith.mulf %get3A_361, %get3A_361 : vector<16xf32>
        %mul3A_388 = arith.mulf %get3A_365, %get3A_365 : vector<16xf32>
        %add3A_389 = arith.addf %mul3A_387, %mul3A_388 : vector<16xf32>
        %mul3A_390 = arith.mulf %get3A_369, %get3A_369 : vector<16xf32>
        %add3A_391 = arith.addf %add3A_389, %mul3A_390 : vector<16xf32>
        %mul3A_392 = arith.mulf %get3A_373, %get3A_373 : vector<16xf32>
        %add3A_393 = arith.addf %add3A_391, %mul3A_392 : vector<16xf32>
        %broadcast_in_dim3A_394 = arith.constant true
        %broadcast_in_dim3A_395 = vector.broadcast %broadcast_in_dim3A_394 : i1 to vector<16xi1>
        %masked_cumsum3A_396 = tpu.scan <sum>, %add3A_393 masked %broadcast_in_dim3A_395 : vector<16xf32>, vector<16xi1> -> vector<16xf32>
        %broadcast_in_dim3A_397 = arith.constant 35 : i32
        %broadcast_in_dim3A_398 = vector.broadcast %broadcast_in_dim3A_397 : i32 to vector<16xi32>
        %broadcast_in_dim3A_399 = vector.broadcast %add3A_139 : i32 to vector<16xi32>
        tpu.vector_store_idx %arg10[%broadcast_in_dim3A_398, %broadcast_in_dim3A_399], %masked_cumsum3A_396 masked %eq3A_4 : memref<64x512xf32, #tpu.memory_space<vmem>>[vector<16xi32>, vector<16xi32>], vector<16xf32>, vector<16xi1>
        %mul3A_400 = arith.constant 20 : i32
        %mul3A_401 = arith.muli %scan3A_135, %mul3A_400 : i32
        %add3A_402 = arith.constant 16 : i32
        %add3A_403 = arith.addi %add3A_402, %mul3A_401 : i32
        %add3A_404 = arith.constant 4 : i32
        %add3A_405 = arith.addi %add3A_403, %add3A_404 : i32
        %get3A_406 = arith.index_cast %rem3A_81 : i32 to index
        %get3A_407 = arith.index_cast %add3A_405 : i32 to index
        %get3A_408 = arith.constant 0 : index
        %get3A_409 = tpu.vector_load %arg8[%get3A_406, %get3A_407, %get3A_408] {strides = array<i32>} : memref<2x336x64xf32, #tpu.memory_space<vmem>>, vector<16xf32>,
        %get3A_410 = arith.index_cast %rem3A_81 : i32 to index
        %get3A_411 = arith.index_cast %add3A_405 : i32 to index
        %get3A_412 = arith.constant 16 : index
        %get3A_413 = tpu.vector_load %arg8[%get3A_410, %get3A_411, %get3A_412] {strides = array<i32>} : memref<2x336x64xf32, #tpu.memory_space<vmem>>, vector<16xf32>,
        %get3A_414 = arith.index_cast %rem3A_81 : i32 to index
        %get3A_415 = arith.index_cast %add3A_405 : i32 to index
        %get3A_416 = arith.constant 32 : index
        %get3A_417 = tpu.vector_load %arg8[%get3A_414, %get3A_415, %get3A_416] {strides = array<i32>} : memref<2x336x64xf32, #tpu.memory_space<vmem>>, vector<16xf32>,
        %get3A_418 = arith.index_cast %rem3A_81 : i32 to index
        %get3A_419 = arith.index_cast %add3A_405 : i32 to index
        %get3A_420 = arith.constant 48 : index
        %get3A_421 = tpu.vector_load %arg8[%get3A_418, %get3A_419, %get3A_420] {strides = array<i32>} : memref<2x336x64xf32, #tpu.memory_space<vmem>>, vector<16xf32>,
        %mul3A_422 = arith.mulf %get3A_409, %get3A_142 : vector<16xf32>
        %mul3A_423 = arith.mulf %get3A_413, %get3A_146 : vector<16xf32>
        %add3A_424 = arith.addf %mul3A_422, %mul3A_423 : vector<16xf32>
        %mul3A_425 = arith.mulf %get3A_417, %get3A_150 : vector<16xf32>
        %add3A_426 = arith.addf %add3A_424, %mul3A_425 : vector<16xf32>
        %mul3A_427 = arith.mulf %get3A_421, %get3A_154 : vector<16xf32>
        %add3A_428 = arith.addf %add3A_426, %mul3A_427 : vector<16xf32>
        %broadcast_in_dim3A_429 = arith.constant true
        %broadcast_in_dim3A_430 = vector.broadcast %broadcast_in_dim3A_429 : i1 to vector<16xi1>
        %masked_cumsum3A_431 = tpu.scan <sum>, %add3A_428 masked %broadcast_in_dim3A_430 : vector<16xf32>, vector<16xi1> -> vector<16xf32>
        %broadcast_in_dim3A_432 = arith.constant 12 : i32
        %broadcast_in_dim3A_433 = vector.broadcast %broadcast_in_dim3A_432 : i32 to vector<16xi32>
        %broadcast_in_dim3A_434 = vector.broadcast %add3A_139 : i32 to vector<16xi32>
        tpu.vector_store_idx %arg10[%broadcast_in_dim3A_433, %broadcast_in_dim3A_434], %masked_cumsum3A_431 masked %eq3A_4 : memref<64x512xf32, #tpu.memory_space<vmem>>[vector<16xi32>, vector<16xi32>], vector<16xf32>, vector<16xi1>
        %mul3A_435 = arith.mulf %get3A_409, %get3A_409 : vector<16xf32>
        %mul3A_436 = arith.mulf %get3A_413, %get3A_413 : vector<16xf32>
        %add3A_437 = arith.addf %mul3A_435, %mul3A_436 : vector<16xf32>
        %mul3A_438 = arith.mulf %get3A_417, %get3A_417 : vector<16xf32>
        %add3A_439 = arith.addf %add3A_437, %mul3A_438 : vector<16xf32>
        %mul3A_440 = arith.mulf %get3A_421, %get3A_421 : vector<16xf32>
        %add3A_441 = arith.addf %add3A_439, %mul3A_440 : vector<16xf32>
        %broadcast_in_dim3A_442 = arith.constant true
        %broadcast_in_dim3A_443 = vector.broadcast %broadcast_in_dim3A_442 : i1 to vector<16xi1>
        %masked_cumsum3A_444 = tpu.scan <sum>, %add3A_441 masked %broadcast_in_dim3A_443 : vector<16xf32>, vector<16xi1> -> vector<16xf32>
        %broadcast_in_dim3A_445 = arith.constant 36 : i32
        %broadcast_in_dim3A_446 = vector.broadcast %broadcast_in_dim3A_445 : i32 to vector<16xi32>
        %broadcast_in_dim3A_447 = vector.broadcast %add3A_139 : i32 to vector<16xi32>
        tpu.vector_store_idx %arg10[%broadcast_in_dim3A_446, %broadcast_in_dim3A_447], %masked_cumsum3A_444 masked %eq3A_4 : memref<64x512xf32, #tpu.memory_space<vmem>>[vector<16xi32>, vector<16xi32>], vector<16xf32>, vector<16xi1>
        %mul3A_448 = arith.constant 20 : i32
        %mul3A_449 = arith.muli %scan3A_135, %mul3A_448 : i32
        %add3A_450 = arith.constant 16 : i32
        %add3A_451 = arith.addi %add3A_450, %mul3A_449 : i32
        %add3A_452 = arith.constant 5 : i32
        %add3A_453 = arith.addi %add3A_451, %add3A_452 : i32
        %get3A_454 = arith.index_cast %rem3A_81 : i32 to index
        %get3A_455 = arith.index_cast %add3A_453 : i32 to index
        %get3A_456 = arith.constant 0 : index
        %get3A_457 = tpu.vector_load %arg8[%get3A_454, %get3A_455, %get3A_456] {strides = array<i32>} : memref<2x336x64xf32, #tpu.memory_space<vmem>>, vector<16xf32>,
        %get3A_458 = arith.index_cast %rem3A_81 : i32 to index
        %get3A_459 = arith.index_cast %add3A_453 : i32 to index
        %get3A_460 = arith.constant 16 : index
        %get3A_461 = tpu.vector_load %arg8[%get3A_458, %get3A_459, %get3A_460] {strides = array<i32>} : memref<2x336x64xf32, #tpu.memory_space<vmem>>, vector<16xf32>,
        %get3A_462 = arith.index_cast %rem3A_81 : i32 to index
        %get3A_463 = arith.index_cast %add3A_453 : i32 to index
        %get3A_464 = arith.constant 32 : index
        %get3A_465 = tpu.vector_load %arg8[%get3A_462, %get3A_463, %get3A_464] {strides = array<i32>} : memref<2x336x64xf32, #tpu.memory_space<vmem>>, vector<16xf32>,
        %get3A_466 = arith.index_cast %rem3A_81 : i32 to index
        %get3A_467 = arith.index_cast %add3A_453 : i32 to index
        %get3A_468 = arith.constant 48 : index
        %get3A_469 = tpu.vector_load %arg8[%get3A_466, %get3A_467, %get3A_468] {strides = array<i32>} : memref<2x336x64xf32, #tpu.memory_space<vmem>>, vector<16xf32>,
        %mul3A_470 = arith.mulf %get3A_457, %get3A_142 : vector<16xf32>
        %mul3A_471 = arith.mulf %get3A_461, %get3A_146 : vector<16xf32>
        %add3A_472 = arith.addf %mul3A_470, %mul3A_471 : vector<16xf32>
        %mul3A_473 = arith.mulf %get3A_465, %get3A_150 : vector<16xf32>
        %add3A_474 = arith.addf %add3A_472, %mul3A_473 : vector<16xf32>
        %mul3A_475 = arith.mulf %get3A_469, %get3A_154 : vector<16xf32>
        %add3A_476 = arith.addf %add3A_474, %mul3A_475 : vector<16xf32>
        %broadcast_in_dim3A_477 = arith.constant true
        %broadcast_in_dim3A_478 = vector.broadcast %broadcast_in_dim3A_477 : i1 to vector<16xi1>
        %masked_cumsum3A_479 = tpu.scan <sum>, %add3A_476 masked %broadcast_in_dim3A_478 : vector<16xf32>, vector<16xi1> -> vector<16xf32>
        %broadcast_in_dim3A_480 = arith.constant 13 : i32
        %broadcast_in_dim3A_481 = vector.broadcast %broadcast_in_dim3A_480 : i32 to vector<16xi32>
        %broadcast_in_dim3A_482 = vector.broadcast %add3A_139 : i32 to vector<16xi32>
        tpu.vector_store_idx %arg10[%broadcast_in_dim3A_481, %broadcast_in_dim3A_482], %masked_cumsum3A_479 masked %eq3A_4 : memref<64x512xf32, #tpu.memory_space<vmem>>[vector<16xi32>, vector<16xi32>], vector<16xf32>, vector<16xi1>
        %mul3A_483 = arith.mulf %get3A_457, %get3A_457 : vector<16xf32>
        %mul3A_484 = arith.mulf %get3A_461, %get3A_461 : vector<16xf32>
        %add3A_485 = arith.addf %mul3A_483, %mul3A_484 : vector<16xf32>
        %mul3A_486 = arith.mulf %get3A_465, %get3A_465 : vector<16xf32>
        %add3A_487 = arith.addf %add3A_485, %mul3A_486 : vector<16xf32>
        %mul3A_488 = arith.mulf %get3A_469, %get3A_469 : vector<16xf32>
        %add3A_489 = arith.addf %add3A_487, %mul3A_488 : vector<16xf32>
        %broadcast_in_dim3A_490 = arith.constant true
        %broadcast_in_dim3A_491 = vector.broadcast %broadcast_in_dim3A_490 : i1 to vector<16xi1>
        %masked_cumsum3A_492 = tpu.scan <sum>, %add3A_489 masked %broadcast_in_dim3A_491 : vector<16xf32>, vector<16xi1> -> vector<16xf32>
        %broadcast_in_dim3A_493 = arith.constant 37 : i32
        %broadcast_in_dim3A_494 = vector.broadcast %broadcast_in_dim3A_493 : i32 to vector<16xi32>
        %broadcast_in_dim3A_495 = vector.broadcast %add3A_139 : i32 to vector<16xi32>
        tpu.vector_store_idx %arg10[%broadcast_in_dim3A_494, %broadcast_in_dim3A_495], %masked_cumsum3A_492 masked %eq3A_4 : memref<64x512xf32, #tpu.memory_space<vmem>>[vector<16xi32>, vector<16xi32>], vector<16xf32>, vector<16xi1>
        %mul3A_496 = arith.constant 20 : i32
        %mul3A_497 = arith.muli %scan3A_135, %mul3A_496 : i32
        %add3A_498 = arith.constant 16 : i32
        %add3A_499 = arith.addi %add3A_498, %mul3A_497 : i32
        %add3A_500 = arith.constant 6 : i32
        %add3A_501 = arith.addi %add3A_499, %add3A_500 : i32
        %get3A_502 = arith.index_cast %rem3A_81 : i32 to index
        %get3A_503 = arith.index_cast %add3A_501 : i32 to index
        %get3A_504 = arith.constant 0 : index
        %get3A_505 = tpu.vector_load %arg8[%get3A_502, %get3A_503, %get3A_504] {strides = array<i32>} : memref<2x336x64xf32, #tpu.memory_space<vmem>>, vector<16xf32>,
        %get3A_506 = arith.index_cast %rem3A_81 : i32 to index
        %get3A_507 = arith.index_cast %add3A_501 : i32 to index
        %get3A_508 = arith.constant 16 : index
        %get3A_509 = tpu.vector_load %arg8[%get3A_506, %get3A_507, %get3A_508] {strides = array<i32>} : memref<2x336x64xf32, #tpu.memory_space<vmem>>, vector<16xf32>,
        %get3A_510 = arith.index_cast %rem3A_81 : i32 to index
        %get3A_511 = arith.index_cast %add3A_501 : i32 to index
        %get3A_512 = arith.constant 32 : index
        %get3A_513 = tpu.vector_load %arg8[%get3A_510, %get3A_511, %get3A_512] {strides = array<i32>} : memref<2x336x64xf32, #tpu.memory_space<vmem>>, vector<16xf32>,
        %get3A_514 = arith.index_cast %rem3A_81 : i32 to index
        %get3A_515 = arith.index_cast %add3A_501 : i32 to index
        %get3A_516 = arith.constant 48 : index
        %get3A_517 = tpu.vector_load %arg8[%get3A_514, %get3A_515, %get3A_516] {strides = array<i32>} : memref<2x336x64xf32, #tpu.memory_space<vmem>>, vector<16xf32>,
        %mul3A_518 = arith.mulf %get3A_505, %get3A_142 : vector<16xf32>
        %mul3A_519 = arith.mulf %get3A_509, %get3A_146 : vector<16xf32>
        %add3A_520 = arith.addf %mul3A_518, %mul3A_519 : vector<16xf32>
        %mul3A_521 = arith.mulf %get3A_513, %get3A_150 : vector<16xf32>
        %add3A_522 = arith.addf %add3A_520, %mul3A_521 : vector<16xf32>
        %mul3A_523 = arith.mulf %get3A_517, %get3A_154 : vector<16xf32>
        %add3A_524 = arith.addf %add3A_522, %mul3A_523 : vector<16xf32>
        %broadcast_in_dim3A_525 = arith.constant true
        %broadcast_in_dim3A_526 = vector.broadcast %broadcast_in_dim3A_525 : i1 to vector<16xi1>
        %masked_cumsum3A_527 = tpu.scan <sum>, %add3A_524 masked %broadcast_in_dim3A_526 : vector<16xf32>, vector<16xi1> -> vector<16xf32>
        %broadcast_in_dim3A_528 = arith.constant 14 : i32
        %broadcast_in_dim3A_529 = vector.broadcast %broadcast_in_dim3A_528 : i32 to vector<16xi32>
        %broadcast_in_dim3A_530 = vector.broadcast %add3A_139 : i32 to vector<16xi32>
        tpu.vector_store_idx %arg10[%broadcast_in_dim3A_529, %broadcast_in_dim3A_530], %masked_cumsum3A_527 masked %eq3A_4 : memref<64x512xf32, #tpu.memory_space<vmem>>[vector<16xi32>, vector<16xi32>], vector<16xf32>, vector<16xi1>
        %mul3A_531 = arith.mulf %get3A_505, %get3A_505 : vector<16xf32>
        %mul3A_532 = arith.mulf %get3A_509, %get3A_509 : vector<16xf32>
        %add3A_533 = arith.addf %mul3A_531, %mul3A_532 : vector<16xf32>
        %mul3A_534 = arith.mulf %get3A_513, %get3A_513 : vector<16xf32>
        %add3A_535 = arith.addf %add3A_533, %mul3A_534 : vector<16xf32>
        %mul3A_536 = arith.mulf %get3A_517, %get3A_517 : vector<16xf32>
        %add3A_537 = arith.addf %add3A_535, %mul3A_536 : vector<16xf32>
        %broadcast_in_dim3A_538 = arith.constant true
        %broadcast_in_dim3A_539 = vector.broadcast %broadcast_in_dim3A_538 : i1 to vector<16xi1>
        %masked_cumsum3A_540 = tpu.scan <sum>, %add3A_537 masked %broadcast_in_dim3A_539 : vector<16xf32>, vector<16xi1> -> vector<16xf32>
        %broadcast_in_dim3A_541 = arith.constant 38 : i32
        %broadcast_in_dim3A_542 = vector.broadcast %broadcast_in_dim3A_541 : i32 to vector<16xi32>
        %broadcast_in_dim3A_543 = vector.broadcast %add3A_139 : i32 to vector<16xi32>
        tpu.vector_store_idx %arg10[%broadcast_in_dim3A_542, %broadcast_in_dim3A_543], %masked_cumsum3A_540 masked %eq3A_4 : memref<64x512xf32, #tpu.memory_space<vmem>>[vector<16xi32>, vector<16xi32>], vector<16xf32>, vector<16xi1>
        %mul3A_544 = arith.constant 20 : i32
        %mul3A_545 = arith.muli %scan3A_135, %mul3A_544 : i32
        %add3A_546 = arith.constant 16 : i32
        %add3A_547 = arith.addi %add3A_546, %mul3A_545 : i32
        %add3A_548 = arith.constant 7 : i32
        %add3A_549 = arith.addi %add3A_547, %add3A_548 : i32
        %get3A_550 = arith.index_cast %rem3A_81 : i32 to index
        %get3A_551 = arith.index_cast %add3A_549 : i32 to index
        %get3A_552 = arith.constant 0 : index
        %get3A_553 = tpu.vector_load %arg8[%get3A_550, %get3A_551, %get3A_552] {strides = array<i32>} : memref<2x336x64xf32, #tpu.memory_space<vmem>>, vector<16xf32>,
        %get3A_554 = arith.index_cast %rem3A_81 : i32 to index
        %get3A_555 = arith.index_cast %add3A_549 : i32 to index
        %get3A_556 = arith.constant 16 : index
        %get3A_557 = tpu.vector_load %arg8[%get3A_554, %get3A_555, %get3A_556] {strides = array<i32>} : memref<2x336x64xf32, #tpu.memory_space<vmem>>, vector<16xf32>,
        %get3A_558 = arith.index_cast %rem3A_81 : i32 to index
        %get3A_559 = arith.index_cast %add3A_549 : i32 to index
        %get3A_560 = arith.constant 32 : index
        %get3A_561 = tpu.vector_load %arg8[%get3A_558, %get3A_559, %get3A_560] {strides = array<i32>} : memref<2x336x64xf32, #tpu.memory_space<vmem>>, vector<16xf32>,
        %get3A_562 = arith.index_cast %rem3A_81 : i32 to index
        %get3A_563 = arith.index_cast %add3A_549 : i32 to index
        %get3A_564 = arith.constant 48 : index
        %get3A_565 = tpu.vector_load %arg8[%get3A_562, %get3A_563, %get3A_564] {strides = array<i32>} : memref<2x336x64xf32, #tpu.memory_space<vmem>>, vector<16xf32>,
        %mul3A_566 = arith.mulf %get3A_553, %get3A_142 : vector<16xf32>
        %mul3A_567 = arith.mulf %get3A_557, %get3A_146 : vector<16xf32>
        %add3A_568 = arith.addf %mul3A_566, %mul3A_567 : vector<16xf32>
        %mul3A_569 = arith.mulf %get3A_561, %get3A_150 : vector<16xf32>
        %add3A_570 = arith.addf %add3A_568, %mul3A_569 : vector<16xf32>
        %mul3A_571 = arith.mulf %get3A_565, %get3A_154 : vector<16xf32>
        %add3A_572 = arith.addf %add3A_570, %mul3A_571 : vector<16xf32>
        %broadcast_in_dim3A_573 = arith.constant true
        %broadcast_in_dim3A_574 = vector.broadcast %broadcast_in_dim3A_573 : i1 to vector<16xi1>
        %masked_cumsum3A_575 = tpu.scan <sum>, %add3A_572 masked %broadcast_in_dim3A_574 : vector<16xf32>, vector<16xi1> -> vector<16xf32>
        %broadcast_in_dim3A_576 = arith.constant 15 : i32
        %broadcast_in_dim3A_577 = vector.broadcast %broadcast_in_dim3A_576 : i32 to vector<16xi32>
        %broadcast_in_dim3A_578 = vector.broadcast %add3A_139 : i32 to vector<16xi32>
        tpu.vector_store_idx %arg10[%broadcast_in_dim3A_577, %broadcast_in_dim3A_578], %masked_cumsum3A_575 masked %eq3A_4 : memref<64x512xf32, #tpu.memory_space<vmem>>[vector<16xi32>, vector<16xi32>], vector<16xf32>, vector<16xi1>
        %mul3A_579 = arith.mulf %get3A_553, %get3A_553 : vector<16xf32>
        %mul3A_580 = arith.mulf %get3A_557, %get3A_557 : vector<16xf32>
        %add3A_581 = arith.addf %mul3A_579, %mul3A_580 : vector<16xf32>
        %mul3A_582 = arith.mulf %get3A_561, %get3A_561 : vector<16xf32>
        %add3A_583 = arith.addf %add3A_581, %mul3A_582 : vector<16xf32>
        %mul3A_584 = arith.mulf %get3A_565, %get3A_565 : vector<16xf32>
        %add3A_585 = arith.addf %add3A_583, %mul3A_584 : vector<16xf32>
        %broadcast_in_dim3A_586 = arith.constant true
        %broadcast_in_dim3A_587 = vector.broadcast %broadcast_in_dim3A_586 : i1 to vector<16xi1>
        %masked_cumsum3A_588 = tpu.scan <sum>, %add3A_585 masked %broadcast_in_dim3A_587 : vector<16xf32>, vector<16xi1> -> vector<16xf32>
        %broadcast_in_dim3A_589 = arith.constant 39 : i32
        %broadcast_in_dim3A_590 = vector.broadcast %broadcast_in_dim3A_589 : i32 to vector<16xi32>
        %broadcast_in_dim3A_591 = vector.broadcast %add3A_139 : i32 to vector<16xi32>
        tpu.vector_store_idx %arg10[%broadcast_in_dim3A_590, %broadcast_in_dim3A_591], %masked_cumsum3A_588 masked %eq3A_4 : memref<64x512xf32, #tpu.memory_space<vmem>>[vector<16xi32>, vector<16xi32>], vector<16xf32>, vector<16xi1>
        %mul3A_592 = arith.constant 20 : i32
        %mul3A_593 = arith.muli %scan3A_135, %mul3A_592 : i32
        %add3A_594 = arith.constant 16 : i32
        %add3A_595 = arith.addi %add3A_594, %mul3A_593 : i32
        %add3A_596 = arith.constant 8 : i32
        %add3A_597 = arith.addi %add3A_595, %add3A_596 : i32
        %get3A_598 = arith.index_cast %rem3A_81 : i32 to index
        %get3A_599 = arith.index_cast %add3A_597 : i32 to index
        %get3A_600 = arith.constant 0 : index
        %get3A_601 = tpu.vector_load %arg8[%get3A_598, %get3A_599, %get3A_600] {strides = array<i32>} : memref<2x336x64xf32, #tpu.memory_space<vmem>>, vector<16xf32>,
        %get3A_602 = arith.index_cast %rem3A_81 : i32 to index
        %get3A_603 = arith.index_cast %add3A_597 : i32 to index
        %get3A_604 = arith.constant 16 : index
        %get3A_605 = tpu.vector_load %arg8[%get3A_602, %get3A_603, %get3A_604] {strides = array<i32>} : memref<2x336x64xf32, #tpu.memory_space<vmem>>, vector<16xf32>,
        %get3A_606 = arith.index_cast %rem3A_81 : i32 to index
        %get3A_607 = arith.index_cast %add3A_597 : i32 to index
        %get3A_608 = arith.constant 32 : index
        %get3A_609 = tpu.vector_load %arg8[%get3A_606, %get3A_607, %get3A_608] {strides = array<i32>} : memref<2x336x64xf32, #tpu.memory_space<vmem>>, vector<16xf32>,
        %get3A_610 = arith.index_cast %rem3A_81 : i32 to index
        %get3A_611 = arith.index_cast %add3A_597 : i32 to index
        %get3A_612 = arith.constant 48 : index
        %get3A_613 = tpu.vector_load %arg8[%get3A_610, %get3A_611, %get3A_612] {strides = array<i32>} : memref<2x336x64xf32, #tpu.memory_space<vmem>>, vector<16xf32>,
        %mul3A_614 = arith.mulf %get3A_601, %get3A_142 : vector<16xf32>
        %mul3A_615 = arith.mulf %get3A_605, %get3A_146 : vector<16xf32>
        %add3A_616 = arith.addf %mul3A_614, %mul3A_615 : vector<16xf32>
        %mul3A_617 = arith.mulf %get3A_609, %get3A_150 : vector<16xf32>
        %add3A_618 = arith.addf %add3A_616, %mul3A_617 : vector<16xf32>
        %mul3A_619 = arith.mulf %get3A_613, %get3A_154 : vector<16xf32>
        %add3A_620 = arith.addf %add3A_618, %mul3A_619 : vector<16xf32>
        %broadcast_in_dim3A_621 = arith.constant true
        %broadcast_in_dim3A_622 = vector.broadcast %broadcast_in_dim3A_621 : i1 to vector<16xi1>
        %masked_cumsum3A_623 = tpu.scan <sum>, %add3A_620 masked %broadcast_in_dim3A_622 : vector<16xf32>, vector<16xi1> -> vector<16xf32>
        %broadcast_in_dim3A_624 = arith.constant 16 : i32
        %broadcast_in_dim3A_625 = vector.broadcast %broadcast_in_dim3A_624 : i32 to vector<16xi32>
        %broadcast_in_dim3A_626 = vector.broadcast %add3A_139 : i32 to vector<16xi32>
        tpu.vector_store_idx %arg10[%broadcast_in_dim3A_625, %broadcast_in_dim3A_626], %masked_cumsum3A_623 masked %eq3A_4 : memref<64x512xf32, #tpu.memory_space<vmem>>[vector<16xi32>, vector<16xi32>], vector<16xf32>, vector<16xi1>
        %mul3A_627 = arith.mulf %get3A_601, %get3A_601 : vector<16xf32>
        %mul3A_628 = arith.mulf %get3A_605, %get3A_605 : vector<16xf32>
        %add3A_629 = arith.addf %mul3A_627, %mul3A_628 : vector<16xf32>
        %mul3A_630 = arith.mulf %get3A_609, %get3A_609 : vector<16xf32>
        %add3A_631 = arith.addf %add3A_629, %mul3A_630 : vector<16xf32>
        %mul3A_632 = arith.mulf %get3A_613, %get3A_613 : vector<16xf32>
        %add3A_633 = arith.addf %add3A_631, %mul3A_632 : vector<16xf32>
        %broadcast_in_dim3A_634 = arith.constant true
        %broadcast_in_dim3A_635 = vector.broadcast %broadcast_in_dim3A_634 : i1 to vector<16xi1>
        %masked_cumsum3A_636 = tpu.scan <sum>, %add3A_633 masked %broadcast_in_dim3A_635 : vector<16xf32>, vector<16xi1> -> vector<16xf32>
        %broadcast_in_dim3A_637 = arith.constant 40 : i32
        %broadcast_in_dim3A_638 = vector.broadcast %broadcast_in_dim3A_637 : i32 to vector<16xi32>
        %broadcast_in_dim3A_639 = vector.broadcast %add3A_139 : i32 to vector<16xi32>
        tpu.vector_store_idx %arg10[%broadcast_in_dim3A_638, %broadcast_in_dim3A_639], %masked_cumsum3A_636 masked %eq3A_4 : memref<64x512xf32, #tpu.memory_space<vmem>>[vector<16xi32>, vector<16xi32>], vector<16xf32>, vector<16xi1>
        %mul3A_640 = arith.constant 20 : i32
        %mul3A_641 = arith.muli %scan3A_135, %mul3A_640 : i32
        %add3A_642 = arith.constant 16 : i32
        %add3A_643 = arith.addi %add3A_642, %mul3A_641 : i32
        %add3A_644 = arith.constant 9 : i32
        %add3A_645 = arith.addi %add3A_643, %add3A_644 : i32
        %get3A_646 = arith.index_cast %rem3A_81 : i32 to index
        %get3A_647 = arith.index_cast %add3A_645 : i32 to index
        %get3A_648 = arith.constant 0 : index
        %get3A_649 = tpu.vector_load %arg8[%get3A_646, %get3A_647, %get3A_648] {strides = array<i32>} : memref<2x336x64xf32, #tpu.memory_space<vmem>>, vector<16xf32>,
        %get3A_650 = arith.index_cast %rem3A_81 : i32 to index
        %get3A_651 = arith.index_cast %add3A_645 : i32 to index
        %get3A_652 = arith.constant 16 : index
        %get3A_653 = tpu.vector_load %arg8[%get3A_650, %get3A_651, %get3A_652] {strides = array<i32>} : memref<2x336x64xf32, #tpu.memory_space<vmem>>, vector<16xf32>,
        %get3A_654 = arith.index_cast %rem3A_81 : i32 to index
        %get3A_655 = arith.index_cast %add3A_645 : i32 to index
        %get3A_656 = arith.constant 32 : index
        %get3A_657 = tpu.vector_load %arg8[%get3A_654, %get3A_655, %get3A_656] {strides = array<i32>} : memref<2x336x64xf32, #tpu.memory_space<vmem>>, vector<16xf32>,
        %get3A_658 = arith.index_cast %rem3A_81 : i32 to index
        %get3A_659 = arith.index_cast %add3A_645 : i32 to index
        %get3A_660 = arith.constant 48 : index
        %get3A_661 = tpu.vector_load %arg8[%get3A_658, %get3A_659, %get3A_660] {strides = array<i32>} : memref<2x336x64xf32, #tpu.memory_space<vmem>>, vector<16xf32>,
        %mul3A_662 = arith.mulf %get3A_649, %get3A_142 : vector<16xf32>
        %mul3A_663 = arith.mulf %get3A_653, %get3A_146 : vector<16xf32>
        %add3A_664 = arith.addf %mul3A_662, %mul3A_663 : vector<16xf32>
        %mul3A_665 = arith.mulf %get3A_657, %get3A_150 : vector<16xf32>
        %add3A_666 = arith.addf %add3A_664, %mul3A_665 : vector<16xf32>
        %mul3A_667 = arith.mulf %get3A_661, %get3A_154 : vector<16xf32>
        %add3A_668 = arith.addf %add3A_666, %mul3A_667 : vector<16xf32>
        %broadcast_in_dim3A_669 = arith.constant true
        %broadcast_in_dim3A_670 = vector.broadcast %broadcast_in_dim3A_669 : i1 to vector<16xi1>
        %masked_cumsum3A_671 = tpu.scan <sum>, %add3A_668 masked %broadcast_in_dim3A_670 : vector<16xf32>, vector<16xi1> -> vector<16xf32>
        %broadcast_in_dim3A_672 = arith.constant 17 : i32
        %broadcast_in_dim3A_673 = vector.broadcast %broadcast_in_dim3A_672 : i32 to vector<16xi32>
        %broadcast_in_dim3A_674 = vector.broadcast %add3A_139 : i32 to vector<16xi32>
        tpu.vector_store_idx %arg10[%broadcast_in_dim3A_673, %broadcast_in_dim3A_674], %masked_cumsum3A_671 masked %eq3A_4 : memref<64x512xf32, #tpu.memory_space<vmem>>[vector<16xi32>, vector<16xi32>], vector<16xf32>, vector<16xi1>
        %mul3A_675 = arith.mulf %get3A_649, %get3A_649 : vector<16xf32>
        %mul3A_676 = arith.mulf %get3A_653, %get3A_653 : vector<16xf32>
        %add3A_677 = arith.addf %mul3A_675, %mul3A_676 : vector<16xf32>
        %mul3A_678 = arith.mulf %get3A_657, %get3A_657 : vector<16xf32>
        %add3A_679 = arith.addf %add3A_677, %mul3A_678 : vector<16xf32>
        %mul3A_680 = arith.mulf %get3A_661, %get3A_661 : vector<16xf32>
        %add3A_681 = arith.addf %add3A_679, %mul3A_680 : vector<16xf32>
        %broadcast_in_dim3A_682 = arith.constant true
        %broadcast_in_dim3A_683 = vector.broadcast %broadcast_in_dim3A_682 : i1 to vector<16xi1>
        %masked_cumsum3A_684 = tpu.scan <sum>, %add3A_681 masked %broadcast_in_dim3A_683 : vector<16xf32>, vector<16xi1> -> vector<16xf32>
        %broadcast_in_dim3A_685 = arith.constant 41 : i32
        %broadcast_in_dim3A_686 = vector.broadcast %broadcast_in_dim3A_685 : i32 to vector<16xi32>
        %broadcast_in_dim3A_687 = vector.broadcast %add3A_139 : i32 to vector<16xi32>
        tpu.vector_store_idx %arg10[%broadcast_in_dim3A_686, %broadcast_in_dim3A_687], %masked_cumsum3A_684 masked %eq3A_4 : memref<64x512xf32, #tpu.memory_space<vmem>>[vector<16xi32>, vector<16xi32>], vector<16xf32>, vector<16xi1>
        %mul3A_688 = arith.constant 20 : i32
        %mul3A_689 = arith.muli %scan3A_135, %mul3A_688 : i32
        %add3A_690 = arith.constant 16 : i32
        %add3A_691 = arith.addi %add3A_690, %mul3A_689 : i32
        %add3A_692 = arith.constant 10 : i32
        %add3A_693 = arith.addi %add3A_691, %add3A_692 : i32
        %get3A_694 = arith.index_cast %rem3A_81 : i32 to index
        %get3A_695 = arith.index_cast %add3A_693 : i32 to index
        %get3A_696 = arith.constant 0 : index
        %get3A_697 = tpu.vector_load %arg8[%get3A_694, %get3A_695, %get3A_696] {strides = array<i32>} : memref<2x336x64xf32, #tpu.memory_space<vmem>>, vector<16xf32>,
        %get3A_698 = arith.index_cast %rem3A_81 : i32 to index
        %get3A_699 = arith.index_cast %add3A_693 : i32 to index
        %get3A_700 = arith.constant 16 : index
        %get3A_701 = tpu.vector_load %arg8[%get3A_698, %get3A_699, %get3A_700] {strides = array<i32>} : memref<2x336x64xf32, #tpu.memory_space<vmem>>, vector<16xf32>,
        %get3A_702 = arith.index_cast %rem3A_81 : i32 to index
        %get3A_703 = arith.index_cast %add3A_693 : i32 to index
        %get3A_704 = arith.constant 32 : index
        %get3A_705 = tpu.vector_load %arg8[%get3A_702, %get3A_703, %get3A_704] {strides = array<i32>} : memref<2x336x64xf32, #tpu.memory_space<vmem>>, vector<16xf32>,
        %get3A_706 = arith.index_cast %rem3A_81 : i32 to index
        %get3A_707 = arith.index_cast %add3A_693 : i32 to index
        %get3A_708 = arith.constant 48 : index
        %get3A_709 = tpu.vector_load %arg8[%get3A_706, %get3A_707, %get3A_708] {strides = array<i32>} : memref<2x336x64xf32, #tpu.memory_space<vmem>>, vector<16xf32>,
        %mul3A_710 = arith.mulf %get3A_697, %get3A_142 : vector<16xf32>
        %mul3A_711 = arith.mulf %get3A_701, %get3A_146 : vector<16xf32>
        %add3A_712 = arith.addf %mul3A_710, %mul3A_711 : vector<16xf32>
        %mul3A_713 = arith.mulf %get3A_705, %get3A_150 : vector<16xf32>
        %add3A_714 = arith.addf %add3A_712, %mul3A_713 : vector<16xf32>
        %mul3A_715 = arith.mulf %get3A_709, %get3A_154 : vector<16xf32>
        %add3A_716 = arith.addf %add3A_714, %mul3A_715 : vector<16xf32>
        %broadcast_in_dim3A_717 = arith.constant true
        %broadcast_in_dim3A_718 = vector.broadcast %broadcast_in_dim3A_717 : i1 to vector<16xi1>
        %masked_cumsum3A_719 = tpu.scan <sum>, %add3A_716 masked %broadcast_in_dim3A_718 : vector<16xf32>, vector<16xi1> -> vector<16xf32>
        %broadcast_in_dim3A_720 = arith.constant 18 : i32
        %broadcast_in_dim3A_721 = vector.broadcast %broadcast_in_dim3A_720 : i32 to vector<16xi32>
        %broadcast_in_dim3A_722 = vector.broadcast %add3A_139 : i32 to vector<16xi32>
        tpu.vector_store_idx %arg10[%broadcast_in_dim3A_721, %broadcast_in_dim3A_722], %masked_cumsum3A_719 masked %eq3A_4 : memref<64x512xf32, #tpu.memory_space<vmem>>[vector<16xi32>, vector<16xi32>], vector<16xf32>, vector<16xi1>
        %mul3A_723 = arith.mulf %get3A_697, %get3A_697 : vector<16xf32>
        %mul3A_724 = arith.mulf %get3A_701, %get3A_701 : vector<16xf32>
        %add3A_725 = arith.addf %mul3A_723, %mul3A_724 : vector<16xf32>
        %mul3A_726 = arith.mulf %get3A_705, %get3A_705 : vector<16xf32>
        %add3A_727 = arith.addf %add3A_725, %mul3A_726 : vector<16xf32>
        %mul3A_728 = arith.mulf %get3A_709, %get3A_709 : vector<16xf32>
        %add3A_729 = arith.addf %add3A_727, %mul3A_728 : vector<16xf32>
        %broadcast_in_dim3A_730 = arith.constant true
        %broadcast_in_dim3A_731 = vector.broadcast %broadcast_in_dim3A_730 : i1 to vector<16xi1>
        %masked_cumsum3A_732 = tpu.scan <sum>, %add3A_729 masked %broadcast_in_dim3A_731 : vector<16xf32>, vector<16xi1> -> vector<16xf32>
        %broadcast_in_dim3A_733 = arith.constant 42 : i32
        %broadcast_in_dim3A_734 = vector.broadcast %broadcast_in_dim3A_733 : i32 to vector<16xi32>
        %broadcast_in_dim3A_735 = vector.broadcast %add3A_139 : i32 to vector<16xi32>
        tpu.vector_store_idx %arg10[%broadcast_in_dim3A_734, %broadcast_in_dim3A_735], %masked_cumsum3A_732 masked %eq3A_4 : memref<64x512xf32, #tpu.memory_space<vmem>>[vector<16xi32>, vector<16xi32>], vector<16xf32>, vector<16xi1>
        %mul3A_736 = arith.constant 20 : i32
        %mul3A_737 = arith.muli %scan3A_135, %mul3A_736 : i32
        %add3A_738 = arith.constant 16 : i32
        %add3A_739 = arith.addi %add3A_738, %mul3A_737 : i32
        %add3A_740 = arith.constant 11 : i32
        %add3A_741 = arith.addi %add3A_739, %add3A_740 : i32
        %get3A_742 = arith.index_cast %rem3A_81 : i32 to index
        %get3A_743 = arith.index_cast %add3A_741 : i32 to index
        %get3A_744 = arith.constant 0 : index
        %get3A_745 = tpu.vector_load %arg8[%get3A_742, %get3A_743, %get3A_744] {strides = array<i32>} : memref<2x336x64xf32, #tpu.memory_space<vmem>>, vector<16xf32>,
        %get3A_746 = arith.index_cast %rem3A_81 : i32 to index
        %get3A_747 = arith.index_cast %add3A_741 : i32 to index
        %get3A_748 = arith.constant 16 : index
        %get3A_749 = tpu.vector_load %arg8[%get3A_746, %get3A_747, %get3A_748] {strides = array<i32>} : memref<2x336x64xf32, #tpu.memory_space<vmem>>, vector<16xf32>,
        %get3A_750 = arith.index_cast %rem3A_81 : i32 to index
        %get3A_751 = arith.index_cast %add3A_741 : i32 to index
        %get3A_752 = arith.constant 32 : index
        %get3A_753 = tpu.vector_load %arg8[%get3A_750, %get3A_751, %get3A_752] {strides = array<i32>} : memref<2x336x64xf32, #tpu.memory_space<vmem>>, vector<16xf32>,
        %get3A_754 = arith.index_cast %rem3A_81 : i32 to index
        %get3A_755 = arith.index_cast %add3A_741 : i32 to index
        %get3A_756 = arith.constant 48 : index
        %get3A_757 = tpu.vector_load %arg8[%get3A_754, %get3A_755, %get3A_756] {strides = array<i32>} : memref<2x336x64xf32, #tpu.memory_space<vmem>>, vector<16xf32>,
        %mul3A_758 = arith.mulf %get3A_745, %get3A_142 : vector<16xf32>
        %mul3A_759 = arith.mulf %get3A_749, %get3A_146 : vector<16xf32>
        %add3A_760 = arith.addf %mul3A_758, %mul3A_759 : vector<16xf32>
        %mul3A_761 = arith.mulf %get3A_753, %get3A_150 : vector<16xf32>
        %add3A_762 = arith.addf %add3A_760, %mul3A_761 : vector<16xf32>
        %mul3A_763 = arith.mulf %get3A_757, %get3A_154 : vector<16xf32>
        %add3A_764 = arith.addf %add3A_762, %mul3A_763 : vector<16xf32>
        %broadcast_in_dim3A_765 = arith.constant true
        %broadcast_in_dim3A_766 = vector.broadcast %broadcast_in_dim3A_765 : i1 to vector<16xi1>
        %masked_cumsum3A_767 = tpu.scan <sum>, %add3A_764 masked %broadcast_in_dim3A_766 : vector<16xf32>, vector<16xi1> -> vector<16xf32>
        %broadcast_in_dim3A_768 = arith.constant 19 : i32
        %broadcast_in_dim3A_769 = vector.broadcast %broadcast_in_dim3A_768 : i32 to vector<16xi32>
        %broadcast_in_dim3A_770 = vector.broadcast %add3A_139 : i32 to vector<16xi32>
        tpu.vector_store_idx %arg10[%broadcast_in_dim3A_769, %broadcast_in_dim3A_770], %masked_cumsum3A_767 masked %eq3A_4 : memref<64x512xf32, #tpu.memory_space<vmem>>[vector<16xi32>, vector<16xi32>], vector<16xf32>, vector<16xi1>
        %mul3A_771 = arith.mulf %get3A_745, %get3A_745 : vector<16xf32>
        %mul3A_772 = arith.mulf %get3A_749, %get3A_749 : vector<16xf32>
        %add3A_773 = arith.addf %mul3A_771, %mul3A_772 : vector<16xf32>
        %mul3A_774 = arith.mulf %get3A_753, %get3A_753 : vector<16xf32>
        %add3A_775 = arith.addf %add3A_773, %mul3A_774 : vector<16xf32>
        %mul3A_776 = arith.mulf %get3A_757, %get3A_757 : vector<16xf32>
        %add3A_777 = arith.addf %add3A_775, %mul3A_776 : vector<16xf32>
        %broadcast_in_dim3A_778 = arith.constant true
        %broadcast_in_dim3A_779 = vector.broadcast %broadcast_in_dim3A_778 : i1 to vector<16xi1>
        %masked_cumsum3A_780 = tpu.scan <sum>, %add3A_777 masked %broadcast_in_dim3A_779 : vector<16xf32>, vector<16xi1> -> vector<16xf32>
        %broadcast_in_dim3A_781 = arith.constant 43 : i32
        %broadcast_in_dim3A_782 = vector.broadcast %broadcast_in_dim3A_781 : i32 to vector<16xi32>
        %broadcast_in_dim3A_783 = vector.broadcast %add3A_139 : i32 to vector<16xi32>
        tpu.vector_store_idx %arg10[%broadcast_in_dim3A_782, %broadcast_in_dim3A_783], %masked_cumsum3A_780 masked %eq3A_4 : memref<64x512xf32, #tpu.memory_space<vmem>>[vector<16xi32>, vector<16xi32>], vector<16xf32>, vector<16xi1>
        %mul3A_784 = arith.constant 20 : i32
        %mul3A_785 = arith.muli %scan3A_135, %mul3A_784 : i32
        %add3A_786 = arith.constant 16 : i32
        %add3A_787 = arith.addi %add3A_786, %mul3A_785 : i32
        %add3A_788 = arith.constant 12 : i32
        %add3A_789 = arith.addi %add3A_787, %add3A_788 : i32
        %get3A_790 = arith.index_cast %rem3A_81 : i32 to index
        %get3A_791 = arith.index_cast %add3A_789 : i32 to index
        %get3A_792 = arith.constant 0 : index
        %get3A_793 = tpu.vector_load %arg8[%get3A_790, %get3A_791, %get3A_792] {strides = array<i32>} : memref<2x336x64xf32, #tpu.memory_space<vmem>>, vector<16xf32>,
        %get3A_794 = arith.index_cast %rem3A_81 : i32 to index
        %get3A_795 = arith.index_cast %add3A_789 : i32 to index
        %get3A_796 = arith.constant 16 : index
        %get3A_797 = tpu.vector_load %arg8[%get3A_794, %get3A_795, %get3A_796] {strides = array<i32>} : memref<2x336x64xf32, #tpu.memory_space<vmem>>, vector<16xf32>,
        %get3A_798 = arith.index_cast %rem3A_81 : i32 to index
        %get3A_799 = arith.index_cast %add3A_789 : i32 to index
        %get3A_800 = arith.constant 32 : index
        %get3A_801 = tpu.vector_load %arg8[%get3A_798, %get3A_799, %get3A_800] {strides = array<i32>} : memref<2x336x64xf32, #tpu.memory_space<vmem>>, vector<16xf32>,
        %get3A_802 = arith.index_cast %rem3A_81 : i32 to index
        %get3A_803 = arith.index_cast %add3A_789 : i32 to index
        %get3A_804 = arith.constant 48 : index
        %get3A_805 = tpu.vector_load %arg8[%get3A_802, %get3A_803, %get3A_804] {strides = array<i32>} : memref<2x336x64xf32, #tpu.memory_space<vmem>>, vector<16xf32>,
        %mul3A_806 = arith.mulf %get3A_793, %get3A_142 : vector<16xf32>
        %mul3A_807 = arith.mulf %get3A_797, %get3A_146 : vector<16xf32>
        %add3A_808 = arith.addf %mul3A_806, %mul3A_807 : vector<16xf32>
        %mul3A_809 = arith.mulf %get3A_801, %get3A_150 : vector<16xf32>
        %add3A_810 = arith.addf %add3A_808, %mul3A_809 : vector<16xf32>
        %mul3A_811 = arith.mulf %get3A_805, %get3A_154 : vector<16xf32>
        %add3A_812 = arith.addf %add3A_810, %mul3A_811 : vector<16xf32>
        %broadcast_in_dim3A_813 = arith.constant true
        %broadcast_in_dim3A_814 = vector.broadcast %broadcast_in_dim3A_813 : i1 to vector<16xi1>
        %masked_cumsum3A_815 = tpu.scan <sum>, %add3A_812 masked %broadcast_in_dim3A_814 : vector<16xf32>, vector<16xi1> -> vector<16xf32>
        %broadcast_in_dim3A_816 = arith.constant 20 : i32
        %broadcast_in_dim3A_817 = vector.broadcast %broadcast_in_dim3A_816 : i32 to vector<16xi32>
        %broadcast_in_dim3A_818 = vector.broadcast %add3A_139 : i32 to vector<16xi32>
        tpu.vector_store_idx %arg10[%broadcast_in_dim3A_817, %broadcast_in_dim3A_818], %masked_cumsum3A_815 masked %eq3A_4 : memref<64x512xf32, #tpu.memory_space<vmem>>[vector<16xi32>, vector<16xi32>], vector<16xf32>, vector<16xi1>
        %mul3A_819 = arith.mulf %get3A_793, %get3A_793 : vector<16xf32>
        %mul3A_820 = arith.mulf %get3A_797, %get3A_797 : vector<16xf32>
        %add3A_821 = arith.addf %mul3A_819, %mul3A_820 : vector<16xf32>
        %mul3A_822 = arith.mulf %get3A_801, %get3A_801 : vector<16xf32>
        %add3A_823 = arith.addf %add3A_821, %mul3A_822 : vector<16xf32>
        %mul3A_824 = arith.mulf %get3A_805, %get3A_805 : vector<16xf32>
        %add3A_825 = arith.addf %add3A_823, %mul3A_824 : vector<16xf32>
        %broadcast_in_dim3A_826 = arith.constant true
        %broadcast_in_dim3A_827 = vector.broadcast %broadcast_in_dim3A_826 : i1 to vector<16xi1>
        %masked_cumsum3A_828 = tpu.scan <sum>, %add3A_825 masked %broadcast_in_dim3A_827 : vector<16xf32>, vector<16xi1> -> vector<16xf32>
        %broadcast_in_dim3A_829 = arith.constant 44 : i32
        %broadcast_in_dim3A_830 = vector.broadcast %broadcast_in_dim3A_829 : i32 to vector<16xi32>
        %broadcast_in_dim3A_831 = vector.broadcast %add3A_139 : i32 to vector<16xi32>
        tpu.vector_store_idx %arg10[%broadcast_in_dim3A_830, %broadcast_in_dim3A_831], %masked_cumsum3A_828 masked %eq3A_4 : memref<64x512xf32, #tpu.memory_space<vmem>>[vector<16xi32>, vector<16xi32>], vector<16xf32>, vector<16xi1>
        %mul3A_832 = arith.constant 20 : i32
        %mul3A_833 = arith.muli %scan3A_135, %mul3A_832 : i32
        %add3A_834 = arith.constant 16 : i32
        %add3A_835 = arith.addi %add3A_834, %mul3A_833 : i32
        %add3A_836 = arith.constant 13 : i32
        %add3A_837 = arith.addi %add3A_835, %add3A_836 : i32
        %get3A_838 = arith.index_cast %rem3A_81 : i32 to index
        %get3A_839 = arith.index_cast %add3A_837 : i32 to index
        %get3A_840 = arith.constant 0 : index
        %get3A_841 = tpu.vector_load %arg8[%get3A_838, %get3A_839, %get3A_840] {strides = array<i32>} : memref<2x336x64xf32, #tpu.memory_space<vmem>>, vector<16xf32>,
        %get3A_842 = arith.index_cast %rem3A_81 : i32 to index
        %get3A_843 = arith.index_cast %add3A_837 : i32 to index
        %get3A_844 = arith.constant 16 : index
        %get3A_845 = tpu.vector_load %arg8[%get3A_842, %get3A_843, %get3A_844] {strides = array<i32>} : memref<2x336x64xf32, #tpu.memory_space<vmem>>, vector<16xf32>,
        %get3A_846 = arith.index_cast %rem3A_81 : i32 to index
        %get3A_847 = arith.index_cast %add3A_837 : i32 to index
        %get3A_848 = arith.constant 32 : index
        %get3A_849 = tpu.vector_load %arg8[%get3A_846, %get3A_847, %get3A_848] {strides = array<i32>} : memref<2x336x64xf32, #tpu.memory_space<vmem>>, vector<16xf32>,
        %get3A_850 = arith.index_cast %rem3A_81 : i32 to index
        %get3A_851 = arith.index_cast %add3A_837 : i32 to index
        %get3A_852 = arith.constant 48 : index
        %get3A_853 = tpu.vector_load %arg8[%get3A_850, %get3A_851, %get3A_852] {strides = array<i32>} : memref<2x336x64xf32, #tpu.memory_space<vmem>>, vector<16xf32>,
        %mul3A_854 = arith.mulf %get3A_841, %get3A_142 : vector<16xf32>
        %mul3A_855 = arith.mulf %get3A_845, %get3A_146 : vector<16xf32>
        %add3A_856 = arith.addf %mul3A_854, %mul3A_855 : vector<16xf32>
        %mul3A_857 = arith.mulf %get3A_849, %get3A_150 : vector<16xf32>
        %add3A_858 = arith.addf %add3A_856, %mul3A_857 : vector<16xf32>
        %mul3A_859 = arith.mulf %get3A_853, %get3A_154 : vector<16xf32>
        %add3A_860 = arith.addf %add3A_858, %mul3A_859 : vector<16xf32>
        %broadcast_in_dim3A_861 = arith.constant true
        %broadcast_in_dim3A_862 = vector.broadcast %broadcast_in_dim3A_861 : i1 to vector<16xi1>
        %masked_cumsum3A_863 = tpu.scan <sum>, %add3A_860 masked %broadcast_in_dim3A_862 : vector<16xf32>, vector<16xi1> -> vector<16xf32>
        %broadcast_in_dim3A_864 = arith.constant 21 : i32
        %broadcast_in_dim3A_865 = vector.broadcast %broadcast_in_dim3A_864 : i32 to vector<16xi32>
        %broadcast_in_dim3A_866 = vector.broadcast %add3A_139 : i32 to vector<16xi32>
        tpu.vector_store_idx %arg10[%broadcast_in_dim3A_865, %broadcast_in_dim3A_866], %masked_cumsum3A_863 masked %eq3A_4 : memref<64x512xf32, #tpu.memory_space<vmem>>[vector<16xi32>, vector<16xi32>], vector<16xf32>, vector<16xi1>
        %mul3A_867 = arith.mulf %get3A_841, %get3A_841 : vector<16xf32>
        %mul3A_868 = arith.mulf %get3A_845, %get3A_845 : vector<16xf32>
        %add3A_869 = arith.addf %mul3A_867, %mul3A_868 : vector<16xf32>
        %mul3A_870 = arith.mulf %get3A_849, %get3A_849 : vector<16xf32>
        %add3A_871 = arith.addf %add3A_869, %mul3A_870 : vector<16xf32>
        %mul3A_872 = arith.mulf %get3A_853, %get3A_853 : vector<16xf32>
        %add3A_873 = arith.addf %add3A_871, %mul3A_872 : vector<16xf32>
        %broadcast_in_dim3A_874 = arith.constant true
        %broadcast_in_dim3A_875 = vector.broadcast %broadcast_in_dim3A_874 : i1 to vector<16xi1>
        %masked_cumsum3A_876 = tpu.scan <sum>, %add3A_873 masked %broadcast_in_dim3A_875 : vector<16xf32>, vector<16xi1> -> vector<16xf32>
        %broadcast_in_dim3A_877 = arith.constant 45 : i32
        %broadcast_in_dim3A_878 = vector.broadcast %broadcast_in_dim3A_877 : i32 to vector<16xi32>
        %broadcast_in_dim3A_879 = vector.broadcast %add3A_139 : i32 to vector<16xi32>
        tpu.vector_store_idx %arg10[%broadcast_in_dim3A_878, %broadcast_in_dim3A_879], %masked_cumsum3A_876 masked %eq3A_4 : memref<64x512xf32, #tpu.memory_space<vmem>>[vector<16xi32>, vector<16xi32>], vector<16xf32>, vector<16xi1>
        %mul3A_880 = arith.constant 20 : i32
        %mul3A_881 = arith.muli %scan3A_135, %mul3A_880 : i32
        %add3A_882 = arith.constant 16 : i32
        %add3A_883 = arith.addi %add3A_882, %mul3A_881 : i32
        %add3A_884 = arith.constant 14 : i32
        %add3A_885 = arith.addi %add3A_883, %add3A_884 : i32
        %get3A_886 = arith.index_cast %rem3A_81 : i32 to index
        %get3A_887 = arith.index_cast %add3A_885 : i32 to index
        %get3A_888 = arith.constant 0 : index
        %get3A_889 = tpu.vector_load %arg8[%get3A_886, %get3A_887, %get3A_888] {strides = array<i32>} : memref<2x336x64xf32, #tpu.memory_space<vmem>>, vector<16xf32>,
        %get3A_890 = arith.index_cast %rem3A_81 : i32 to index
        %get3A_891 = arith.index_cast %add3A_885 : i32 to index
        %get3A_892 = arith.constant 16 : index
        %get3A_893 = tpu.vector_load %arg8[%get3A_890, %get3A_891, %get3A_892] {strides = array<i32>} : memref<2x336x64xf32, #tpu.memory_space<vmem>>, vector<16xf32>,
        %get3A_894 = arith.index_cast %rem3A_81 : i32 to index
        %get3A_895 = arith.index_cast %add3A_885 : i32 to index
        %get3A_896 = arith.constant 32 : index
        %get3A_897 = tpu.vector_load %arg8[%get3A_894, %get3A_895, %get3A_896] {strides = array<i32>} : memref<2x336x64xf32, #tpu.memory_space<vmem>>, vector<16xf32>,
        %get3A_898 = arith.index_cast %rem3A_81 : i32 to index
        %get3A_899 = arith.index_cast %add3A_885 : i32 to index
        %get3A_900 = arith.constant 48 : index
        %get3A_901 = tpu.vector_load %arg8[%get3A_898, %get3A_899, %get3A_900] {strides = array<i32>} : memref<2x336x64xf32, #tpu.memory_space<vmem>>, vector<16xf32>,
        %mul3A_902 = arith.mulf %get3A_889, %get3A_142 : vector<16xf32>
        %mul3A_903 = arith.mulf %get3A_893, %get3A_146 : vector<16xf32>
        %add3A_904 = arith.addf %mul3A_902, %mul3A_903 : vector<16xf32>
        %mul3A_905 = arith.mulf %get3A_897, %get3A_150 : vector<16xf32>
        %add3A_906 = arith.addf %add3A_904, %mul3A_905 : vector<16xf32>
        %mul3A_907 = arith.mulf %get3A_901, %get3A_154 : vector<16xf32>
        %add3A_908 = arith.addf %add3A_906, %mul3A_907 : vector<16xf32>
        %broadcast_in_dim3A_909 = arith.constant true
        %broadcast_in_dim3A_910 = vector.broadcast %broadcast_in_dim3A_909 : i1 to vector<16xi1>
        %masked_cumsum3A_911 = tpu.scan <sum>, %add3A_908 masked %broadcast_in_dim3A_910 : vector<16xf32>, vector<16xi1> -> vector<16xf32>
        %broadcast_in_dim3A_912 = arith.constant 22 : i32
        %broadcast_in_dim3A_913 = vector.broadcast %broadcast_in_dim3A_912 : i32 to vector<16xi32>
        %broadcast_in_dim3A_914 = vector.broadcast %add3A_139 : i32 to vector<16xi32>
        tpu.vector_store_idx %arg10[%broadcast_in_dim3A_913, %broadcast_in_dim3A_914], %masked_cumsum3A_911 masked %eq3A_4 : memref<64x512xf32, #tpu.memory_space<vmem>>[vector<16xi32>, vector<16xi32>], vector<16xf32>, vector<16xi1>
        %mul3A_915 = arith.mulf %get3A_889, %get3A_889 : vector<16xf32>
        %mul3A_916 = arith.mulf %get3A_893, %get3A_893 : vector<16xf32>
        %add3A_917 = arith.addf %mul3A_915, %mul3A_916 : vector<16xf32>
        %mul3A_918 = arith.mulf %get3A_897, %get3A_897 : vector<16xf32>
        %add3A_919 = arith.addf %add3A_917, %mul3A_918 : vector<16xf32>
        %mul3A_920 = arith.mulf %get3A_901, %get3A_901 : vector<16xf32>
        %add3A_921 = arith.addf %add3A_919, %mul3A_920 : vector<16xf32>
        %broadcast_in_dim3A_922 = arith.constant true
        %broadcast_in_dim3A_923 = vector.broadcast %broadcast_in_dim3A_922 : i1 to vector<16xi1>
        %masked_cumsum3A_924 = tpu.scan <sum>, %add3A_921 masked %broadcast_in_dim3A_923 : vector<16xf32>, vector<16xi1> -> vector<16xf32>
        %broadcast_in_dim3A_925 = arith.constant 46 : i32
        %broadcast_in_dim3A_926 = vector.broadcast %broadcast_in_dim3A_925 : i32 to vector<16xi32>
        %broadcast_in_dim3A_927 = vector.broadcast %add3A_139 : i32 to vector<16xi32>
        tpu.vector_store_idx %arg10[%broadcast_in_dim3A_926, %broadcast_in_dim3A_927], %masked_cumsum3A_924 masked %eq3A_4 : memref<64x512xf32, #tpu.memory_space<vmem>>[vector<16xi32>, vector<16xi32>], vector<16xf32>, vector<16xi1>
        %mul3A_928 = arith.constant 20 : i32
        %mul3A_929 = arith.muli %scan3A_135, %mul3A_928 : i32
        %add3A_930 = arith.constant 16 : i32
        %add3A_931 = arith.addi %add3A_930, %mul3A_929 : i32
        %add3A_932 = arith.constant 15 : i32
        %add3A_933 = arith.addi %add3A_931, %add3A_932 : i32
        %get3A_934 = arith.index_cast %rem3A_81 : i32 to index
        %get3A_935 = arith.index_cast %add3A_933 : i32 to index
        %get3A_936 = arith.constant 0 : index
        %get3A_937 = tpu.vector_load %arg8[%get3A_934, %get3A_935, %get3A_936] {strides = array<i32>} : memref<2x336x64xf32, #tpu.memory_space<vmem>>, vector<16xf32>,
        %get3A_938 = arith.index_cast %rem3A_81 : i32 to index
        %get3A_939 = arith.index_cast %add3A_933 : i32 to index
        %get3A_940 = arith.constant 16 : index
        %get3A_941 = tpu.vector_load %arg8[%get3A_938, %get3A_939, %get3A_940] {strides = array<i32>} : memref<2x336x64xf32, #tpu.memory_space<vmem>>, vector<16xf32>,
        %get3A_942 = arith.index_cast %rem3A_81 : i32 to index
        %get3A_943 = arith.index_cast %add3A_933 : i32 to index
        %get3A_944 = arith.constant 32 : index
        %get3A_945 = tpu.vector_load %arg8[%get3A_942, %get3A_943, %get3A_944] {strides = array<i32>} : memref<2x336x64xf32, #tpu.memory_space<vmem>>, vector<16xf32>,
        %get3A_946 = arith.index_cast %rem3A_81 : i32 to index
        %get3A_947 = arith.index_cast %add3A_933 : i32 to index
        %get3A_948 = arith.constant 48 : index
        %get3A_949 = tpu.vector_load %arg8[%get3A_946, %get3A_947, %get3A_948] {strides = array<i32>} : memref<2x336x64xf32, #tpu.memory_space<vmem>>, vector<16xf32>,
        %mul3A_950 = arith.mulf %get3A_937, %get3A_142 : vector<16xf32>
        %mul3A_951 = arith.mulf %get3A_941, %get3A_146 : vector<16xf32>
        %add3A_952 = arith.addf %mul3A_950, %mul3A_951 : vector<16xf32>
        %mul3A_953 = arith.mulf %get3A_945, %get3A_150 : vector<16xf32>
        %add3A_954 = arith.addf %add3A_952, %mul3A_953 : vector<16xf32>
        %mul3A_955 = arith.mulf %get3A_949, %get3A_154 : vector<16xf32>
        %add3A_956 = arith.addf %add3A_954, %mul3A_955 : vector<16xf32>
        %broadcast_in_dim3A_957 = arith.constant true
        %broadcast_in_dim3A_958 = vector.broadcast %broadcast_in_dim3A_957 : i1 to vector<16xi1>
        %masked_cumsum3A_959 = tpu.scan <sum>, %add3A_956 masked %broadcast_in_dim3A_958 : vector<16xf32>, vector<16xi1> -> vector<16xf32>
        %broadcast_in_dim3A_960 = arith.constant 23 : i32
        %broadcast_in_dim3A_961 = vector.broadcast %broadcast_in_dim3A_960 : i32 to vector<16xi32>
        %broadcast_in_dim3A_962 = vector.broadcast %add3A_139 : i32 to vector<16xi32>
        tpu.vector_store_idx %arg10[%broadcast_in_dim3A_961, %broadcast_in_dim3A_962], %masked_cumsum3A_959 masked %eq3A_4 : memref<64x512xf32, #tpu.memory_space<vmem>>[vector<16xi32>, vector<16xi32>], vector<16xf32>, vector<16xi1>
        %mul3A_963 = arith.mulf %get3A_937, %get3A_937 : vector<16xf32>
        %mul3A_964 = arith.mulf %get3A_941, %get3A_941 : vector<16xf32>
        %add3A_965 = arith.addf %mul3A_963, %mul3A_964 : vector<16xf32>
        %mul3A_966 = arith.mulf %get3A_945, %get3A_945 : vector<16xf32>
        %add3A_967 = arith.addf %add3A_965, %mul3A_966 : vector<16xf32>
        %mul3A_968 = arith.mulf %get3A_949, %get3A_949 : vector<16xf32>
        %add3A_969 = arith.addf %add3A_967, %mul3A_968 : vector<16xf32>
        %broadcast_in_dim3A_970 = arith.constant true
        %broadcast_in_dim3A_971 = vector.broadcast %broadcast_in_dim3A_970 : i1 to vector<16xi1>
        %masked_cumsum3A_972 = tpu.scan <sum>, %add3A_969 masked %broadcast_in_dim3A_971 : vector<16xf32>, vector<16xi1> -> vector<16xf32>
        %broadcast_in_dim3A_973 = arith.constant 47 : i32
        %broadcast_in_dim3A_974 = vector.broadcast %broadcast_in_dim3A_973 : i32 to vector<16xi32>
        %broadcast_in_dim3A_975 = vector.broadcast %add3A_139 : i32 to vector<16xi32>
        tpu.vector_store_idx %arg10[%broadcast_in_dim3A_974, %broadcast_in_dim3A_975], %masked_cumsum3A_972 masked %eq3A_4 : memref<64x512xf32, #tpu.memory_space<vmem>>[vector<16xi32>, vector<16xi32>], vector<16xf32>, vector<16xi1>
        %mul3A_976 = arith.constant 20 : i32
        %mul3A_977 = arith.muli %scan3A_135, %mul3A_976 : i32
        %add3A_978 = arith.constant 16 : i32
        %add3A_979 = arith.addi %add3A_978, %mul3A_977 : i32
        %add3A_980 = arith.constant 16 : i32
        %add3A_981 = arith.addi %add3A_979, %add3A_980 : i32
        %get3A_982 = arith.index_cast %rem3A_81 : i32 to index
        %get3A_983 = arith.index_cast %add3A_981 : i32 to index
        %get3A_984 = arith.constant 0 : index
        %get3A_985 = tpu.vector_load %arg8[%get3A_982, %get3A_983, %get3A_984] {strides = array<i32>} : memref<2x336x64xf32, #tpu.memory_space<vmem>>, vector<16xf32>,
        %get3A_986 = arith.index_cast %rem3A_81 : i32 to index
        %get3A_987 = arith.index_cast %add3A_981 : i32 to index
        %get3A_988 = arith.constant 16 : index
        %get3A_989 = tpu.vector_load %arg8[%get3A_986, %get3A_987, %get3A_988] {strides = array<i32>} : memref<2x336x64xf32, #tpu.memory_space<vmem>>, vector<16xf32>,
        %get3A_990 = arith.index_cast %rem3A_81 : i32 to index
        %get3A_991 = arith.index_cast %add3A_981 : i32 to index
        %get3A_992 = arith.constant 32 : index
        %get3A_993 = tpu.vector_load %arg8[%get3A_990, %get3A_991, %get3A_992] {strides = array<i32>} : memref<2x336x64xf32, #tpu.memory_space<vmem>>, vector<16xf32>,
        %get3A_994 = arith.index_cast %rem3A_81 : i32 to index
        %get3A_995 = arith.index_cast %add3A_981 : i32 to index
        %get3A_996 = arith.constant 48 : index
        %get3A_997 = tpu.vector_load %arg8[%get3A_994, %get3A_995, %get3A_996] {strides = array<i32>} : memref<2x336x64xf32, #tpu.memory_space<vmem>>, vector<16xf32>,
        %mul3A_998 = arith.mulf %get3A_985, %get3A_142 : vector<16xf32>
        %mul3A_999 = arith.mulf %get3A_989, %get3A_146 : vector<16xf32>
        %add3A_1000 = arith.addf %mul3A_998, %mul3A_999 : vector<16xf32>
        %mul3A_1001 = arith.mulf %get3A_993, %get3A_150 : vector<16xf32>
        %add3A_1002 = arith.addf %add3A_1000, %mul3A_1001 : vector<16xf32>
        %mul3A_1003 = arith.mulf %get3A_997, %get3A_154 : vector<16xf32>
        %add3A_1004 = arith.addf %add3A_1002, %mul3A_1003 : vector<16xf32>
        %broadcast_in_dim3A_1005 = arith.constant true
        %broadcast_in_dim3A_1006 = vector.broadcast %broadcast_in_dim3A_1005 : i1 to vector<16xi1>
        %masked_cumsum3A_1007 = tpu.scan <sum>, %add3A_1004 masked %broadcast_in_dim3A_1006 : vector<16xf32>, vector<16xi1> -> vector<16xf32>
        %broadcast_in_dim3A_1008 = arith.constant 24 : i32
        %broadcast_in_dim3A_1009 = vector.broadcast %broadcast_in_dim3A_1008 : i32 to vector<16xi32>
        %broadcast_in_dim3A_1010 = vector.broadcast %add3A_139 : i32 to vector<16xi32>
        tpu.vector_store_idx %arg10[%broadcast_in_dim3A_1009, %broadcast_in_dim3A_1010], %masked_cumsum3A_1007 masked %eq3A_4 : memref<64x512xf32, #tpu.memory_space<vmem>>[vector<16xi32>, vector<16xi32>], vector<16xf32>, vector<16xi1>
        %mul3A_1011 = arith.mulf %get3A_985, %get3A_985 : vector<16xf32>
        %mul3A_1012 = arith.mulf %get3A_989, %get3A_989 : vector<16xf32>
        %add3A_1013 = arith.addf %mul3A_1011, %mul3A_1012 : vector<16xf32>
        %mul3A_1014 = arith.mulf %get3A_993, %get3A_993 : vector<16xf32>
        %add3A_1015 = arith.addf %add3A_1013, %mul3A_1014 : vector<16xf32>
        %mul3A_1016 = arith.mulf %get3A_997, %get3A_997 : vector<16xf32>
        %add3A_1017 = arith.addf %add3A_1015, %mul3A_1016 : vector<16xf32>
        %broadcast_in_dim3A_1018 = arith.constant true
        %broadcast_in_dim3A_1019 = vector.broadcast %broadcast_in_dim3A_1018 : i1 to vector<16xi1>
        %masked_cumsum3A_1020 = tpu.scan <sum>, %add3A_1017 masked %broadcast_in_dim3A_1019 : vector<16xf32>, vector<16xi1> -> vector<16xf32>
        %broadcast_in_dim3A_1021 = arith.constant 48 : i32
        %broadcast_in_dim3A_1022 = vector.broadcast %broadcast_in_dim3A_1021 : i32 to vector<16xi32>
        %broadcast_in_dim3A_1023 = vector.broadcast %add3A_139 : i32 to vector<16xi32>
        tpu.vector_store_idx %arg10[%broadcast_in_dim3A_1022, %broadcast_in_dim3A_1023], %masked_cumsum3A_1020 masked %eq3A_4 : memref<64x512xf32, #tpu.memory_space<vmem>>[vector<16xi32>, vector<16xi32>], vector<16xf32>, vector<16xi1>
        %mul3A_1024 = arith.constant 20 : i32
        %mul3A_1025 = arith.muli %scan3A_135, %mul3A_1024 : i32
        %add3A_1026 = arith.constant 16 : i32
        %add3A_1027 = arith.addi %add3A_1026, %mul3A_1025 : i32
        %add3A_1028 = arith.constant 17 : i32
        %add3A_1029 = arith.addi %add3A_1027, %add3A_1028 : i32
        %get3A_1030 = arith.index_cast %rem3A_81 : i32 to index
        %get3A_1031 = arith.index_cast %add3A_1029 : i32 to index
        %get3A_1032 = arith.constant 0 : index
        %get3A_1033 = tpu.vector_load %arg8[%get3A_1030, %get3A_1031, %get3A_1032] {strides = array<i32>} : memref<2x336x64xf32, #tpu.memory_space<vmem>>, vector<16xf32>,
        %get3A_1034 = arith.index_cast %rem3A_81 : i32 to index
        %get3A_1035 = arith.index_cast %add3A_1029 : i32 to index
        %get3A_1036 = arith.constant 16 : index
        %get3A_1037 = tpu.vector_load %arg8[%get3A_1034, %get3A_1035, %get3A_1036] {strides = array<i32>} : memref<2x336x64xf32, #tpu.memory_space<vmem>>, vector<16xf32>,
        %get3A_1038 = arith.index_cast %rem3A_81 : i32 to index
        %get3A_1039 = arith.index_cast %add3A_1029 : i32 to index
        %get3A_1040 = arith.constant 32 : index
        %get3A_1041 = tpu.vector_load %arg8[%get3A_1038, %get3A_1039, %get3A_1040] {strides = array<i32>} : memref<2x336x64xf32, #tpu.memory_space<vmem>>, vector<16xf32>,
        %get3A_1042 = arith.index_cast %rem3A_81 : i32 to index
        %get3A_1043 = arith.index_cast %add3A_1029 : i32 to index
        %get3A_1044 = arith.constant 48 : index
        %get3A_1045 = tpu.vector_load %arg8[%get3A_1042, %get3A_1043, %get3A_1044] {strides = array<i32>} : memref<2x336x64xf32, #tpu.memory_space<vmem>>, vector<16xf32>,
        %mul3A_1046 = arith.mulf %get3A_1033, %get3A_142 : vector<16xf32>
        %mul3A_1047 = arith.mulf %get3A_1037, %get3A_146 : vector<16xf32>
        %add3A_1048 = arith.addf %mul3A_1046, %mul3A_1047 : vector<16xf32>
        %mul3A_1049 = arith.mulf %get3A_1041, %get3A_150 : vector<16xf32>
        %add3A_1050 = arith.addf %add3A_1048, %mul3A_1049 : vector<16xf32>
        %mul3A_1051 = arith.mulf %get3A_1045, %get3A_154 : vector<16xf32>
        %add3A_1052 = arith.addf %add3A_1050, %mul3A_1051 : vector<16xf32>
        %broadcast_in_dim3A_1053 = arith.constant true
        %broadcast_in_dim3A_1054 = vector.broadcast %broadcast_in_dim3A_1053 : i1 to vector<16xi1>
        %masked_cumsum3A_1055 = tpu.scan <sum>, %add3A_1052 masked %broadcast_in_dim3A_1054 : vector<16xf32>, vector<16xi1> -> vector<16xf32>
        %broadcast_in_dim3A_1056 = arith.constant 25 : i32
        %broadcast_in_dim3A_1057 = vector.broadcast %broadcast_in_dim3A_1056 : i32 to vector<16xi32>
        %broadcast_in_dim3A_1058 = vector.broadcast %add3A_139 : i32 to vector<16xi32>
        tpu.vector_store_idx %arg10[%broadcast_in_dim3A_1057, %broadcast_in_dim3A_1058], %masked_cumsum3A_1055 masked %eq3A_4 : memref<64x512xf32, #tpu.memory_space<vmem>>[vector<16xi32>, vector<16xi32>], vector<16xf32>, vector<16xi1>
        %mul3A_1059 = arith.mulf %get3A_1033, %get3A_1033 : vector<16xf32>
        %mul3A_1060 = arith.mulf %get3A_1037, %get3A_1037 : vector<16xf32>
        %add3A_1061 = arith.addf %mul3A_1059, %mul3A_1060 : vector<16xf32>
        %mul3A_1062 = arith.mulf %get3A_1041, %get3A_1041 : vector<16xf32>
        %add3A_1063 = arith.addf %add3A_1061, %mul3A_1062 : vector<16xf32>
        %mul3A_1064 = arith.mulf %get3A_1045, %get3A_1045 : vector<16xf32>
        %add3A_1065 = arith.addf %add3A_1063, %mul3A_1064 : vector<16xf32>
        %broadcast_in_dim3A_1066 = arith.constant true
        %broadcast_in_dim3A_1067 = vector.broadcast %broadcast_in_dim3A_1066 : i1 to vector<16xi1>
        %masked_cumsum3A_1068 = tpu.scan <sum>, %add3A_1065 masked %broadcast_in_dim3A_1067 : vector<16xf32>, vector<16xi1> -> vector<16xf32>
        %broadcast_in_dim3A_1069 = arith.constant 49 : i32
        %broadcast_in_dim3A_1070 = vector.broadcast %broadcast_in_dim3A_1069 : i32 to vector<16xi32>
        %broadcast_in_dim3A_1071 = vector.broadcast %add3A_139 : i32 to vector<16xi32>
        tpu.vector_store_idx %arg10[%broadcast_in_dim3A_1070, %broadcast_in_dim3A_1071], %masked_cumsum3A_1068 masked %eq3A_4 : memref<64x512xf32, #tpu.memory_space<vmem>>[vector<16xi32>, vector<16xi32>], vector<16xf32>, vector<16xi1>
        %mul3A_1072 = arith.constant 20 : i32
        %mul3A_1073 = arith.muli %scan3A_135, %mul3A_1072 : i32
        %add3A_1074 = arith.constant 16 : i32
        %add3A_1075 = arith.addi %add3A_1074, %mul3A_1073 : i32
        %add3A_1076 = arith.constant 18 : i32
        %add3A_1077 = arith.addi %add3A_1075, %add3A_1076 : i32
        %get3A_1078 = arith.index_cast %rem3A_81 : i32 to index
        %get3A_1079 = arith.index_cast %add3A_1077 : i32 to index
        %get3A_1080 = arith.constant 0 : index
        %get3A_1081 = tpu.vector_load %arg8[%get3A_1078, %get3A_1079, %get3A_1080] {strides = array<i32>} : memref<2x336x64xf32, #tpu.memory_space<vmem>>, vector<16xf32>,
        %get3A_1082 = arith.index_cast %rem3A_81 : i32 to index
        %get3A_1083 = arith.index_cast %add3A_1077 : i32 to index
        %get3A_1084 = arith.constant 16 : index
        %get3A_1085 = tpu.vector_load %arg8[%get3A_1082, %get3A_1083, %get3A_1084] {strides = array<i32>} : memref<2x336x64xf32, #tpu.memory_space<vmem>>, vector<16xf32>,
        %get3A_1086 = arith.index_cast %rem3A_81 : i32 to index
        %get3A_1087 = arith.index_cast %add3A_1077 : i32 to index
        %get3A_1088 = arith.constant 32 : index
        %get3A_1089 = tpu.vector_load %arg8[%get3A_1086, %get3A_1087, %get3A_1088] {strides = array<i32>} : memref<2x336x64xf32, #tpu.memory_space<vmem>>, vector<16xf32>,
        %get3A_1090 = arith.index_cast %rem3A_81 : i32 to index
        %get3A_1091 = arith.index_cast %add3A_1077 : i32 to index
        %get3A_1092 = arith.constant 48 : index
        %get3A_1093 = tpu.vector_load %arg8[%get3A_1090, %get3A_1091, %get3A_1092] {strides = array<i32>} : memref<2x336x64xf32, #tpu.memory_space<vmem>>, vector<16xf32>,
        %mul3A_1094 = arith.mulf %get3A_1081, %get3A_142 : vector<16xf32>
        %mul3A_1095 = arith.mulf %get3A_1085, %get3A_146 : vector<16xf32>
        %add3A_1096 = arith.addf %mul3A_1094, %mul3A_1095 : vector<16xf32>
        %mul3A_1097 = arith.mulf %get3A_1089, %get3A_150 : vector<16xf32>
        %add3A_1098 = arith.addf %add3A_1096, %mul3A_1097 : vector<16xf32>
        %mul3A_1099 = arith.mulf %get3A_1093, %get3A_154 : vector<16xf32>
        %add3A_1100 = arith.addf %add3A_1098, %mul3A_1099 : vector<16xf32>
        %broadcast_in_dim3A_1101 = arith.constant true
        %broadcast_in_dim3A_1102 = vector.broadcast %broadcast_in_dim3A_1101 : i1 to vector<16xi1>
        %masked_cumsum3A_1103 = tpu.scan <sum>, %add3A_1100 masked %broadcast_in_dim3A_1102 : vector<16xf32>, vector<16xi1> -> vector<16xf32>
        %broadcast_in_dim3A_1104 = arith.constant 26 : i32
        %broadcast_in_dim3A_1105 = vector.broadcast %broadcast_in_dim3A_1104 : i32 to vector<16xi32>
        %broadcast_in_dim3A_1106 = vector.broadcast %add3A_139 : i32 to vector<16xi32>
        tpu.vector_store_idx %arg10[%broadcast_in_dim3A_1105, %broadcast_in_dim3A_1106], %masked_cumsum3A_1103 masked %eq3A_4 : memref<64x512xf32, #tpu.memory_space<vmem>>[vector<16xi32>, vector<16xi32>], vector<16xf32>, vector<16xi1>
        %mul3A_1107 = arith.mulf %get3A_1081, %get3A_1081 : vector<16xf32>
        %mul3A_1108 = arith.mulf %get3A_1085, %get3A_1085 : vector<16xf32>
        %add3A_1109 = arith.addf %mul3A_1107, %mul3A_1108 : vector<16xf32>
        %mul3A_1110 = arith.mulf %get3A_1089, %get3A_1089 : vector<16xf32>
        %add3A_1111 = arith.addf %add3A_1109, %mul3A_1110 : vector<16xf32>
        %mul3A_1112 = arith.mulf %get3A_1093, %get3A_1093 : vector<16xf32>
        %add3A_1113 = arith.addf %add3A_1111, %mul3A_1112 : vector<16xf32>
        %broadcast_in_dim3A_1114 = arith.constant true
        %broadcast_in_dim3A_1115 = vector.broadcast %broadcast_in_dim3A_1114 : i1 to vector<16xi1>
        %masked_cumsum3A_1116 = tpu.scan <sum>, %add3A_1113 masked %broadcast_in_dim3A_1115 : vector<16xf32>, vector<16xi1> -> vector<16xf32>
        %broadcast_in_dim3A_1117 = arith.constant 50 : i32
        %broadcast_in_dim3A_1118 = vector.broadcast %broadcast_in_dim3A_1117 : i32 to vector<16xi32>
        %broadcast_in_dim3A_1119 = vector.broadcast %add3A_139 : i32 to vector<16xi32>
        tpu.vector_store_idx %arg10[%broadcast_in_dim3A_1118, %broadcast_in_dim3A_1119], %masked_cumsum3A_1116 masked %eq3A_4 : memref<64x512xf32, #tpu.memory_space<vmem>>[vector<16xi32>, vector<16xi32>], vector<16xf32>, vector<16xi1>
        %mul3A_1120 = arith.constant 20 : i32
        %mul3A_1121 = arith.muli %scan3A_135, %mul3A_1120 : i32
        %add3A_1122 = arith.constant 16 : i32
        %add3A_1123 = arith.addi %add3A_1122, %mul3A_1121 : i32
        %add3A_1124 = arith.constant 19 : i32
        %add3A_1125 = arith.addi %add3A_1123, %add3A_1124 : i32
        %get3A_1126 = arith.index_cast %rem3A_81 : i32 to index
        %get3A_1127 = arith.index_cast %add3A_1125 : i32 to index
        %get3A_1128 = arith.constant 0 : index
        %get3A_1129 = tpu.vector_load %arg8[%get3A_1126, %get3A_1127, %get3A_1128] {strides = array<i32>} : memref<2x336x64xf32, #tpu.memory_space<vmem>>, vector<16xf32>,
        %get3A_1130 = arith.index_cast %rem3A_81 : i32 to index
        %get3A_1131 = arith.index_cast %add3A_1125 : i32 to index
        %get3A_1132 = arith.constant 16 : index
        %get3A_1133 = tpu.vector_load %arg8[%get3A_1130, %get3A_1131, %get3A_1132] {strides = array<i32>} : memref<2x336x64xf32, #tpu.memory_space<vmem>>, vector<16xf32>,
        %get3A_1134 = arith.index_cast %rem3A_81 : i32 to index
        %get3A_1135 = arith.index_cast %add3A_1125 : i32 to index
        %get3A_1136 = arith.constant 32 : index
        %get3A_1137 = tpu.vector_load %arg8[%get3A_1134, %get3A_1135, %get3A_1136] {strides = array<i32>} : memref<2x336x64xf32, #tpu.memory_space<vmem>>, vector<16xf32>,
        %get3A_1138 = arith.index_cast %rem3A_81 : i32 to index
        %get3A_1139 = arith.index_cast %add3A_1125 : i32 to index
        %get3A_1140 = arith.constant 48 : index
        %get3A_1141 = tpu.vector_load %arg8[%get3A_1138, %get3A_1139, %get3A_1140] {strides = array<i32>} : memref<2x336x64xf32, #tpu.memory_space<vmem>>, vector<16xf32>,
        %mul3A_1142 = arith.mulf %get3A_1129, %get3A_142 : vector<16xf32>
        %mul3A_1143 = arith.mulf %get3A_1133, %get3A_146 : vector<16xf32>
        %add3A_1144 = arith.addf %mul3A_1142, %mul3A_1143 : vector<16xf32>
        %mul3A_1145 = arith.mulf %get3A_1137, %get3A_150 : vector<16xf32>
        %add3A_1146 = arith.addf %add3A_1144, %mul3A_1145 : vector<16xf32>
        %mul3A_1147 = arith.mulf %get3A_1141, %get3A_154 : vector<16xf32>
        %add3A_1148 = arith.addf %add3A_1146, %mul3A_1147 : vector<16xf32>
        %broadcast_in_dim3A_1149 = arith.constant true
        %broadcast_in_dim3A_1150 = vector.broadcast %broadcast_in_dim3A_1149 : i1 to vector<16xi1>
        %masked_cumsum3A_1151 = tpu.scan <sum>, %add3A_1148 masked %broadcast_in_dim3A_1150 : vector<16xf32>, vector<16xi1> -> vector<16xf32>
        %broadcast_in_dim3A_1152 = arith.constant 27 : i32
        %broadcast_in_dim3A_1153 = vector.broadcast %broadcast_in_dim3A_1152 : i32 to vector<16xi32>
        %broadcast_in_dim3A_1154 = vector.broadcast %add3A_139 : i32 to vector<16xi32>
        tpu.vector_store_idx %arg10[%broadcast_in_dim3A_1153, %broadcast_in_dim3A_1154], %masked_cumsum3A_1151 masked %eq3A_4 : memref<64x512xf32, #tpu.memory_space<vmem>>[vector<16xi32>, vector<16xi32>], vector<16xf32>, vector<16xi1>
        %mul3A_1155 = arith.mulf %get3A_1129, %get3A_1129 : vector<16xf32>
        %mul3A_1156 = arith.mulf %get3A_1133, %get3A_1133 : vector<16xf32>
        %add3A_1157 = arith.addf %mul3A_1155, %mul3A_1156 : vector<16xf32>
        %mul3A_1158 = arith.mulf %get3A_1137, %get3A_1137 : vector<16xf32>
        %add3A_1159 = arith.addf %add3A_1157, %mul3A_1158 : vector<16xf32>
        %mul3A_1160 = arith.mulf %get3A_1141, %get3A_1141 : vector<16xf32>
        %add3A_1161 = arith.addf %add3A_1159, %mul3A_1160 : vector<16xf32>
        %broadcast_in_dim3A_1162 = arith.constant true
        %broadcast_in_dim3A_1163 = vector.broadcast %broadcast_in_dim3A_1162 : i1 to vector<16xi1>
        %masked_cumsum3A_1164 = tpu.scan <sum>, %add3A_1161 masked %broadcast_in_dim3A_1163 : vector<16xf32>, vector<16xi1> -> vector<16xf32>
        %broadcast_in_dim3A_1165 = arith.constant 51 : i32
        %broadcast_in_dim3A_1166 = vector.broadcast %broadcast_in_dim3A_1165 : i32 to vector<16xi32>
        %broadcast_in_dim3A_1167 = vector.broadcast %add3A_139 : i32 to vector<16xi32>
        tpu.vector_store_idx %arg10[%broadcast_in_dim3A_1166, %broadcast_in_dim3A_1167], %masked_cumsum3A_1164 masked %eq3A_4 : memref<64x512xf32, #tpu.memory_space<vmem>>[vector<16xi32>, vector<16xi32>], vector<16xf32>, vector<16xi1>
        %scan3A_1168 = arith.constant 0 : i32
        scf.yield %scan3A_1168 : i32
      }
      %scan3A_133 = arith.constant 16 : i32
      %scan3A_134 = arith.constant 0 : i32
      scf.yield %scan3A_134 : i32
    }
    %scan3A_70 = arith.constant 32 : i32
    %dma_start3A_71 = arith.constant 0 : i32
    %dma_start3A_72 = tpu.memref_slice %arg6[%dma_start3A_71, %mul3A_2] : memref<64x16384xf32, #tpu.memory_space<hbm>> -> memref<64x512xf32, #tpu.memory_space<hbm>>
    %dma_start3A_73 = arith.constant 0 : i32
    %dma_start3A_74 = tpu.memref_slice %arg6[%dma_start3A_73, %mul3A_2] : memref<64x16384xf32, #tpu.memory_space<hbm>> -> memref<64x512xf32, #tpu.memory_space<hbm>>
    tpu.enqueue_dma source(%arg10 : memref<64x512xf32, #tpu.memory_space<vmem>>) target(%dma_start3A_74 : memref<64x512xf32, #tpu.memory_space<hbm>>) target_semaphore(%arg14 : memref<!tpu.dma_semaphore, #tpu.memory_space<semaphore_mem>>)
    %dma_wait3A_75 = arith.constant 0 : i32
    %dma_wait3A_76 = tpu.memref_slice %arg6[%dma_wait3A_75, %mul3A_2] : memref<64x16384xf32, #tpu.memory_space<hbm>> -> memref<64x512xf32, #tpu.memory_space<hbm>>
    %dma_wait3A_77 = arith.constant 0 : i32
    %dma_wait3A_78 = tpu.memref_slice %arg6[%dma_wait3A_77, %mul3A_2] : memref<64x16384xf32, #tpu.memory_space<hbm>> -> memref<64x512xf32, #tpu.memory_space<hbm>>
    tpu.wait_dma2 semaphore(%arg14 : memref<!tpu.dma_semaphore, #tpu.memory_space<semaphore_mem>>) src(%arg10 : memref<64x512xf32, #tpu.memory_space<vmem>>) dst(%dma_wait3A_78 : memref<64x512xf32, #tpu.memory_space<hbm>>)
    return
  }
}

module attributes {stable_mosaic.version = 14 : i64} {
  func.func @_tc_loss_body(%arg0: i32, %arg1: memref<64x2048xf32, #tpu.memory_space<vmem>>, %arg2: memref<1xf32, #tpu.memory_space<smem>>, %arg3: memref<1x1xf32, #tpu.memory_space<smem>>) attributes {dimension_semantics = [#tpu.dimension_semantics<arbitrary>], iteration_bounds = array<i64: 8>, scalar_prefetch = 0 : i64, scratch_operands = 0 : i64, tpu.core_type = #tpu.core_type<tc>, window_params = [{transform_indices = @transform_0, window_bounds = array<i64: 64, 2048>}, {transform_indices = @transform_1, window_bounds = array<i64: 1>}, {transform_indices = @transform_2, window_bounds = array<i64: 1, 1>}]} {
    %get3A = arith.constant 0 : index
    %get3A_0 = memref.load %arg2[%get3A] : memref<1xf32, #tpu.memory_space<smem>>
    %neg3A = arith.constant 0.000000e+00 : f32
    %neg3A_1 = arith.subf %neg3A, %get3A_0 : f32
    %exp3A = math.exp %neg3A_1 : f32
    %get3A_2 = arith.constant 0 : index
    %get3A_3 = arith.constant 0 : index
    %get3A_4 = vector.load %arg1[%get3A_2, %get3A_3] : memref<64x2048xf32, #tpu.memory_space<vmem>>, vector<1x2048xf32>
    %get3A_5 = arith.constant 1 : index
    %get3A_6 = arith.constant 0 : index
    %get3A_7 = vector.load %arg1[%get3A_5, %get3A_6] : memref<64x2048xf32, #tpu.memory_space<vmem>>, vector<1x2048xf32>
    %get3A_8 = arith.constant 2 : index
    %get3A_9 = arith.constant 0 : index
    %get3A_10 = vector.load %arg1[%get3A_8, %get3A_9] : memref<64x2048xf32, #tpu.memory_space<vmem>>, vector<1x2048xf32>
    %get3A_11 = arith.constant 8 : index
    %get3A_12 = arith.constant 0 : index
    %get3A_13 = vector.load %arg1[%get3A_11, %get3A_12] : memref<64x2048xf32, #tpu.memory_space<vmem>>, vector<20x2048xf32>
    %get3A_14 = arith.constant 32 : index
    %get3A_15 = arith.constant 0 : index
    %get3A_16 = vector.load %arg1[%get3A_14, %get3A_15] : memref<64x2048xf32, #tpu.memory_space<vmem>>, vector<20x2048xf32>
    %sqrt3A = math.sqrt %get3A_7 : vector<1x2048xf32>
    %max3A = arith.constant 9.99999996E-13 : f32
    %max3A_17 = vector.broadcast %max3A : f32 to vector<1x2048xf32>
    %max3A_18 = arith.maximumf %sqrt3A, %max3A_17 : vector<1x2048xf32>
    %sqrt3A_19 = math.sqrt %get3A_10 : vector<1x2048xf32>
    %max3A_20 = arith.constant 9.99999996E-13 : f32
    %max3A_21 = vector.broadcast %max3A_20 : f32 to vector<1x2048xf32>
    %max3A_22 = arith.maximumf %sqrt3A_19, %max3A_21 : vector<1x2048xf32>
    %sqrt3A_23 = math.sqrt %get3A_16 : vector<20x2048xf32>
    %max3A_24 = arith.constant 9.99999996E-13 : f32
    %max3A_25 = vector.broadcast %max3A_24 : f32 to vector<20x2048xf32>
    %max3A_26 = arith.maximumf %sqrt3A_23, %max3A_25 : vector<20x2048xf32>
    %mul3A = arith.mulf %max3A_18, %max3A_22 : vector<1x2048xf32>
    %div3A = arith.divf %get3A_4, %mul3A : vector<1x2048xf32>
    %mul3A_27 = vector.broadcast %exp3A : f32 to vector<1x2048xf32>
    %mul3A_28 = arith.mulf %div3A, %mul3A_27 : vector<1x2048xf32>
    %mul3A_29 = vector.broadcast %max3A_18 : vector<1x2048xf32> to vector<20x2048xf32>
    %mul3A_30 = arith.mulf %max3A_26, %mul3A_29 : vector<20x2048xf32>
    %div3A_31 = arith.divf %get3A_13, %mul3A_30 : vector<20x2048xf32>
    %mul3A_32 = vector.broadcast %exp3A : f32 to vector<20x2048xf32>
    %mul3A_33 = arith.mulf %div3A_31, %mul3A_32 : vector<20x2048xf32>
    %reduce_max3A = arith.constant dense<0xFF800000> : vector<2048xf32>
    %reduce_max3A_34 = vector.multi_reduction <maximumf>, %mul3A_33, %reduce_max3A [0] : vector<20x2048xf32> to vector<2048xf32>
    %broadcast_in_dim3A = vector.shape_cast %reduce_max3A_34 : vector<2048xf32> to vector<1x2048xf32>
    %max3A_35 = arith.maximumf %mul3A_28, %broadcast_in_dim3A : vector<1x2048xf32>
    %sub3A = arith.subf %mul3A_28, %max3A_35 : vector<1x2048xf32>
    %exp3A_36 = math.exp %sub3A : vector<1x2048xf32>
    %sub3A_37 = vector.broadcast %max3A_35 : vector<1x2048xf32> to vector<20x2048xf32>
    %sub3A_38 = arith.subf %mul3A_33, %sub3A_37 : vector<20x2048xf32>
    %exp3A_39 = math.exp %sub3A_38 : vector<20x2048xf32>
    %reduce_sum3A = arith.constant dense<0.000000e+00> : vector<2048xf32>
    %reduce_sum3A_40 = vector.multi_reduction <add>, %exp3A_39, %reduce_sum3A [0] : vector<20x2048xf32> to vector<2048xf32>
    %broadcast_in_dim3A_41 = vector.shape_cast %reduce_sum3A_40 : vector<2048xf32> to vector<1x2048xf32>
    %add3A = arith.addf %exp3A_36, %broadcast_in_dim3A_41 : vector<1x2048xf32>
    %log3A = math.log %add3A : vector<1x2048xf32>
    %add3A_42 = arith.addf %max3A_35, %log3A : vector<1x2048xf32>
    %sub3A_43 = arith.subf %add3A_42, %mul3A_28 : vector<1x2048xf32>
    %reduce_sum3A_44 = vector.shape_cast %sub3A_43 : vector<1x2048xf32> to vector<1x1x2048xf32>
    %reduce_sum3A_45 = arith.constant dense<0.000000e+00> : vector<1xf32>
    %reduce_sum3A_46 = vector.multi_reduction <add>, %reduce_sum3A_44, %reduce_sum3A_45 [1, 2] : vector<1x1x2048xf32> to vector<1xf32>
    %reduce_sum3A_47 = vector.shape_cast %reduce_sum3A_46 : vector<1xf32> to vector<1x1x1xf32>
    %reduce_sum3A_48 = vector.extract %reduce_sum3A_47[0, 0, 0] : f32 from vector<1x1x1xf32>
    %mul3A_49 = arith.constant 6.10351563E-5 : f32
    %mul3A_50 = arith.mulf %reduce_sum3A_48, %mul3A_49 : f32
    %eq3A = arith.constant 0 : i32
    %eq3A_51 = arith.cmpi eq, %arg0, %eq3A : i32
    %convert_element_type3A = arith.extui %eq3A_51 : i1 to i32
    %cond3A = arith.constant 0 : i32
    %cond3A_52 = arith.cmpi ne, %convert_element_type3A, %cond3A : i32
    scf.if %cond3A_52 {
      %swap3A_59 = arith.constant 0.000000e+00 : f32
      %swap3A_60 = arith.constant 0 : index
      %swap3A_61 = arith.constant 0 : index
      %swap3A_62 = memref.load %arg3[%swap3A_60, %swap3A_61] : memref<1x1xf32, #tpu.memory_space<smem>>
      memref.store %swap3A_59, %arg3[%swap3A_60, %swap3A_61] : memref<1x1xf32, #tpu.memory_space<smem>>
    } else {
    }
    %get3A_53 = arith.constant 0 : index
    %get3A_54 = arith.constant 0 : index
    %get3A_55 = memref.load %arg3[%get3A_53, %get3A_54] : memref<1x1xf32, #tpu.memory_space<smem>>
    %add3A_56 = arith.addf %get3A_55, %mul3A_50 : f32
    %swap3A = arith.constant 0 : index
    %swap3A_57 = arith.constant 0 : index
    %swap3A_58 = memref.load %arg3[%swap3A, %swap3A_57] : memref<1x1xf32, #tpu.memory_space<smem>>
    memref.store %add3A_56, %arg3[%swap3A, %swap3A_57] : memref<1x1xf32, #tpu.memory_space<smem>>
    return
  }
  func.func @transform_0(%arg0: i32) -> (i32, i32) {
    %c0_i32 = arith.constant 0 : i32
    %c0_i32_0 = arith.constant 0 : i32
    return %c0_i32, %arg0 : i32, i32
  }
  func.func @transform_1(%arg0: i32) -> i32 {
    %c0_i32 = arith.constant 0 : i32
    %c0_i32_0 = arith.constant 0 : i32
    return %c0_i32 : i32
  }
  func.func @transform_2(%arg0: i32) -> (i32, i32) {
    %c0_i32 = arith.constant 0 : i32
    %c0_i32_0 = arith.constant 0 : i32
    %c0_i32_1 = arith.constant 0 : i32
    return %c0_i32, %c0_i32_0 : i32, i32
  }
}

</mosaic_0001>

<sc_bundles>
// kernel: gather_offload_async_start
scs
__scs_entry_jumppad:
0x0: {  	(pc) =	sbr.rel $0x88, $3  }
0x1: {  	(tag) =	ssettag $0x0;
	lr =	simm.s32 $0x1  }
0x2: {  	[smem:$0x3F9B] =	sst lr;
	_ =	strace $0xD0000000  }
0x3: {  	_ = 	snop  }
0x4: {  	_ = 	snop  }
0x5: {  	_ = 	snop  }
0x6: {  	_ = 	snop  }
0x7: {  	_ = 	snop  }
__scs_overlays_trampoline_lowered:
0x8: {  	[smem:$0x3FAA] =	sst s0  }
0x9: {  	[smem:$0x3FAB] =	sst s1  }
0xa: {  	[smem:$0x3FAC] =	sst s2  }
0xb: {  	[smem:$0x3FAD] =	sst s3  }
0xc: {  	[smem:$0x3FAE] =	sst s4  }
0xd: {  	[smem:$0x3FAF] =	sst s5  }
0xe: {  	[smem:$0x3FB0] =	sst s6  }
0xf: {  	[smem:$0x3FB1] =	sst s7  }
0x10: {  	[smem:$0x3FB2] =	sst s8  }
0x11: {  	[smem:$0x3FB3] =	sst s9;
	s0 =	simm.s32 @!p0 $0x0  }
0x12: {  	s1 =	sld [smem:$0x3F99];
	s0 =	simm.s32 @p0 $0x1  }
0x13: {  	[smem:$0x3FB4] =	sst s0;
	s0 =	simm.s32 @!p1 $0x0  }
0x14: {  	s2 =	sld [smem:$0x3F98];
	s0 =	simm.s32 @p1 $0x1  }
0x15: {  	[smem:$0x3FB5] =	sst s0;
	s0 =	simm.s32 @!p2 $0x0  }
0x16: {  	s3 =	sld [smem:$0x3FDB];
	s0 =	simm.s32 @p2 $0x1  }
0x17: {  	s4 =	simm.s32 $0x1BF5;
	[smem:$0x3FB7] =	sst s0  }
0x18: {  	s0 =	sld [smem:$0x3F9A];
	_ =	swait.ge [sflag:s4], $0x0  }
0x19: {  	s7 =	sld [smem:$0x3F9B]  }
0x1a: {  	s8 =	sadd.s32 $0xFFFFE003, lr  }
0x1b: {  	s9 =	sadd.s32 $0xFFFFFEF7, lr;
	s5 =	simm.s32 $0xFFFFFFFF;
	p2 =	slt.u32 s8, $0xFFFFF086  }
0x1c: {  	p1 =	slt.u32 s9, $0xF7A;
	s5 =	simm.s32 @!p2 $0x0  }
0x1d: {  	s5 =	simm.s32 @p1 $0x1;
	p0 =	seq.s32 s7, s2  }
0x1e: {  	s7 =	smul.u32 @!p0 $0xF7A, s2;
	p2 =	seq.s32 @!p0 s5, $0x0  }
0x1f: {  	s9 =	smul.u32 $0xF7A, s1;
	s8 =	simm.s32 @!p0 $0x1BF5;
	p2 =	por !p2, p0  }
0x20: {  	[sflag:s8] =	ssyncset.s32 @!p0 $0xFFFFF086;
	s6 =	sadd.s32 @!p0 s3, s7;
	s7 =	simm.s32 @!p0 $0x108  }
0x21: {  	s3 =	sadd.s32 s3, s9;
	s6 =	sadd.s32 @!p0 $0x88, s6;
	s7 =	simm.s32 @p2 $0x1082  }
0x22: {  	[simem:s7], [sflag:s8] =	dma.local @!p0 [hbm:s6], $0xF7A  }
0x23: {  	s9 =	sor.u32 $0xD0000000, s2;
	s6 =	simm.s32 $0x108;
	_ =	swait.ge @!p0 [sflag:s8], $0x0  }
0x24: {  	s3 =	sadd.s32 $0x88, s3;
	s6 =	simm.s32 @!p1 $0x1082;
	[sflag:s4] =	ssyncset.s32 $0xFFFFF086  }
0x25: {  	[simem:s6], [sflag:s4] =	dma.local [hbm:s3], $0xF7A  }
0x26: {  	[smem:$0x3F9B] =	sst s1;
	(tag) =	ssettag s2;
	_ =	strace s9  }
0x27: {  	s1 =	sld [smem:$0x3FAB]  }
0x28: {  	s2 =	sld [smem:$0x3FAC]  }
0x29: {  	s4 =	sld [smem:$0x3FAE]  }
0x2a: {  	p0 =	seq.s32 s5, $0x0;
	s5 =	sld [smem:$0x3FAF]  }
0x2b: {  	s6 =	sld [smem:$0x3FB0]  }
0x2c: {  	s7 =	sld [smem:$0x3FB1]  }
0x2d: {  	s3 =	simm.s32 $0x108;
	s8 =	sld [smem:$0x3FB2]  }
0x2e: {  	s3 =	simm.s32 @!p0 $0x1082;
	s9 =	sld [smem:$0x3FB3]  }
0x2f: {  	lr =	sadd.s32 s0, s3;
	s0 =	sld [smem:$0x3FAA]  }
0x30: {  	s3 =	sld [smem:$0x3FAD]  }
0x31: {  	[smem:$0x3FB6] =	sst s10  }
0x32: {  	s10 =	sld [smem:$0x3FB4];
	_ =	sdelay $0x3  }
0x33: {  	p0 =	seq.s32 s10, $0x1;
	s10 =	sld [smem:$0x3FB6];
	_ =	sdelay $0x3  }
0x34: {  	[smem:$0x3FB6] =	sst s10  }
0x35: {  	s10 =	sld [smem:$0x3FB5];
	_ =	sdelay $0x3  }
0x36: {  	p1 =	seq.s32 s10, $0x1;
	s10 =	sld [smem:$0x3FB6];
	_ =	sdelay $0x3  }
0x37: {  	[smem:$0x3FB6] =	sst s10  }
0x38: {  	s10 =	sld [smem:$0x3FB7]  }
0x39: {  	_ = 	snop;
	(pc) =	sbr.ind lr, $3  }
0x3a: {  	_ = 	snop  }
0x3b: {  	_ = 	snop  }
0x3c: {  	p2 =	seq.s32 s10, $0x1;
	s10 =	sld [smem:$0x3FB6]  }
0x3d: {  	_ =	shalt  }
0x3e: {  	_ =	shalt  }
0x3f: {  	_ =	shalt  }
0x40: {  	_ =	shalt  }
0x41: {  	_ =	shalt  }
0x42: {  	_ =	shalt  }
0x43: {  	_ =	shalt  }
0x44: {  	_ =	shalt  }
0x45: {  	_ =	shalt  }
0x46: {  	_ =	shalt  }
0x47: {  	_ =	shalt  }
0x48: {  	_ =	shalt  }
0x49: {  	_ =	shalt  }
0x4a: {  	_ =	shalt  }
0x4b: {  	_ =	shalt  }
0x4c: {  	_ =	shalt  }
0x4d: {  	_ =	shalt  }
0x4e: {  	_ =	shalt  }
0x4f: {  	_ =	shalt  }
0x50: {  	_ =	shalt  }
0x51: {  	_ =	shalt  }
0x52: {  	_ =	shalt  }
0x53: {  	_ =	shalt  }
0x54: {  	_ =	shalt  }
0x55: {  	_ =	shalt  }
0x56: {  	_ =	shalt  }
0x57: {  	_ =	shalt  }
0x58: {  	_ =	shalt  }
0x59: {  	_ =	shalt  }
0x5a: {  	_ =	shalt  }
0x5b: {  	_ =	shalt  }
0x5c: {  	_ =	shalt  }
0x5d: {  	_ =	shalt  }
0x5e: {  	_ =	shalt  }
0x5f: {  	_ =	shalt  }
0x60: {  	_ =	shalt  }
0x61: {  	_ =	shalt  }
0x62: {  	_ =	shalt  }
0x63: {  	_ =	shalt  }
0x64: {  	_ =	shalt  }
0x65: {  	_ =	shalt  }
0x66: {  	_ =	shalt  }
0x67: {  	_ =	shalt  }
0x68: {  	_ =	shalt  }
0x69: {  	_ =	shalt  }
0x6a: {  	_ =	shalt  }
0x6b: {  	_ =	shalt  }
0x6c: {  	_ =	shalt  }
0x6d: {  	_ =	shalt  }
0x6e: {  	_ =	shalt  }
0x6f: {  	_ =	shalt  }
0x70: {  	_ =	shalt  }
0x71: {  	_ =	shalt  }
0x72: {  	_ =	shalt  }
0x73: {  	_ =	shalt  }
0x74: {  	_ =	shalt  }
0x75: {  	_ =	shalt  }
0x76: {  	_ =	shalt  }
0x77: {  	_ =	shalt  }
0x78: {  	_ =	shalt  }
0x79: {  	_ =	shalt  }
0x7a: {  	_ =	shalt  }
0x7b: {  	_ =	shalt  }
0x7c: {  	_ =	shalt  }
0x7d: {  	_ =	shalt  }
0x7e: {  	_ =	shalt  }
0x7f: {  	_ =	shalt  }
0x80: {  	_ =	shalt  }
0x81: {  	_ =	shalt  }
0x82: {  	_ =	shalt  }
0x83: {  	_ =	shalt  }
0x84: {  	_ =	shalt  }
0x85: {  	_ =	shalt  }
0x86: {  	_ =	shalt  }
0x87: {  	_ =	shalt  }
.Lfunc_end0:
.L_simem_size_0:
called_computation_lowered:
.L_overlay_start_0:
0x88: {  	s2 =	sld [smem:$0x3FD9]  }
0x89: {  	s3 =	sld [smem:$0x3FFE];
	_ =	sdelay $0x1  }
0x8a: {  	s1 =	srdreg.scid  }
0x8b: {  	s0 =	sand.u32 $0x1, s1  }
0x8c: {  	s16 =	sshll.u32 s0, $0xA;
	s2 =	sadd.s32 s3, s2  }
0x8d: {  	s2 =	sadd.s32 s2, s16  }
0x8e: {  	[smem:$0x3FC2] =	sst s2  }
0x8f: {  	_ = 	snop  }
0x90: {  	(tm) =	ssettm $0x1  }
0x91: {  	s17 =	sld [smem:$0x3FFB];
	_ =	sdelay $0x3  }
0x92: {  	_ =	strace s17  }
0x93: {  	s2 =	sld [smem:$0x3FFC];
	_ =	sdelay $0x3  }
0x94: {  	_ =	strace s2  }
0x95: {  	s2 =	sld [smem:$0x3FFD];
	_ =	sdelay $0x3  }
0x96: {  	_ =	strace s2  }
0x97: {  	_ =	strace $0x8FFFFFFF  }
0x98: {  	s18 =	sld [smem:$0x3FDB];
	_ =	sdelay $0x1  }
0x99: {  	s19 =	simm.s32 $_scs_section_size  }
0x9a: {  	s4 =	simm.s32 $_size__tile_overlayer_lowered;
	s5 =	simm.s32 $_tile_overlayer_lowered  }
0x9b: {  	s22 =	simm.s32 $0x1BFF;
	s21 =	sshll.u32 s5, $0x1;
	s2 =	sadd.s32 s19, s18  }
0x9c: {  	s6 =	simm.s32 $0x0;
	s20 =	sshll.u32 s4, $0x1;
	s4 =	sadd.s32 s21, s2  }
0x9d: {  	[timem:s6], [sflag:s22] =	dma.local [hbm:s4], s20  }
0x9e: {  	_ =	swait.ge [sflag:s22], s20  }
0x9f: {  	s3 =	ssub.s32 $0x0, s20;
	[sflag:s22] =	ssyncset.done $0x0  }
0xa0: {  	[sflag:s22] =	ssyncadd.s32 s3;
	_ =	sdelay $0x1  }
0xa1: {  	s23 =	simm.s32 $0x1B8B  }
0xa2: {  	_ =	swait.ge [sflag:s23], $0x1  }
0xa3: {  	[sflag:s23] =	ssyncset.done $0x0  }
0xa4: {  	s25 =	simm.s32 $0x1B8E;
	s24 =	sld [smem:$0x3FFE];
	[sflag:s23] =	ssyncadd.s32 $0xFFFFFFFF  }
0xa5: {  	s26 =	simm.s32 $execute0_lowered;
	[smem:$0x3FD2] =	sst s25  }
0xa6: {  	s4 =	sshll.u32 s26, $0x1;
	_ =	strace $0x80000046;
	[dreg:$0x1] =	wrdreg $0xFFFFFFFF  }
0xa7: {  	s28 =	simm.s32 $_size_execute0_lowered;
	s2 =	sadd.s32 s2, s4;
	[dreg:$0x0] =	wrdreg $0x0  }
0xa8: {  	s4 =	sshll.u32 s28, $0x1;
	[dreg:$0x2] =	wrdreg s2  }
0xa9: {  	[dreg:$0x3] =	wrdreg s4  }
0xaa: {  	[dreg:$0x4] =	wrdreg $0xC0  }
0xab: {  	_ =	task [dreg:s6], $0x5FFFF  }
0xac: {  	[dreg:$0x1] =	wrdreg $0xFFFFFFFF  }
0xad: {  	[dreg:$0x0] =	wrdreg $0x60  }
0xae: {  	[dreg:$0x2] =	wrdreg s24  }
0xaf: {  	[dreg:$0x3] =	wrdreg $0x9  }
0xb0: {  	_ =	task.clear_ibuf [dreg:s6], $0x4FFFF;
	_ =	strace $0x90000046  }
0xb1: {  	s29 =	simm.s32 $0x9;
	_ =	strace $0x80000048  }
0xb2: {  	_ =	swait.ge [sflag:s29], $0x1  }
0xb3: {  	[sflag:s29] =	ssyncadd.s32 $0xFFFFFFFF  }
0xb4: {  	_ =	strace $0x90000048  }
0xb5: {  	_ =	sfence  }
0xb6: {  	s30 =	sld [smem:$0x0];
	_ =	sdelay $0x2  }
0xb7: {  	s31 =	sshll.u32 s1, $0xD;
	s1 =	sshrl.u32 s1, $0x2  }
0xb8: {  	s3 =	sand.u32 $0x4000, s31;
	s1 =	sadd.s32 s1, s30  }
0xb9: {  	s0 =	sor.u32 s3, s0;
	s1 =	sshll.u32 s1, $0x11  }
0xba: {  	s0 =	sor.u32 s1, s0  }
0xbb: {  	s0 =	sadd.s32 $0x8F2B, s0  }
0xbc: {  	[sflag:s0] =	ssyncadd.remote.s32 $0x1  }
0xbd: {  	_ =	sfence.sel $0xFFFF  }
0xbe: {  	[dreg:$0x0] =	wrdreg $0xFFFFFFFF;
	(pc) =	sbr.abs _section_cstart, $3  }
0xbf: {  	[dreg:$0x1] =	wrdreg $0xFFFFFFFF  }
0xc0: {  	_ =	task.clear_ibuf [dreg:s6], $0x2FFFF;
	_ =	strace $0x9FFFFFFF  }
0xc1: {  	(tm) =	ssettm $0x7FFFFFFF  }
tec
execute0_lowered:
.L_overlay_start_1:
0x0: {  	(tag) =	ssettag $0x1  }
0x1: {  	s7 =	rddreg [dreg:$0x0]  }
0x2: {  	s0 =	rddreg [dreg:$0x1];
	_ =	strace $0x80000047  }
0x3: {  	s1 =	srdreg.scid;
	s4 =	simm.s32 $0x1;
	s9 =	simm.s32 $0x3  }
0x4: {  	s11 =	simm.s32 $0x0;
	p0 =	por $0x0, $0x0;
	s5 =	sshll.u32 s1, $0x4  }
.Ltmp0:
0x5: {  	s1 =	stileid.u32;
	s5 =	sand.u32 $0x10, s5;
	(pc) =	sbr.rel .LBB2_1-.Ltmp0, $4  }
0x6: {  	s2 =	sadd.s32 $0x1600, s7;
	s3 =	sadd.s32 $0xE00, s7;
	s6 =	sor.u32 s1, s5  }
0x7: {  	[sflag:s4] =	ssyncpa.u1 $0x0;
	s5 =	simm.s32 $0x2;
	s6 =	sshll.u32 s6, $0x9  }
0x8: {  	s7 =	sadd.s32 $0xF43A00, s7;
	[sflag:s5] =	ssyncpa.u1 $0x0;
	s8 =	sadd.s32 $0x200, s6  }
0x9: {  	vm0 =	vmmov $0xff;
	vm1 =	vcmask $0x3F20;
	[sflag:s9] =	ssyncpa.u1 $0x0;
	s10 =	smov.u32 s6;
	s9 =	simm.s32 $0x0  }
.LBB2_7:
0xa: {  	p1 =	slt.u32 s9, $0x2;
	s11 =	sadd.s32 $0x100, s10  }
0xb: {  	s13 =	smov.u32 s6;
	s9 =	sadd.s32 $0x1, s9;
	p2 =	slt.s32 s11, s8  }
0xc: {  	s13 =	smov.u32 @p2 s11;
	p2 =	sne.s32 s9, $0x4  }
.Ltmp1:
0xd: {  	_ = 	snop;
	(pc) =	sbr.rel @!p2 .LBB2_8-.Ltmp1, $4  }
0xe: {  	s12 =	simm.s32 @!p1 $0x3  }
0xf: {  	_ =	swait.ge @!p1 [sflag:s12], $0x8000  }
0x10: {  	p0 =	por !p0, !p0;
	[sflag:s12] =	ssyncset.done @!p1 $0x0  }
0x11: {  	s11 =	smov.u32 s10;
	s10 =	smov.u32 s13;
	[sflag:s12] =	ssyncadd.s32 @!p1 $0xFFFF8000  }
.LBB2_1:
0x12: {  	p1 =	sgt.u32 s9, $0x1  }
0x13: {  	s12 =	sshll.u32 @!p1 s9, $0x8;
	s13 =	sshrl.u32 @!p1 s10, $0x3  }
0x14: {  	s14 =	sand.u32 @!p1 $0x7, s10;
	s12 =	sxor.u32 @!p1 $0x100, s12;
	s13 =	sadd.s32 @!p1 s3, s13  }
0x15: {  	[tilespmem:s12], [sflag:$0x2] =	stream.linear.gather @!p1 [hbm4b:s13+s14], $0x100, $0x38;
	[tilespmem:$0x10200] =	vst v63  }
0x16: {  	p1 =	seq.s32 s9, $0x0  }
0x17: {  	p2 =	seq.s32 @!p1 s9, $0x3  }
0x18: {  	p1 =	por p1, p2  }
.Ltmp2:
0x19: {  	_ = 	snop;
	(pc) =	sbr.rel @p1 .LBB2_7-.Ltmp2, $1  }
0x1a: {  	_ =	sdelay $0x3  }
0x1b: {  	s12 =	simm.s32 $0x1  }
0x1c: {  	_ =	swait.ge [sflag:s5], $0x100;
	s12 =	simm.s32 @!p0 $0x0  }
0x1d: {  	[sflag:s5] =	ssyncset.done $0x0;
	s14 =	sshll.u32 s12, $0x8  }
0x1e: {  	[sflag:s5] =	ssyncadd.s32 $0xFFFFFF00;
	s13 =	sadd.s32 $0x0, s14  }
0x1f: {  	v0 =	vld.msk [tilespmem:s13+$0x0 ss:$0x1], $0xffff;
	_ =	sdelay $0x4  }
0x20: {  	vm2 =	vgt.s32 v0, $0x0  }
0x21: {  	v0 =	vnsel vm2, $0x0, v0  }
0x22: {  	v0 =	vmin.u32 v0, $0xF423F  }
0x23: {  	v0 =	vshll.u32 v0, $0x4;
	_ =	sdelay $0x2  }
0x24: {  	s12 =	sshll.u32 s12, $0xF  }
0x25: {  	s12 =	sor.u32 $0x200, s12  }
0x26: {  	[tilespmem:s12], [sflag:$0x1] =	stream.indirect_vreg.gather [hbm:s2], $0x80, v0, vm0, $0x38;
	[tilespmem:$0x10200] =	vst v63  }
0x27: {  	s15 =	sadd.s32 $0x10, s14;
	s13 =	sadd.s32 $0x400, s12  }
0x28: {  	[tilespmem:s13], [sflag:$0x1] =	stream.indirect_vreg.gather [hbm:s2], $0x80, v0, vm1, $0x38;
	[tilespmem:$0x10200] =	vst v63  }
0x29: {  	s16 =	simm.s32 $0x80;
	v0 =	vld.msk [tilespmem:s15+$0x0 ss:$0x1], $0xffff;
	s15 =	smov.u32 s12  }
.LBB2_3:
0x2a: {  	p1 =	sne.s32 s16, $0x3C0;
	_ =	sdelay $0x4  }
0x2b: {  	vm2 =	vgt.s32 v0, $0x0  }
0x2c: {  	v0 =	vnsel vm2, $0x0, v0  }
0x2d: {  	v0 =	vmin.u32 v0, $0xF423F  }
0x2e: {  	v0 =	vshll.u32 v0, $0x4;
	_ =	sdelay $0x3  }
.Ltmp3:
0x2f: {  	s17 =	sshra.s32 s16, $0x2;
	s15 =	sadd.s32 $0x800, s15;
	(pc) =	sbr.rel @p1 .LBB2_3-.Ltmp3, $4  }
0x30: {  	[tilespmem:s15], [sflag:$0x1] =	stream.indirect_vreg.gather [hbm:s2], $0x80, v0, vm0, $0x38;
	[tilespmem:$0x10200] =	vst v63  }
0x31: {  	s17 =	sadd.s32 s17, s14;
	s18 =	sadd.s32 $0x400, s15  }
0x32: {  	[tilespmem:s18], [sflag:$0x1] =	stream.indirect_vreg.gather [hbm:s2], $0x80, v0, vm1, $0x38;
	[tilespmem:$0x10200] =	vst v63  }
0x33: {  	s16 =	sadd.s32 $0x40, s16;
	v0 =	vld.msk [tilespmem:s17+$0x0 ss:$0x1], $0xffff  }
0x34: {  	_ =	sdelay $0x3  }
0x35: {  	vm2 =	vgt.s32 v0, $0x0  }
0x36: {  	v0 =	vnsel vm2, $0x0, v0  }
0x37: {  	v0 =	vmin.u32 v0, $0xF423F  }
0x38: {  	v0 =	vshll.u32 v0, $0x4;
	_ =	sdelay $0x3  }
0x39: {  	s14 =	sadd.s32 $0x800, s15  }
0x3a: {  	[tilespmem:s14], [sflag:$0x1] =	stream.indirect_vreg.gather [hbm:s2], $0x80, v0, vm0, $0x38;
	[tilespmem:$0x10200] =	vst v63  }
0x3b: {  	s14 =	sadd.s32 $0x400, s14  }
0x3c: {  	[tilespmem:s14], [sflag:$0x1] =	stream.indirect_vreg.gather [hbm:s2], $0x80, v0, vm1, $0x38;
	[tilespmem:$0x10200] =	vst v63  }
0x3d: {  	s11 =	sshll.u32 s11, $0x4;
	_ =	swait.ge [sflag:s4], $0x8000  }
0x3e: {  	s11 =	sadd.s32 s11, s7;
	[sflag:s4] =	ssyncset.done $0x0  }
0x3f: {  	s15 =	sadd.s32 $0x0, s11;
	s14 =	simm.s32 $0x80;
	[sflag:s4] =	ssyncadd.s32 $0xFFFF8000  }
.LBB2_5:
0x40: {  	[hbm:s15] =	stream.linear.scatter [tilespmem:s12], [sflag:$0x3], $0x400, $0x38;
	[tilespmem:$0x10200] =	vst v63  }
0x41: {  	s15 =	smov.u32 s14;
	s12 =	smov.u32 s13;
	p1 =	sne.s32 s14, $0xF80  }
.Ltmp4:
0x42: {  	s14 =	sadd.s32 $0x80, s14;
	(pc) =	sbr.rel @p1 .LBB2_5-.Ltmp4, $2  }
0x43: {  	_ =	sdelay $0x2  }
0x44: {  	s13 =	sadd.s32 $0x400, s13;
	s15 =	sadd.s32 s15, s11  }
.Ltmp5:
0x45: {  	(pc) =	sbr.rel .LBB2_7-.Ltmp5, $2  }
0x46: {  	_ =	sdelay $0x2  }
0x47: {  	[hbm:s15] =	stream.linear.scatter [tilespmem:s12], [sflag:$0x3], $0x400, $0x38;
	[tilespmem:$0x10200] =	vst v63  }
.LBB2_8:
0x48: {  	_ =	sfence.sel $0x180000  }
0x49: {  	s2 =	simm.s32 $0x2;
	[bflag:$0x0] =	sbarrier.arrive $0xFFFF  }
0x4a: {  	s30 =	simm.s32 $0x3;
	[sflag:s2] =	ssyncpa.u1 $0x1  }
0x4b: {  	s31 =	simm.s32 $0x1;
	[sflag:s30] =	ssyncpa.u1 $0x1  }
0x4c: {  	[sflag:s31] =	ssyncpa.u1 $0x1  }
0x4d: {  	p0 =	sne.s32 s1, $0x0;
	_ =	strace $0x90000047  }
0x4e: {  	s0 =	sadd.s32 @!p0 $0x100000, s0;
	[bflag:$0x2] =	sbarrier.arrive $0xFFFF  }
0x4f: {  	[sflag:s0] =	ssyncadd.tile.s32 @!p0 $0x1;
	_ =	shalt  }
.Lfunc_end2:
_tile_overlayer_lowered:
.L_overlay_start_2:
0x50: {  	(tag) =	ssettag $0x2  }
0x51: {  	s0 =	rddreg [dreg:$0x0];
	s2 =	stileid.u32  }
0x52: {  	s1 =	rddreg [dreg:$0x1];
	p0 =	sne.s32 s2, $0x0  }
0x53: {  	s3 =	rddreg [dreg:$0x2];
	[bflag:$0x3] =	sbarrier.arrive $0xFFFF;
	s2 =	simm.s32 @!p0 $0x1C01  }
0x54: {  	[timem:s3], [sflag:s2] =	dma.local @!p0 [hbm:s0], s1  }
0x55: {  	s0 =	simm.s32 @!p0 $0x1  }
0x56: {  	_ =	swait.ge @!p0 [sflag:s0], s1  }
0x57: {  	s1 =	ssub.s32 @!p0 $0x0, s1;
	[sflag:s0] =	ssyncset.done @!p0 $0x0  }
0x58: {  	[sflag:s0] =	ssyncadd.s32 @!p0 s1  }
0x59: {  	[bflag:$0x3] =	sbarrier.arrive $0xFFFF  }
0x5a: {  	_ =	shalt  }

// kernel: kernel.4.cloned.1.call-start
scs
__scs_entry_jumppad:
0x0: {  	(pc) =	sbr.rel $0x88, $3  }
0x1: {  	(tag) =	ssettag $0x0;
	lr =	simm.s32 $0x1  }
0x2: {  	[smem:$0x3F9B] =	sst lr;
	_ =	strace $0xD0000000  }
0x3: {  	_ = 	snop  }
0x4: {  	_ = 	snop  }
0x5: {  	_ = 	snop  }
0x6: {  	_ = 	snop  }
0x7: {  	_ = 	snop  }
__scs_overlays_trampoline_lowered:
0x8: {  	[smem:$0x3FAA] =	sst s0  }
0x9: {  	[smem:$0x3FAB] =	sst s1  }
0xa: {  	[smem:$0x3FAC] =	sst s2  }
0xb: {  	[smem:$0x3FAD] =	sst s3  }
0xc: {  	[smem:$0x3FAE] =	sst s4  }
0xd: {  	[smem:$0x3FAF] =	sst s5  }
0xe: {  	[smem:$0x3FB0] =	sst s6  }
0xf: {  	[smem:$0x3FB1] =	sst s7  }
0x10: {  	[smem:$0x3FB2] =	sst s8  }
0x11: {  	[smem:$0x3FB3] =	sst s9;
	s0 =	simm.s32 @!p0 $0x0  }
0x12: {  	s1 =	sld [smem:$0x3F99];
	s0 =	simm.s32 @p0 $0x1  }
0x13: {  	[smem:$0x3FB4] =	sst s0;
	s0 =	simm.s32 @!p1 $0x0  }
0x14: {  	s2 =	sld [smem:$0x3F98];
	s0 =	simm.s32 @p1 $0x1  }
0x15: {  	[smem:$0x3FB5] =	sst s0;
	s0 =	simm.s32 @!p2 $0x0  }
0x16: {  	s3 =	sld [smem:$0x3FDB];
	s0 =	simm.s32 @p2 $0x1  }
0x17: {  	s4 =	simm.s32 $0x1BF5;
	[smem:$0x3FB7] =	sst s0  }
0x18: {  	s0 =	sld [smem:$0x3F9A];
	_ =	swait.ge [sflag:s4], $0x0  }
0x19: {  	s7 =	sld [smem:$0x3F9B]  }
0x1a: {  	s8 =	sadd.s32 $0xFFFFE003, lr  }
0x1b: {  	s9 =	sadd.s32 $0xFFFFFEF7, lr;
	s5 =	simm.s32 $0xFFFFFFFF;
	p2 =	slt.u32 s8, $0xFFFFF086  }
0x1c: {  	p1 =	slt.u32 s9, $0xF7A;
	s5 =	simm.s32 @!p2 $0x0  }
0x1d: {  	s5 =	simm.s32 @p1 $0x1;
	p0 =	seq.s32 s7, s2  }
0x1e: {  	s7 =	smul.u32 @!p0 $0xF7A, s2;
	p2 =	seq.s32 @!p0 s5, $0x0  }
0x1f: {  	s9 =	smul.u32 $0xF7A, s1;
	s8 =	simm.s32 @!p0 $0x1BF5;
	p2 =	por !p2, p0  }
0x20: {  	[sflag:s8] =	ssyncset.s32 @!p0 $0xFFFFF086;
	s6 =	sadd.s32 @!p0 s3, s7;
	s7 =	simm.s32 @!p0 $0x108  }
0x21: {  	s3 =	sadd.s32 s3, s9;
	s6 =	sadd.s32 @!p0 $0x88, s6;
	s7 =	simm.s32 @p2 $0x1082  }
0x22: {  	[simem:s7], [sflag:s8] =	dma.local @!p0 [hbm:s6], $0xF7A  }
0x23: {  	s9 =	sor.u32 $0xD0000000, s2;
	s6 =	simm.s32 $0x108;
	_ =	swait.ge @!p0 [sflag:s8], $0x0  }
0x24: {  	s3 =	sadd.s32 $0x88, s3;
	s6 =	simm.s32 @!p1 $0x1082;
	[sflag:s4] =	ssyncset.s32 $0xFFFFF086  }
0x25: {  	[simem:s6], [sflag:s4] =	dma.local [hbm:s3], $0xF7A  }
0x26: {  	[smem:$0x3F9B] =	sst s1;
	(tag) =	ssettag s2;
	_ =	strace s9  }
0x27: {  	s1 =	sld [smem:$0x3FAB]  }
0x28: {  	s2 =	sld [smem:$0x3FAC]  }
0x29: {  	s4 =	sld [smem:$0x3FAE]  }
0x2a: {  	p0 =	seq.s32 s5, $0x0;
	s5 =	sld [smem:$0x3FAF]  }
0x2b: {  	s6 =	sld [smem:$0x3FB0]  }
0x2c: {  	s7 =	sld [smem:$0x3FB1]  }
0x2d: {  	s3 =	simm.s32 $0x108;
	s8 =	sld [smem:$0x3FB2]  }
0x2e: {  	s3 =	simm.s32 @!p0 $0x1082;
	s9 =	sld [smem:$0x3FB3]  }
0x2f: {  	lr =	sadd.s32 s0, s3;
	s0 =	sld [smem:$0x3FAA]  }
0x30: {  	s3 =	sld [smem:$0x3FAD]  }
0x31: {  	[smem:$0x3FB6] =	sst s10  }
0x32: {  	s10 =	sld [smem:$0x3FB4];
	_ =	sdelay $0x3  }
0x33: {  	p0 =	seq.s32 s10, $0x1;
	s10 =	sld [smem:$0x3FB6];
	_ =	sdelay $0x3  }
0x34: {  	[smem:$0x3FB6] =	sst s10  }
0x35: {  	s10 =	sld [smem:$0x3FB5];
	_ =	sdelay $0x3  }
0x36: {  	p1 =	seq.s32 s10, $0x1;
	s10 =	sld [smem:$0x3FB6];
	_ =	sdelay $0x3  }
0x37: {  	[smem:$0x3FB6] =	sst s10  }
0x38: {  	s10 =	sld [smem:$0x3FB7]  }
0x39: {  	_ = 	snop;
	(pc) =	sbr.ind lr, $3  }
0x3a: {  	_ = 	snop  }
0x3b: {  	_ = 	snop  }
0x3c: {  	p2 =	seq.s32 s10, $0x1;
	s10 =	sld [smem:$0x3FB6]  }
0x3d: {  	_ =	shalt  }
0x3e: {  	_ =	shalt  }
0x3f: {  	_ =	shalt  }
0x40: {  	_ =	shalt  }
0x41: {  	_ =	shalt  }
0x42: {  	_ =	shalt  }
0x43: {  	_ =	shalt  }
0x44: {  	_ =	shalt  }
0x45: {  	_ =	shalt  }
0x46: {  	_ =	shalt  }
0x47: {  	_ =	shalt  }
0x48: {  	_ =	shalt  }
0x49: {  	_ =	shalt  }
0x4a: {  	_ =	shalt  }
0x4b: {  	_ =	shalt  }
0x4c: {  	_ =	shalt  }
0x4d: {  	_ =	shalt  }
0x4e: {  	_ =	shalt  }
0x4f: {  	_ =	shalt  }
0x50: {  	_ =	shalt  }
0x51: {  	_ =	shalt  }
0x52: {  	_ =	shalt  }
0x53: {  	_ =	shalt  }
0x54: {  	_ =	shalt  }
0x55: {  	_ =	shalt  }
0x56: {  	_ =	shalt  }
0x57: {  	_ =	shalt  }
0x58: {  	_ =	shalt  }
0x59: {  	_ =	shalt  }
0x5a: {  	_ =	shalt  }
0x5b: {  	_ =	shalt  }
0x5c: {  	_ =	shalt  }
0x5d: {  	_ =	shalt  }
0x5e: {  	_ =	shalt  }
0x5f: {  	_ =	shalt  }
0x60: {  	_ =	shalt  }
0x61: {  	_ =	shalt  }
0x62: {  	_ =	shalt  }
0x63: {  	_ =	shalt  }
0x64: {  	_ =	shalt  }
0x65: {  	_ =	shalt  }
0x66: {  	_ =	shalt  }
0x67: {  	_ =	shalt  }
0x68: {  	_ =	shalt  }
0x69: {  	_ =	shalt  }
0x6a: {  	_ =	shalt  }
0x6b: {  	_ =	shalt  }
0x6c: {  	_ =	shalt  }
0x6d: {  	_ =	shalt  }
0x6e: {  	_ =	shalt  }
0x6f: {  	_ =	shalt  }
0x70: {  	_ =	shalt  }
0x71: {  	_ =	shalt  }
0x72: {  	_ =	shalt  }
0x73: {  	_ =	shalt  }
0x74: {  	_ =	shalt  }
0x75: {  	_ =	shalt  }
0x76: {  	_ =	shalt  }
0x77: {  	_ =	shalt  }
0x78: {  	_ =	shalt  }
0x79: {  	_ =	shalt  }
0x7a: {  	_ =	shalt  }
0x7b: {  	_ =	shalt  }
0x7c: {  	_ =	shalt  }
0x7d: {  	_ =	shalt  }
0x7e: {  	_ =	shalt  }
0x7f: {  	_ =	shalt  }
0x80: {  	_ =	shalt  }
0x81: {  	_ =	shalt  }
0x82: {  	_ =	shalt  }
0x83: {  	_ =	shalt  }
0x84: {  	_ =	shalt  }
0x85: {  	_ =	shalt  }
0x86: {  	_ =	shalt  }
0x87: {  	_ =	shalt  }
.Lfunc_end0:
.L_simem_size_0:
called_computation.1_lowered:
.L_overlay_start_0:
0x88: {  	s2 =	sld [smem:$0x3FD9]  }
0x89: {  	s3 =	sld [smem:$0x3FFE];
	_ =	sdelay $0x1  }
0x8a: {  	s1 =	srdreg.scid  }
0x8b: {  	s0 =	sand.u32 $0x1, s1  }
0x8c: {  	s17 =	sshll.u32 s0, $0xA;
	s2 =	sadd.s32 s3, s2  }
0x8d: {  	s2 =	sadd.s32 s2, s17  }
0x8e: {  	[smem:$0x3FC2] =	sst s2  }
0x8f: {  	_ = 	snop  }
0x90: {  	s2 =	sld [smem:$0x3FC8];
	(tm) =	ssettm $0x1  }
0x91: {  	s18 =	sld [smem:$0x3FFB];
	_ =	sdelay $0x3  }
0x92: {  	_ =	strace s18  }
0x93: {  	s3 =	sld [smem:$0x3FFC];
	_ =	sdelay $0x3  }
0x94: {  	_ =	strace s3  }
0x95: {  	s3 =	sld [smem:$0x3FFD];
	_ =	sdelay $0x3  }
0x96: {  	_ =	strace s3  }
0x97: {  	_ =	strace $0x8FFFFFFF  }
0x98: {  	s19 =	sld [smem:$0x3FDB];
	_ =	sdelay $0x1  }
0x99: {  	s4 =	simm.s32 $_scs_section_size  }
0x9a: {  	s5 =	simm.s32 $_size__tile_overlayer_lowered;
	s6 =	simm.s32 $_tile_overlayer_lowered  }
0x9b: {  	s22 =	simm.s32 $0x1BFF;
	s21 =	sshll.u32 s6, $0x1;
	s3 =	sadd.s32 s4, s19  }
0x9c: {  	s7 =	simm.s32 $0x0;
	s20 =	sshll.u32 s5, $0x1;
	s5 =	sadd.s32 s21, s3  }
0x9d: {  	[timem:s7], [sflag:s22] =	dma.local [hbm:s5], s20  }
0x9e: {  	_ =	swait.ge [sflag:s22], s20  }
0x9f: {  	s4 =	ssub.s32 $0x0, s20;
	[sflag:s22] =	ssyncset.done $0x0  }
0xa0: {  	[sflag:s22] =	ssyncadd.s32 s4;
	_ =	sdelay $0x1  }
0xa1: {  	s23 =	simm.s32 $0x1B8B  }
0xa2: {  	_ =	swait.ge [sflag:s23], $0x1  }
0xa3: {  	[sflag:s23] =	ssyncset.done $0x0  }
0xa4: {  	s25 =	simm.s32 $0x1B8E;
	s24 =	sld [smem:$0x3FFE];
	[sflag:s23] =	ssyncadd.s32 $0xFFFFFFFF  }
0xa5: {  	s26 =	simm.s32 $execute0_lowered;
	[smem:$0x3FD2] =	sst s25  }
0xa6: {  	s5 =	sshll.u32 s26, $0x1;
	_ =	strace $0x80000049;
	[dreg:$0x1] =	wrdreg $0xFFFFFFFF  }
0xa7: {  	s28 =	simm.s32 $_size_execute0_lowered;
	s3 =	sadd.s32 s3, s5;
	[dreg:$0x0] =	wrdreg $0x0  }
0xa8: {  	s5 =	sshll.u32 s28, $0x1;
	[dreg:$0x2] =	wrdreg s3  }
0xa9: {  	[dreg:$0x3] =	wrdreg s5  }
0xaa: {  	[dreg:$0x4] =	wrdreg $0xC0  }
0xab: {  	_ =	task [dreg:s7], $0x5FFFF  }
0xac: {  	[dreg:$0x1] =	wrdreg $0xFFFFFFFF  }
0xad: {  	[dreg:$0x0] =	wrdreg $0x60  }
0xae: {  	[dreg:$0x2] =	wrdreg s24  }
0xaf: {  	[dreg:$0x3] =	wrdreg s2  }
0xb0: {  	[dreg:$0x4] =	wrdreg $0x9  }
0xb1: {  	_ =	task.clear_ibuf [dreg:s7], $0x5FFFF;
	_ =	strace $0x90000049  }
0xb2: {  	s29 =	simm.s32 $0x9;
	_ =	strace $0x8000004B  }
0xb3: {  	_ =	swait.ge [sflag:s29], $0x1  }
0xb4: {  	[sflag:s29] =	ssyncadd.s32 $0xFFFFFFFF  }
0xb5: {  	_ =	strace $0x9000004B  }
0xb6: {  	_ =	sfence  }
0xb7: {  	s30 =	sld [smem:$0x0];
	_ =	sdelay $0x2  }
0xb8: {  	s31 =	sshll.u32 s1, $0xD;
	s1 =	sshrl.u32 s1, $0x2  }
0xb9: {  	s3 =	sand.u32 $0x4000, s31;
	s1 =	sadd.s32 s1, s30  }
0xba: {  	s0 =	sor.u32 s3, s0;
	s1 =	sshll.u32 s1, $0x11  }
0xbb: {  	s0 =	sor.u32 s1, s0  }
0xbc: {  	s0 =	sadd.s32 $0x8F2B, s0  }
0xbd: {  	[sflag:s0] =	ssyncadd.remote.s32 $0x1  }
0xbe: {  	_ =	sfence.sel $0xFFFF  }
0xbf: {  	[dreg:$0x0] =	wrdreg $0xFFFFFFFF;
	(pc) =	sbr.abs _section_cstart, $3  }
0xc0: {  	[dreg:$0x1] =	wrdreg $0xFFFFFFFF  }
0xc1: {  	_ =	task.clear_ibuf [dreg:s7], $0x2FFFF;
	_ =	strace $0x9FFFFFFF  }
0xc2: {  	(tm) =	ssettm $0x7FFFFFFF  }
0xc3: {  	_ =	shalt  }
tec
execute0_lowered:
.L_overlay_start_1:
0x0: {  	(tag) =	ssettag $0x1  }
0x1: {  	s0 =	rddreg [dreg:$0x0]  }
0x2: {  	s13 =	rddreg [dreg:$0x1];
	s3 =	simm.s32 $0x0;
	s1 =	srdreg.scid  }
0x3: {  	s2 =	stileid.u32;
	s19 =	simm.s32 $0x3;
	[smem:$0x7FF] =	sst s3  }
0x4: {  	s1 =	sand.u32 $0x1, s1;
	s4 =	sshll.u32 s2, $0x1;
	s22 =	sadd.s32 $0xF83A00, s0  }
0x5: {  	_ =	strace $0x8000004A;
	s6 =	sor.u32 s1, s4;
	s4 =	sadd.s32 $0xF8DA00, s0  }
0x6: {  	s1 =	ssub.s32 $0x2, s1;
	[dreg:$0x4] =	wrdreg s22;
	s5 =	sshll.u32 s6, $0xD  }
0x7: {  	s9 =	sshll.u32 s6, $0x9;
	s8 =	smul.u32 $0x500, s6;
	s6 =	sshll.u32 s6, $0x6  }
0x8: {  	s11 =	sshrl.u32 s1, $0x1;
	s7 =	sadd.s32 s5, s0;
	s23 =	sadd.s32 s13, s6  }
0x9: {  	s10 =	sor.u32 $0x10, s9;
	s30 =	sor.u32 $0x20, s9;
	[dreg:$0x5] =	wrdreg s23  }
0xa: {  	s0 =	sadd.s32 s9, s0;
	s24 =	sadd.s32 s22, s8;
	[dreg:$0xa] =	wrdreg s30  }
0xb: {  	s1 =	ssub.s32 s1, s11;
	s28 =	sadd.s32 $0xE00, s7;
	[dreg:$0x6] =	wrdreg s24  }
0xc: {  	s12 =	smul.u32 $0x14, s10;
	s0 =	sadd.s32 $0x40E00, s0;
	[dreg:$0x7] =	wrdreg s28  }
0xd: {  	s25 =	sshrl.u32 s10, $0x3;
	s31 =	smax.u32 s1, $0x1;
	[dreg:$0xb] =	wrdreg s0  }
0xe: {  	s29 =	sadd.s32 s13, s25;
	[dreg:$0xc] =	wrdreg s31;
	s26 =	sshrl.u32 s12, $0x3  }
0xf: {  	s20 =	simm.s32 $0x2;
	[dreg:$0x8] =	wrdreg s29;
	s2 =	sadd.s32 s22, s26  }
0x10: {  	s21 =	simm.s32 $0x16300;
	vm0 =	vcmask $0x3F3C;
	[dreg:$0x9] =	wrdreg s2;
	s2 =	simm.s32 $0x0  }
.LBB2_1:
0x11: {  	s0 =	rddreg [dreg:$0x5]  }
0x12: {  	[tilespmem:s3], [sflag:$0x1] =	stream.linear.gather [hbm4b:s0+s3], $0x10, $0x38;
	[tilespmem:$0x1E300] =	vst v63  }
0x13: {  	s28 =	rddreg [dreg:$0x6];
	s1 =	simm.s32 $0x10;
	s29 =	simm.s32 $0x1  }
0x14: {  	[tilespmem:s1], [sflag:$0x1] =	stream.linear.gather [hbm4b:s28+s3], $0x140, $0x38;
	[tilespmem:$0x1E300] =	vst v63  }
0x15: {  	_ =	swait.ge [sflag:s29], $0x150  }
0x16: {  	[sflag:s29] =	ssyncset.done $0x0  }
0x17: {  	s31 =	simm.s32 $0x15300;
	s30 =	rddreg [dreg:$0x7];
	[sflag:s29] =	ssyncadd.s32 $0xFFFFFEB0  }
0x18: {  	[tilespmem:s31], [sflag:$0x3] =	stream.linear.gather [hbm4b:s30+s3], $0x800, $0x38;
	[tilespmem:$0x1E300] =	vst v63  }
0x19: {  	v0 =	vld [tilespmem:s3+$0x0];
	_ =	sdelay $0x4  }
0x1a: {  	v0 =	vshll.u32 v0, $0x4  }
0x1b: {  	(v2sf) =	vpush v0, $0x0  }
0x1c: {  	(v2sf) =	vpush v0, $0x1  }
0x1d: {  	(v2sf) =	vpush v0, $0x2;
	_ =	sdelay $0x1  }
0x1e: {  	(v2sf) =	vpush v0, $0x4;
	_ =	sdelay $0x1  }
0x1f: {  	(v2sf) =	vpush v0, $0x3  }
0x20: {  	(v2sf) =	vpush v0, $0x5  }
0x21: {  	s14 =	simm.s32 $0x0;
	s0 =	simm.s32 $0x0;
	s1 =	simm.s32 $0x2000;
	(v2sf) =	vpush v0, $0x6  }
.LBB2_2:
0x22: {  	p0 =	sne.s32 s1, $0x28000  }
0x23: {  	s23 =	sadd.s32 $0x380, s0;
	s18 =	sadd.s32 $0x880, s0;
	s16 =	smov.u32 s1  }
0x24: {  	s1 =	sadd.s32 $0x2000, s1;
	s7 =	sadd.s32 $0x680, s0;
	s17 =	sadd.s32 $0x900, s0;
	(v2sf) =	vpush v0, $0x7  }
0x25: {  	s10 =	sadd.s32 $0x580, s0;
	s22 =	sadd.s32 $0x700, s0;
	s26 =	sadd.s32 $0x980, s0  }
0x26: {  	s28 =	sadd.s32 $0x300, s0;
	s29 =	sadd.s32 $0x500, s0;
	(v2sf) =	vpush v0, $0x8  }
0x27: {  	s30 =	sadd.s32 $0x600, s0;
	s14 =	sadd.s32 $0x10, s14  }
0x28: {  	s31 =	sadd.s32 $0x400, s0;
	s6 =	sadd.s32 $0x800, s0;
	s9 =	spop (v2sf);
	(v2sf) =	vpush v0, $0x9  }
0x29: {  	s12 =	sand.u32 $0x1FFFFFF0, s9;
	s9 =	sadd.s32 $0x780, s0;
	s13 =	spop (v2sf)  }
0x2a: {  	s12 =	sadd.s32 s4, s12;
	s13 =	sand.u32 $0x1FFFFFF0, s13;
	s24 =	spop (v2sf);
	(v2sf) =	vpush v0, $0xA  }
0x2b: {  	[tilespmem:s28], [sflag:$0x2] =	stream.linear.gather [hbm4b:s12+s3], $0x80, $0x38;
	[tilespmem:$0x1E300] =	vst v63  }
0x2c: {  	s12 =	sadd.s32 s4, s13;
	s13 =	sadd.s32 $0x480, s0;
	s28 =	spop (v2sf);
	(v2sf) =	vpush v0, $0xB  }
0x2d: {  	[tilespmem:s23], [sflag:$0x2] =	stream.linear.gather [hbm4b:s12+s3], $0x80, $0x38;
	[tilespmem:$0x1E300] =	vst v63  }
0x2e: {  	s12 =	sand.u32 $0x1FFFFFF0, s24;
	s23 =	sand.u32 $0x1FFFFFF0, s28;
	s24 =	spop (v2sf);
	(v2sf) =	vpush v0, $0xC  }
0x2f: {  	s12 =	sadd.s32 s4, s12;
	s24 =	sand.u32 $0x1FFFFFF0, s24;
	s28 =	spop (v2sf)  }
0x30: {  	[tilespmem:s31], [sflag:$0x2] =	stream.linear.gather [hbm4b:s12+s3], $0x80, $0x38;
	(v2sf) =	vpush v0, $0xD;
	[tilespmem:$0x1E300] =	vst v63  }
0x31: {  	s12 =	sadd.s32 s4, s24;
	s24 =	sand.u32 $0x1FFFFFF0, s28;
	s28 =	spop (v2sf)  }
0x32: {  	[tilespmem:s13], [sflag:$0x2] =	stream.linear.gather [hbm4b:s12+s3], $0x80, $0x38;
	(v2sf) =	vpush v0, $0xE;
	[tilespmem:$0x1E300] =	vst v63  }
0x33: {  	s12 =	sadd.s32 s4, s23;
	s13 =	sand.u32 $0x1FFFFFF0, s28;
	s23 =	spop (v2sf)  }
0x34: {  	[tilespmem:s29], [sflag:$0x2] =	stream.linear.gather [hbm4b:s12+s3], $0x80, $0x38;
	(v2sf) =	vpush v0, $0xF;
	[tilespmem:$0x1E300] =	vst v63  }
0x35: {  	s12 =	sadd.s32 s4, s24;
	s23 =	sand.u32 $0x1FFFFFF0, s23;
	s24 =	spop (v2sf)  }
0x36: {  	[tilespmem:s10], [sflag:$0x2] =	stream.linear.gather [hbm4b:s12+s3], $0x80, $0x38;
	[tilespmem:$0x1E300] =	vst v63  }
0x37: {  	s10 =	sadd.s32 s4, s13;
	s12 =	sand.u32 $0x1FFFFFF0, s24;
	s13 =	spop (v2sf)  }
0x38: {  	[tilespmem:s30], [sflag:$0x2] =	stream.linear.gather [hbm4b:s10+s3], $0x80, $0x38;
	[tilespmem:$0x1E300] =	vst v63  }
0x39: {  	s10 =	sadd.s32 s4, s23;
	s13 =	sand.u32 $0x1FFFFFF0, s13;
	s23 =	spop (v2sf)  }
0x3a: {  	[tilespmem:s7], [sflag:$0x2] =	stream.linear.gather [hbm4b:s10+s3], $0x80, $0x38;
	[tilespmem:$0x1E300] =	vst v63  }
0x3b: {  	s7 =	sadd.s32 s4, s12;
	s10 =	sand.u32 $0x1FFFFFF0, s23;
	s12 =	spop (v2sf)  }
0x3c: {  	[tilespmem:s22], [sflag:$0x2] =	stream.linear.gather [hbm4b:s7+s3], $0x80, $0x38;
	[tilespmem:$0x1E300] =	vst v63  }
0x3d: {  	s7 =	sadd.s32 s4, s13;
	s12 =	sand.u32 $0x1FFFFFF0, s12;
	s13 =	spop (v2sf)  }
0x3e: {  	[tilespmem:s9], [sflag:$0x2] =	stream.linear.gather [hbm4b:s7+s3], $0x80, $0x38;
	[tilespmem:$0x1E300] =	vst v63  }
0x3f: {  	s7 =	sadd.s32 s4, s10;
	s9 =	sand.u32 $0x1FFFFFF0, s13;
	s10 =	spop (v2sf)  }
0x40: {  	[tilespmem:s6], [sflag:$0x2] =	stream.linear.gather [hbm4b:s7+s3], $0x80, $0x38;
	[tilespmem:$0x1E300] =	vst v63  }
0x41: {  	s6 =	sadd.s32 s4, s12;
	s7 =	sand.u32 $0x1FFFFFF0, s10;
	s10 =	spop (v2sf)  }
0x42: {  	[tilespmem:s18], [sflag:$0x2] =	stream.linear.gather [hbm4b:s6+s3], $0x80, $0x38;
	[tilespmem:$0x1E300] =	vst v63  }
0x43: {  	s6 =	sadd.s32 s4, s9;
	s9 =	sand.u32 $0x1FFFFFF0, s10;
	s10 =	spop (v2sf)  }
0x44: {  	[tilespmem:s17], [sflag:$0x2] =	stream.linear.gather [hbm4b:s6+s3], $0x80, $0x38;
	[tilespmem:$0x1E300] =	vst v63  }
0x45: {  	s6 =	sadd.s32 s4, s7;
	s7 =	sand.u32 $0x1FFFFFF0, s10  }
0x46: {  	[tilespmem:s26], [sflag:$0x2] =	stream.linear.gather [hbm4b:s6+s3], $0x80, $0x38;
	[tilespmem:$0x1E300] =	vst v63  }
0x47: {  	s9 =	sadd.s32 s4, s9;
	s6 =	sadd.s32 $0xA00, s0  }
0x48: {  	[tilespmem:s6], [sflag:$0x2] =	stream.linear.gather [hbm4b:s9+s3], $0x80, $0x38;
	[tilespmem:$0x1E300] =	vst v63  }
0x49: {  	s0 =	sadd.s32 $0xA80, s0;
	s6 =	sadd.s32 s4, s7  }
0x4a: {  	[tilespmem:s0], [sflag:$0x2] =	stream.linear.gather [hbm4b:s6+s3], $0x80, $0x38;
	[tilespmem:$0x1E300] =	vst v63  }
0x4b: {  	v0 =	vld [tilespmem:s14+$0x0];
	_ =	sdelay $0x4  }
0x4c: {  	v0 =	vshll.u32 v0, $0x4  }
0x4d: {  	(v2sf) =	vpush v0, $0x0  }
0x4e: {  	(v2sf) =	vpush v0, $0x1  }
0x4f: {  	(v2sf) =	vpush v0, $0x2;
	_ =	sdelay $0x1  }
0x50: {  	(v2sf) =	vpush v0, $0x4  }
.Ltmp0:
0x51: {  	(pc) =	sbr.rel @p0 .LBB2_2-.Ltmp0, $3  }
0x52: {  	(v2sf) =	vpush v0, $0x3  }
0x53: {  	(v2sf) =	vpush v0, $0x5;
	_ =	sdelay $0x1  }
0x54: {  	s0 =	sshra.s32 s16, $0x2;
	(v2sf) =	vpush v0, $0x6  }
0x55: {  	_ = 	snop  }
0x56: {  	[dreg:$0xd] =	wrdreg s2  }
0x57: {  	s9 =	sadd.s32 $0x380, s0;
	s7 =	sadd.s32 $0x880, s0;
	s10 =	sadd.s32 $0x680, s0  }
0x58: {  	s1 =	sadd.s32 $0x900, s0;
	(v2sf) =	vpush v0, $0x7;
	s12 =	sadd.s32 $0x580, s0;
	s13 =	sadd.s32 $0x700, s0  }
0x59: {  	s6 =	sadd.s32 $0x980, s0;
	s14 =	sadd.s32 $0x300, s0;
	s16 =	sadd.s32 $0x500, s0  }
0x5a: {  	s17 =	sadd.s32 $0x600, s0;
	s22 =	sadd.s32 $0x400, s0;
	(v2sf) =	vpush v0, $0x8;
	s18 =	spop (v2sf)  }
0x5b: {  	s26 =	sadd.s32 $0x480, s0;
	s18 =	sand.u32 $0x1FFFFFF0, s18;
	s23 =	spop (v2sf)  }
0x5c: {  	(v2sf) =	vpush v0, $0x9;
	s18 =	sadd.s32 s4, s18;
	s23 =	sand.u32 $0x1FFFFFF0, s23;
	s24 =	spop (v2sf)  }
0x5d: {  	[tilespmem:s14], [sflag:$0x2] =	stream.linear.gather [hbm4b:s18+s3], $0x80, $0x38;
	[tilespmem:$0x1E300] =	vst v63  }
0x5e: {  	p0 =	por $0x1, $0x1;
	(v2sf) =	vpush v0, $0xA;
	s28 =	sadd.s32 s4, s23;
	s30 =	spop (v2sf)  }
0x5f: {  	[tilespmem:s9], [sflag:$0x2] =	stream.linear.gather [hbm4b:s28+s3], $0x80, $0x38;
	[tilespmem:$0x1E300] =	vst v63  }
0x60: {  	s14 =	sadd.s32 $0x800, s0;
	s31 =	sand.u32 $0x1FFFFFF0, s24;
	(v2sf) =	vpush v0, $0xB;
	s2 =	spop (v2sf)  }
0x61: {  	s18 =	sadd.s32 s4, s31;
	s9 =	sadd.s32 $0x780, s0;
	s24 =	sand.u32 $0x1FFFFFF0, s2  }
0x62: {  	(v2sf) =	vpush v0, $0xC;
	[tilespmem:s22], [sflag:$0x2] =	stream.linear.gather [hbm4b:s18+s3], $0x80, $0x38;
	[tilespmem:$0x1E300] =	vst v63  }
0x63: {  	s5 =	sand.u32 $0x1FFFFFF0, s30;
	s8 =	spop (v2sf);
	s11 =	sadd.s32 s4, s24  }
0x64: {  	(v2sf) =	vpush v0, $0xD;
	[tilespmem:s26], [sflag:$0x2] =	stream.linear.gather [hbm4b:s11+s3], $0x80, $0x38;
	[tilespmem:$0x1E300] =	vst v63  }
0x65: {  	s18 =	sadd.s32 s4, s5;
	s22 =	sand.u32 $0x1FFFFFF0, s8;
	s15 =	spop (v2sf)  }
0x66: {  	(v2sf) =	vpush v0, $0xE;
	[tilespmem:s16], [sflag:$0x2] =	stream.linear.gather [hbm4b:s18+s3], $0x80, $0x38;
	[tilespmem:$0x1E300] =	vst v63  }
0x67: {  	s22 =	sadd.s32 s4, s22;
	s23 =	sand.u32 $0x1FFFFFF0, s15;
	s24 =	spop (v2sf)  }
0x68: {  	(v2sf) =	vpush v0, $0xF;
	[tilespmem:s12], [sflag:$0x2] =	stream.linear.gather [hbm4b:s22+s3], $0x80, $0x38;
	[tilespmem:$0x1E300] =	vst v63  }
0x69: {  	s25 =	sand.u32 $0x1FFFFFF0, s24;
	s26 =	spop (v2sf);
	s16 =	sadd.s32 s4, s23  }
0x6a: {  	[tilespmem:s17], [sflag:$0x2] =	stream.linear.gather [hbm4b:s16+s3], $0x80, $0x38;
	[tilespmem:$0x1E300] =	vst v63  }
0x6b: {  	s28 =	sand.u32 $0x1FFFFFF0, s26;
	s12 =	sadd.s32 s4, s25;
	s30 =	spop (v2sf)  }
0x6c: {  	[tilespmem:s10], [sflag:$0x2] =	stream.linear.gather [hbm4b:s12+s3], $0x80, $0x38;
	[tilespmem:$0x1E300] =	vst v63  }
0x6d: {  	s16 =	sadd.s32 s4, s28;
	s31 =	sand.u32 $0x1FFFFFF0, s30;
	s2 =	spop (v2sf)  }
0x6e: {  	[tilespmem:s13], [sflag:$0x2] =	stream.linear.gather [hbm4b:s16+s3], $0x80, $0x38;
	[tilespmem:$0x1E300] =	vst v63  }
0x6f: {  	s12 =	sand.u32 $0x1FFFFFF0, s2;
	s10 =	sadd.s32 s4, s31;
	s5 =	spop (v2sf)  }
0x70: {  	[tilespmem:s9], [sflag:$0x2] =	stream.linear.gather [hbm4b:s10+s3], $0x80, $0x38;
	[tilespmem:$0x1E300] =	vst v63  }
0x71: {  	s12 =	sadd.s32 s4, s12;
	s8 =	sand.u32 $0x1FFFFFF0, s5;
	s11 =	spop (v2sf)  }
0x72: {  	[tilespmem:s14], [sflag:$0x2] =	stream.linear.gather [hbm4b:s12+s3], $0x80, $0x38;
	[tilespmem:$0x1E300] =	vst v63  }
0x73: {  	s9 =	sadd.s32 s4, s8;
	s10 =	sand.u32 $0x1FFFFFF0, s11;
	s13 =	spop (v2sf)  }
0x74: {  	[tilespmem:s7], [sflag:$0x2] =	stream.linear.gather [hbm4b:s9+s3], $0x80, $0x38;
	[tilespmem:$0x1E300] =	vst v63  }
0x75: {  	s14 =	sand.u32 $0x1FFFFFF0, s13;
	s10 =	sadd.s32 s4, s10;
	s15 =	spop (v2sf)  }
0x76: {  	[tilespmem:s1], [sflag:$0x2] =	stream.linear.gather [hbm4b:s10+s3], $0x80, $0x38;
	[tilespmem:$0x1E300] =	vst v63  }
0x77: {  	s16 =	sand.u32 $0x1FFFFFF0, s15;
	s17 =	spop (v2sf);
	s7 =	sadd.s32 s4, s14  }
0x78: {  	[tilespmem:s6], [sflag:$0x2] =	stream.linear.gather [hbm4b:s7+s3], $0x80, $0x38;
	[tilespmem:$0x1E300] =	vst v63  }
0x79: {  	s22 =	sadd.s32 $0xA00, s0;
	s18 =	sand.u32 $0x1FFFFFF0, s17;
	s1 =	sadd.s32 s4, s16  }
0x7a: {  	[tilespmem:s22], [sflag:$0x2] =	stream.linear.gather [hbm4b:s1+s3], $0x80, $0x38;
	[tilespmem:$0x1E300] =	vst v63  }
0x7b: {  	p1 =	por $0x0, $0x0;
	s23 =	sadd.s32 $0xA80, s0;
	s24 =	sadd.s32 s4, s18  }
0x7c: {  	[tilespmem:s23], [sflag:$0x2] =	stream.linear.gather [hbm4b:s24+s3], $0x80, $0x38;
	[tilespmem:$0x1E300] =	vst v63  }
0x7d: {  	s26 =	simm.s32 $0x0;
	s25 =	rddreg [dreg:$0x8];
	s28 =	simm.s32 $0x150  }
0x7e: {  	[tilespmem:s28], [sflag:$0x1] =	stream.linear.gather [hbm4b:s25+s26], $0x10, $0x38;
	[tilespmem:$0x1E300] =	vst v63  }
0x7f: {  	s29 =	simm.s32 $0x0;
	s30 =	rddreg [dreg:$0x9];
	s31 =	simm.s32 $0x160  }
0x80: {  	[tilespmem:s31], [sflag:$0x1] =	stream.linear.gather [hbm4b:s30+s26], $0x140, $0x38;
	[tilespmem:$0x1E300] =	vst v63  }
.LBB2_5:
0x81: {  	_ =	swait.ge [sflag:s19], $0x800;
	p2 =	seq.s32 s29, $0x1F  }
.Ltmp1:
0x82: {  	[sflag:s19] =	ssyncset.done $0x0;
	(pc) =	sbr.rel @p2 .LBB2_9-.Ltmp1, $4  }
0x83: {  	[sflag:s19] =	ssyncadd.s32 $0xFFFFF800  }
0x84: {  	_ =	swait.ge [sflag:s20], $0xA800  }
0x85: {  	[sflag:s20] =	ssyncset.done $0x0  }
0x86: {  	s28 =	sadd.s32 $0x1, s29;
	[sflag:s20] =	ssyncadd.s32 $0xFFFF5800  }
0x87: {  	s0 =	simm.s32 $0x1  }
0x88: {  	s0 =	simm.s32 @!p0 $0x0  }
0x89: {  	s1 =	smul.u32 $0x2A000, s0;
	_ =	sdelay $0x1  }
0x8a: {  	s1 =	sshrl.u32 s1, $0x2  }
0x8b: {  	s2 =	simm.s32 $0x1;
	s0 =	smul.u32 $0x540, s0;
	s1 =	sor.u32 $0x300, s1  }
0x8c: {  	s24 =	sand.u32 $0x1, s28;
	s6 =	sshll.u32 s28, $0x8;
	[dreg:$0x3] =	wrdreg s1  }
0x8d: {  	s0 =	sshrl.u32 s0, $0x2;
	s1 =	sshll.u32 s24, $0xB;
	_ =	swait.ge [sflag:s2], $0x150  }
0x8e: {  	s7 =	sor.u32 $0x15300, s1;
	[sflag:s2] =	ssyncset.done $0x0;
	s25 =	rddreg [dreg:$0x7]  }
0x8f: {  	s1 =	simm.s32 $0x0;
	[sflag:s2] =	ssyncadd.s32 $0xFFFFFEB0;
	s6 =	sadd.s32 s6, s25  }
0x90: {  	[tilespmem:s7], [sflag:$0x3] =	stream.linear.gather [hbm4b:s6+s1], $0x800, $0x38;
	[tilespmem:$0x1E300] =	vst v63  }
0x91: {  	v0 =	vld [tilespmem:s0+$0x0];
	_ =	sdelay $0x4  }
0x92: {  	v0 =	vshll.u32 v0, $0x4  }
0x93: {  	(v2sf) =	vpush v0, $0x0  }
0x94: {  	(v2sf) =	vpush v0, $0x2  }
0x95: {  	(v2sf) =	vpush v0, $0x1  }
0x96: {  	s30 =	sand.u32 $0x1, s29;
	s31 =	simm.s32 $0x2000;
	s0 =	sadd.s32 $0x10, s0;
	(v2sf) =	vpush v0, $0x3  }
0x97: {  	s16 =	simm.s32 $0x4000;
	s6 =	rddreg [dreg:$0x3];
	s14 =	smov.u32 s0;
	(v2sf) =	vpush v0, $0x4  }
.LBB2_7:
0x98: {  	_ =	sdelay $0x3  }
0x99: {  	(v2sf) =	vpush v0, $0x5  }
0x9a: {  	s9 =	sshra.s32 s1, $0x2  }
0x9b: {  	s7 =	smov.u32 s16;
	s17 =	sadd.s32 s9, s6;
	(v2sf) =	vpush v0, $0x6  }
0x9c: {  	s1 =	smov.u32 s31;
	s31 =	smov.u32 s7;
	s12 =	sadd.s32 $0x80, s17  }
0x9d: {  	s23 =	sadd.s32 $0x580, s17;
	s22 =	sadd.s32 $0x600, s17;
	s18 =	sadd.s32 $0x680, s17;
	(v2sf) =	vpush v0, $0x7  }
0x9e: {  	s9 =	sadd.s32 $0x400, s17;
	s7 =	sadd.s32 $0x480, s17;
	s6 =	sadd.s32 $0x500, s17  }
0x9f: {  	s13 =	sadd.s32 $0x300, s17;
	s10 =	sadd.s32 $0x380, s17;
	s24 =	spop (v2sf);
	(v2sf) =	vpush v0, $0x8  }
0xa0: {  	s25 =	sadd.s32 $0x100, s17;
	s24 =	sand.u32 $0x1FFFFFF0, s24;
	s2 =	spop (v2sf)  }
0xa1: {  	s5 =	sadd.s32 $0x280, s17;
	s24 =	sadd.s32 s4, s24;
	s11 =	spop (v2sf);
	(v2sf) =	vpush v0, $0x9  }
0xa2: {  	[tilespmem:s17], [sflag:$0x2] =	stream.linear.gather [hbm4b:s24+s3], $0x80, $0x38;
	[tilespmem:$0x1E300] =	vst v63  }
0xa3: {  	s8 =	sadd.s32 $0x200, s17;
	s11 =	sand.u32 $0x1FFFFFF0, s11;
	s24 =	spop (v2sf);
	(v2sf) =	vpush v0, $0xA  }
0xa4: {  	s2 =	sand.u32 $0x1FFFFFF0, s2;
	s11 =	sadd.s32 s4, s11;
	s15 =	spop (v2sf)  }
0xa5: {  	(v2sf) =	vpush v0, $0xB;
	[tilespmem:s12], [sflag:$0x2] =	stream.linear.gather [hbm4b:s11+s3], $0x80, $0x38;
	[tilespmem:$0x1E300] =	vst v63  }
0xa6: {  	s2 =	sadd.s32 s4, s2;
	s12 =	sand.u32 $0x1FFFFFF0, s24;
	s15 =	sand.u32 $0x1FFFFFF0, s15  }
0xa7: {  	(v2sf) =	vpush v0, $0xC;
	[tilespmem:s25], [sflag:$0x2] =	stream.linear.gather [hbm4b:s2+s3], $0x80, $0x38;
	[tilespmem:$0x1E300] =	vst v63  }
0xa8: {  	s24 =	sadd.s32 $0x180, s17;
	s11 =	sadd.s32 s4, s12;
	s25 =	spop (v2sf)  }
0xa9: {  	(v2sf) =	vpush v0, $0xD;
	[tilespmem:s24], [sflag:$0x2] =	stream.linear.gather [hbm4b:s11+s3], $0x80, $0x38;
	[tilespmem:$0x1E300] =	vst v63  }
0xaa: {  	s12 =	sadd.s32 s4, s15;
	s24 =	sand.u32 $0x1FFFFFF0, s25;
	s25 =	spop (v2sf)  }
0xab: {  	(v2sf) =	vpush v0, $0xE;
	[tilespmem:s8], [sflag:$0x2] =	stream.linear.gather [hbm4b:s12+s3], $0x80, $0x38;
	[tilespmem:$0x1E300] =	vst v63  }
0xac: {  	s15 =	sadd.s32 s4, s24;
	s24 =	sand.u32 $0x1FFFFFF0, s25;
	s25 =	spop (v2sf)  }
0xad: {  	(v2sf) =	vpush v0, $0xF;
	[tilespmem:s5], [sflag:$0x2] =	stream.linear.gather [hbm4b:s15+s3], $0x80, $0x38;
	[tilespmem:$0x1E300] =	vst v63  }
0xae: {  	s8 =	sadd.s32 s4, s24;
	s11 =	sand.u32 $0x1FFFFFF0, s25;
	s12 =	spop (v2sf)  }
0xaf: {  	[tilespmem:s13], [sflag:$0x2] =	stream.linear.gather [hbm4b:s8+s3], $0x80, $0x38;
	[tilespmem:$0x1E300] =	vst v63  }
0xb0: {  	s15 =	sadd.s32 s4, s11;
	s24 =	sand.u32 $0x1FFFFFF0, s12;
	s25 =	spop (v2sf)  }
0xb1: {  	[tilespmem:s10], [sflag:$0x2] =	stream.linear.gather [hbm4b:s15+s3], $0x80, $0x38;
	[tilespmem:$0x1E300] =	vst v63  }
0xb2: {  	s5 =	sadd.s32 s4, s24;
	s8 =	sand.u32 $0x1FFFFFF0, s25;
	s10 =	spop (v2sf)  }
0xb3: {  	[tilespmem:s9], [sflag:$0x2] =	stream.linear.gather [hbm4b:s5+s3], $0x80, $0x38;
	[tilespmem:$0x1E300] =	vst v63  }
0xb4: {  	s11 =	sadd.s32 s4, s8;
	s12 =	sand.u32 $0x1FFFFFF0, s10;
	s13 =	spop (v2sf)  }
0xb5: {  	[tilespmem:s7], [sflag:$0x2] =	stream.linear.gather [hbm4b:s11+s3], $0x80, $0x38;
	[tilespmem:$0x1E300] =	vst v63  }
0xb6: {  	s15 =	sadd.s32 s4, s12;
	s24 =	sand.u32 $0x1FFFFFF0, s13;
	s25 =	spop (v2sf)  }
0xb7: {  	[tilespmem:s6], [sflag:$0x2] =	stream.linear.gather [hbm4b:s15+s3], $0x80, $0x38;
	[tilespmem:$0x1E300] =	vst v63  }
0xb8: {  	s8 =	sand.u32 $0x1FFFFFF0, s25;
	s9 =	spop (v2sf);
	s6 =	sadd.s32 s4, s24  }
0xb9: {  	[tilespmem:s23], [sflag:$0x2] =	stream.linear.gather [hbm4b:s6+s3], $0x80, $0x38;
	[tilespmem:$0x1E300] =	vst v63  }
0xba: {  	s10 =	sadd.s32 s4, s8;
	s11 =	sand.u32 $0x1FFFFFF0, s9;
	s12 =	spop (v2sf)  }
0xbb: {  	[tilespmem:s22], [sflag:$0x2] =	stream.linear.gather [hbm4b:s10+s3], $0x80, $0x38;
	[tilespmem:$0x1E300] =	vst v63  }
0xbc: {  	s13 =	sadd.s32 s4, s11;
	s15 =	sand.u32 $0x1FFFFFF0, s12;
	s22 =	spop (v2sf)  }
0xbd: {  	[tilespmem:s18], [sflag:$0x2] =	stream.linear.gather [hbm4b:s13+s3], $0x80, $0x38;
	[tilespmem:$0x1E300] =	vst v63  }
0xbe: {  	s23 =	sadd.s32 $0x700, s17;
	s5 =	sadd.s32 s4, s15;
	s6 =	sand.u32 $0x1FFFFFF0, s22  }
0xbf: {  	[tilespmem:s23], [sflag:$0x2] =	stream.linear.gather [hbm4b:s5+s3], $0x80, $0x38;
	[tilespmem:$0x1E300] =	vst v63  }
0xc0: {  	s24 =	sadd.s32 $0x780, s17;
	s25 =	sadd.s32 s4, s6  }
0xc1: {  	[tilespmem:s24], [sflag:$0x2] =	stream.linear.gather [hbm4b:s25+s3], $0x80, $0x38;
	[tilespmem:$0x1E300] =	vst v63  }
0xc2: {  	v0 =	vld [tilespmem:s14+$0x0];
	_ =	sdelay $0x4  }
0xc3: {  	p2 =	sne.s32 s16, $0x28000;
	v0 =	vshll.u32 v0, $0x4  }
.Ltmp2:
0xc4: {  	(v2sf) =	vpush v0, $0x0;
	(pc) =	sbr.rel @p2 .LBB2_7-.Ltmp2, $4  }
0xc5: {  	(v2sf) =	vpush v0, $0x2  }
0xc6: {  	(v2sf) =	vpush v0, $0x1  }
0xc7: {  	s0 =	sadd.s32 $0x10, s0;
	(v2sf) =	vpush v0, $0x3  }
0xc8: {  	s16 =	sadd.s32 $0x2000, s16;
	s6 =	rddreg [dreg:$0x3];
	s14 =	smov.u32 s0;
	(v2sf) =	vpush v0, $0x4  }
0xc9: {  	_ =	sdelay $0x3  }
0xca: {  	(v2sf) =	vpush v0, $0x5  }
0xcb: {  	s0 =	sshra.s32 s1, $0x2  }
0xcc: {  	s0 =	sadd.s32 s0, s6;
	(v2sf) =	vpush v0, $0x6  }
0xcd: {  	s2 =	sadd.s32 $0x80, s0  }
0xce: {  	s7 =	sadd.s32 $0x580, s0;
	s6 =	sadd.s32 $0x600, s0;
	s1 =	sadd.s32 $0x680, s0;
	(v2sf) =	vpush v0, $0x7  }
0xcf: {  	s5 =	sadd.s32 $0x400, s0;
	s8 =	sadd.s32 $0x480, s0;
	s9 =	sadd.s32 $0x500, s0  }
0xd0: {  	s10 =	sadd.s32 $0x300, s0;
	s11 =	sadd.s32 $0x380, s0;
	s12 =	spop (v2sf);
	(v2sf) =	vpush v0, $0x8  }
0xd1: {  	s13 =	sadd.s32 $0x100, s0;
	s12 =	sand.u32 $0x1FFFFFF0, s12;
	s15 =	spop (v2sf)  }
0xd2: {  	s16 =	sadd.s32 $0x280, s0;
	s12 =	sadd.s32 s4, s12;
	s17 =	spop (v2sf);
	(v2sf) =	vpush v0, $0x9  }
0xd3: {  	[tilespmem:s0], [sflag:$0x2] =	stream.linear.gather [hbm4b:s12+s3], $0x80, $0x38;
	[tilespmem:$0x1E300] =	vst v63  }
0xd4: {  	s18 =	sadd.s32 $0x200, s0;
	s24 =	sand.u32 $0x1FFFFFF0, s17;
	s25 =	spop (v2sf);
	(v2sf) =	vpush v0, $0xA  }
0xd5: {  	s15 =	sand.u32 $0x1FFFFFF0, s15;
	s12 =	sadd.s32 s4, s24;
	s22 =	spop (v2sf)  }
0xd6: {  	(v2sf) =	vpush v0, $0xB;
	[tilespmem:s2], [sflag:$0x2] =	stream.linear.gather [hbm4b:s12+s3], $0x80, $0x38;
	[tilespmem:$0x1E300] =	vst v63  }
0xd7: {  	s23 =	sadd.s32 s4, s15;
	s17 =	sadd.s32 $0x180, s0;
	s24 =	sand.u32 $0x1FFFFFF0, s25  }
0xd8: {  	(v2sf) =	vpush v0, $0xC;
	[tilespmem:s13], [sflag:$0x2] =	stream.linear.gather [hbm4b:s23+s3], $0x80, $0x38;
	[tilespmem:$0x1E300] =	vst v63  }
0xd9: {  	s25 =	sand.u32 $0x1FFFFFF0, s22;
	s12 =	sadd.s32 s4, s24;
	s22 =	spop (v2sf)  }
0xda: {  	(v2sf) =	vpush v0, $0xD;
	[tilespmem:s17], [sflag:$0x2] =	stream.linear.gather [hbm4b:s12+s3], $0x80, $0x38;
	[tilespmem:$0x1E300] =	vst v63  }
0xdb: {  	s24 =	sand.u32 $0x1FFFFFF0, s22;
	s23 =	sadd.s32 s4, s25;
	s25 =	spop (v2sf)  }
0xdc: {  	(v2sf) =	vpush v0, $0xE;
	[tilespmem:s18], [sflag:$0x2] =	stream.linear.gather [hbm4b:s23+s3], $0x80, $0x38;
	[tilespmem:$0x1E300] =	vst v63  }
0xdd: {  	s13 =	sand.u32 $0x1FFFFFF0, s25;
	s15 =	spop (v2sf);
	s12 =	sadd.s32 s4, s24  }
0xde: {  	(v2sf) =	vpush v0, $0xF;
	[tilespmem:s16], [sflag:$0x2] =	stream.linear.gather [hbm4b:s12+s3], $0x80, $0x38;
	[tilespmem:$0x1E300] =	vst v63  }
0xdf: {  	s17 =	sadd.s32 s4, s13;
	s18 =	sand.u32 $0x1FFFFFF0, s15;
	s22 =	spop (v2sf)  }
0xe0: {  	[tilespmem:s10], [sflag:$0x2] =	stream.linear.gather [hbm4b:s17+s3], $0x80, $0x38;
	[tilespmem:$0x1E300] =	vst v63  }
0xe1: {  	s23 =	sadd.s32 s4, s18;
	s24 =	sand.u32 $0x1FFFFFF0, s22;
	s25 =	spop (v2sf)  }
0xe2: {  	[tilespmem:s11], [sflag:$0x2] =	stream.linear.gather [hbm4b:s23+s3], $0x80, $0x38;
	[tilespmem:$0x1E300] =	vst v63  }
0xe3: {  	s10 =	sadd.s32 s4, s24;
	s11 =	sand.u32 $0x1FFFFFF0, s25;
	s12 =	spop (v2sf)  }
0xe4: {  	[tilespmem:s5], [sflag:$0x2] =	stream.linear.gather [hbm4b:s10+s3], $0x80, $0x38;
	[tilespmem:$0x1E300] =	vst v63  }
0xe5: {  	s13 =	sadd.s32 s4, s11;
	s15 =	sand.u32 $0x1FFFFFF0, s12;
	s16 =	spop (v2sf)  }
0xe6: {  	[tilespmem:s8], [sflag:$0x2] =	stream.linear.gather [hbm4b:s13+s3], $0x80, $0x38;
	[tilespmem:$0x1E300] =	vst v63  }
0xe7: {  	s17 =	sadd.s32 s4, s15;
	s18 =	sand.u32 $0x1FFFFFF0, s16;
	s22 =	spop (v2sf)  }
0xe8: {  	[tilespmem:s9], [sflag:$0x2] =	stream.linear.gather [hbm4b:s17+s3], $0x80, $0x38;
	[tilespmem:$0x1E300] =	vst v63  }
0xe9: {  	s23 =	sadd.s32 s4, s18;
	s24 =	sand.u32 $0x1FFFFFF0, s22;
	s25 =	spop (v2sf)  }
0xea: {  	[tilespmem:s7], [sflag:$0x2] =	stream.linear.gather [hbm4b:s23+s3], $0x80, $0x38;
	[tilespmem:$0x1E300] =	vst v63  }
0xeb: {  	s10 =	spop (v2sf);
	s9 =	sand.u32 $0x1FFFFFF0, s25;
	s7 =	sadd.s32 s4, s24  }
0xec: {  	[tilespmem:s6], [sflag:$0x2] =	stream.linear.gather [hbm4b:s7+s3], $0x80, $0x38;
	[tilespmem:$0x1E300] =	vst v63  }
0xed: {  	s12 =	sand.u32 $0x1FFFFFF0, s10;
	s13 =	spop (v2sf);
	s11 =	sadd.s32 s4, s9  }
0xee: {  	[tilespmem:s1], [sflag:$0x2] =	stream.linear.gather [hbm4b:s11+s3], $0x80, $0x38;
	[tilespmem:$0x1E300] =	vst v63  }
0xef: {  	s15 =	sadd.s32 $0x700, s0;
	s16 =	sadd.s32 s4, s12;
	s17 =	sand.u32 $0x1FFFFFF0, s13  }
0xf0: {  	[tilespmem:s15], [sflag:$0x2] =	stream.linear.gather [hbm4b:s16+s3], $0x80, $0x38;
	[tilespmem:$0x1E300] =	vst v63  }
0xf1: {  	s0 =	sadd.s32 $0x780, s0;
	s18 =	sadd.s32 s4, s17  }
0xf2: {  	[tilespmem:s0], [sflag:$0x2] =	stream.linear.gather [hbm4b:s18+s3], $0x80, $0x38;
	[tilespmem:$0x1E300] =	vst v63  }
0xf3: {  	v63 =	vld [tilespmem:s14+$0x0];
	_ =	sdelay $0x4  }
0xf4: {  	v0 =	vshll.u32 v63, $0x4  }
0xf5: {  	(v2sf) =	vpush v0, $0x0  }
0xf6: {  	(v2sf) =	vpush v0, $0x2  }
0xf7: {  	(v2sf) =	vpush v0, $0x1;
	_ =	sdelay $0x1  }
0xf8: {  	(v2sf) =	vpush v0, $0x3  }
0xf9: {  	(v2sf) =	vpush v0, $0x4;
	_ =	sdelay $0x3  }
0xfa: {  	(v2sf) =	vpush v0, $0x5  }
0xfb: {  	s22 =	rddreg [dreg:$0x3];
	s23 =	sshra.s32 s31, $0x2  }
0xfc: {  	s0 =	sadd.s32 s23, s22;
	(v2sf) =	vpush v0, $0x6  }
0xfd: {  	p2 =	sgt.u32 s29, $0x1D;
	s2 =	rddreg [dreg:$0xa];
	s24 =	sadd.s32 $0x80, s0  }
0xfe: {  	s7 =	sadd.s32 $0x580, s0;
	s6 =	sadd.s32 $0x600, s0;
	s1 =	sadd.s32 $0x680, s0;
	(v2sf) =	vpush v0, $0x7  }
0xff: {  	s5 =	sadd.s32 $0x400, s0;
	s8 =	sadd.s32 $0x480, s0;
	s9 =	sadd.s32 $0x500, s0  }
0x100: {  	s10 =	sadd.s32 $0x300, s0;
	s11 =	sadd.s32 $0x380, s0;
	s25 =	spop (v2sf);
	(v2sf) =	vpush v0, $0x8  }
0x101: {  	s13 =	sadd.s32 $0x100, s0;
	s12 =	sand.u32 $0x1FFFFFF0, s25;
	s31 =	spop (v2sf)  }
0x102: {  	s15 =	sadd.s32 $0x280, s0;
	(v2sf) =	vpush v0, $0x9;
	s12 =	sadd.s32 s4, s12;
	s17 =	spop (v2sf)  }
0x103: {  	[tilespmem:s0], [sflag:$0x2] =	stream.linear.gather [hbm4b:s12+s3], $0x80, $0x38;
	[tilespmem:$0x1E300] =	vst v63  }
0x104: {  	s14 =	sand.u32 $0x1FFFFFF0, s31;
	(v2sf) =	vpush v0, $0xA;
	s18 =	sand.u32 $0x1FFFFFF0, s17;
	s22 =	spop (v2sf)  }
0x105: {  	s17 =	sadd.s32 $0x200, s0;
	s12 =	sadd.s32 s4, s18;
	s23 =	spop (v2sf)  }
0x106: {  	(v2sf) =	vpush v0, $0xB;
	[tilespmem:s24], [sflag:$0x2] =	stream.linear.gather [hbm4b:s12+s3], $0x80, $0x38;
	[tilespmem:$0x1E300] =	vst v63  }
0x107: {  	s25 =	sand.u32 $0x1FFFFFF0, s22;
	s24 =	sadd.s32 s4, s14;
	s31 =	sand.u32 $0x1FFFFFF0, s23  }
0x108: {  	(v2sf) =	vpush v0, $0xC;
	[tilespmem:s13], [sflag:$0x2] =	stream.linear.gather [hbm4b:s24+s3], $0x80, $0x38;
	[tilespmem:$0x1E300] =	vst v63  }
0x109: {  	s12 =	sadd.s32 s4, s25;
	s16 =	spop (v2sf);
	s13 =	sadd.s32 $0x180, s0  }
0x10a: {  	(v2sf) =	vpush v0, $0xD;
	[tilespmem:s13], [sflag:$0x2] =	stream.linear.gather [hbm4b:s12+s3], $0x80, $0x38;
	[tilespmem:$0x1E300] =	vst v63  }
0x10b: {  	s18 =	sadd.s32 s4, s31;
	s22 =	sand.u32 $0x1FFFFFF0, s16;
	s23 =	spop (v2sf)  }
0x10c: {  	(v2sf) =	vpush v0, $0xE;
	[tilespmem:s17], [sflag:$0x2] =	stream.linear.gather [hbm4b:s18+s3], $0x80, $0x38;
	[tilespmem:$0x1E300] =	vst v63  }
0x10d: {  	s24 =	sadd.s32 s4, s22;
	s25 =	sand.u32 $0x1FFFFFF0, s23;
	s31 =	spop (v2sf)  }
0x10e: {  	(v2sf) =	vpush v0, $0xF;
	[tilespmem:s15], [sflag:$0x2] =	stream.linear.gather [hbm4b:s24+s3], $0x80, $0x38;
	[tilespmem:$0x1E300] =	vst v63  }
0x10f: {  	s12 =	sadd.s32 s4, s25;
	s13 =	sand.u32 $0x1FFFFFF0, s31;
	s14 =	spop (v2sf)  }
0x110: {  	[tilespmem:s10], [sflag:$0x2] =	stream.linear.gather [hbm4b:s12+s3], $0x80, $0x38;
	[tilespmem:$0x1E300] =	vst v63  }
0x111: {  	s15 =	sadd.s32 s4, s13;
	s16 =	sand.u32 $0x1FFFFFF0, s14;
	s17 =	spop (v2sf)  }
0x112: {  	[tilespmem:s11], [sflag:$0x2] =	stream.linear.gather [hbm4b:s15+s3], $0x80, $0x38;
	[tilespmem:$0x1E300] =	vst v63  }
0x113: {  	s18 =	sadd.s32 s4, s16;
	s22 =	sand.u32 $0x1FFFFFF0, s17;
	s23 =	spop (v2sf)  }
0x114: {  	[tilespmem:s5], [sflag:$0x2] =	stream.linear.gather [hbm4b:s18+s3], $0x80, $0x38;
	[tilespmem:$0x1E300] =	vst v63  }
0x115: {  	s24 =	sadd.s32 s4, s22;
	s25 =	sand.u32 $0x1FFFFFF0, s23;
	s31 =	spop (v2sf)  }
0x116: {  	[tilespmem:s8], [sflag:$0x2] =	stream.linear.gather [hbm4b:s24+s3], $0x80, $0x38;
	[tilespmem:$0x1E300] =	vst v63  }
0x117: {  	s5 =	sadd.s32 s4, s25;
	s10 =	spop (v2sf);
	s8 =	sand.u32 $0x1FFFFFF0, s31  }
0x118: {  	[tilespmem:s9], [sflag:$0x2] =	stream.linear.gather [hbm4b:s5+s3], $0x80, $0x38;
	[tilespmem:$0x1E300] =	vst v63  }
0x119: {  	s12 =	sand.u32 $0x1FFFFFF0, s10;
	s13 =	spop (v2sf);
	s11 =	sadd.s32 s4, s8  }
0x11a: {  	[tilespmem:s7], [sflag:$0x2] =	stream.linear.gather [hbm4b:s11+s3], $0x80, $0x38;
	[tilespmem:$0x1E300] =	vst v63  }
0x11b: {  	s14 =	sadd.s32 s4, s12;
	s15 =	sand.u32 $0x1FFFFFF0, s13;
	s16 =	spop (v2sf)  }
0x11c: {  	[tilespmem:s6], [sflag:$0x2] =	stream.linear.gather [hbm4b:s14+s3], $0x80, $0x38;
	[tilespmem:$0x1E300] =	vst v63  }
0x11d: {  	s17 =	sadd.s32 s4, s15;
	s18 =	sand.u32 $0x1FFFFFF0, s16;
	s22 =	spop (v2sf)  }
0x11e: {  	[tilespmem:s1], [sflag:$0x2] =	stream.linear.gather [hbm4b:s17+s3], $0x80, $0x38;
	[tilespmem:$0x1E300] =	vst v63  }
0x11f: {  	s23 =	sadd.s32 $0x700, s0;
	s24 =	sadd.s32 s4, s18;
	s25 =	sand.u32 $0x1FFFFFF0, s22  }
0x120: {  	[tilespmem:s23], [sflag:$0x2] =	stream.linear.gather [hbm4b:s24+s3], $0x80, $0x38;
	[tilespmem:$0x1E300] =	vst v63  }
0x121: {  	s0 =	sadd.s32 $0x780, s0;
	s31 =	sadd.s32 s4, s25;
	s1 =	sshll.u32 @!p2 s29, $0x4  }
0x122: {  	[tilespmem:s0], [sflag:$0x2] =	stream.linear.gather [hbm4b:s31+s3], $0x80, $0x38;
	[tilespmem:$0x1E300] =	vst v63  }
0x123: {  	s1 =	sadd.s32 @!p2 s1, s2;
	s0 =	smul.u32 @!p2 $0x540, s30  }
0x124: {  	s5 =	rddreg [dreg:$0x1];
	s2 =	sshrl.u32 @!p2 s1, $0x3;
	s1 =	smul.u32 @!p2 $0x14, s1  }
0x125: {  	s2 =	sadd.s32 @!p2 s5, s2;
	s5 =	simm.s32 @!p2 $0x0;
	s0 =	sshrl.u32 @!p2 s0, $0x2  }
0x126: {  	[tilespmem:s0], [sflag:$0x1] =	stream.linear.gather @!p2 [hbm4b:s2+s5], $0x10, $0x38;
	[tilespmem:$0x1E300] =	vst v63  }
0x127: {  	s1 =	sshrl.u32 @!p2 s1, $0x3;
	s2 =	rddreg [dreg:$0x4]  }
0x128: {  	s0 =	sadd.s32 @!p2 $0x10, s0;
	s1 =	sadd.s32 @!p2 s2, s1  }
0x129: {  	[tilespmem:s0], [sflag:$0x1] =	stream.linear.gather @!p2 [hbm4b:s1+s5], $0x140, $0x38;
	[tilespmem:$0x1E300] =	vst v63  }
.LBB2_9:
0x12a: {  	s0 =	simm.s32 $0x1  }
0x12b: {  	s0 =	simm.s32 @!p1 $0x0  }
0x12c: {  	s1 =	smul.u32 $0x2A000, s0;
	s0 =	sshll.u32 s0, $0xB  }
0x12d: {  	s0 =	sor.u32 $0x15300, s0  }
0x12e: {  	v0 =	vmov s0  }
0x12f: {  	s1 =	sshrl.u32 s1, $0x2  }
0x130: {  	s2 =	sor.u32 $0x300, s1  }
0x131: {  	s30 =	simm.s32 $0x0;
	s31 =	smov.u32 s26;
	s29 =	sadd.s32 $0xC00, s1;
	v1 =	vmov s2  }
.LBB2_10:
0x132: {  	s0 =	sshra.s32 s30, $0x2  }
0x133: {  	v4 =	vld.idx.msk [tilespmem:v0+s0+$0x0 ss:$0x1], $0xffff  }
0x134: {  	v5 =	vld.idx.msk [tilespmem:v0+s0+$0x10 ss:$0x1], $0xffff  }
0x135: {  	v2 =	vld.idx.msk [tilespmem:v0+s0+$0x20 ss:$0x1], $0xffff  }
0x136: {  	v6 =	vld.idx.msk [tilespmem:v1+s0+$0x0 ss:$0x1], $0xffff  }
0x137: {  	v7 =	vld.idx.msk [tilespmem:v1+s0+$0x10 ss:$0x1], $0xffff  }
0x138: {  	v8 =	vld.idx.msk [tilespmem:v1+s0+$0x20 ss:$0x1], $0xffff  }
0x139: {  	v3 =	vld.idx.msk [tilespmem:v0+s0+$0x30 ss:$0x1], $0xffff  }
0x13a: {  	v9 =	vmul.f32 v4, v4  }
0x13b: {  	v11 =	vld.idx.msk [tilespmem:v1+s0+$0x30 ss:$0x1], $0xffff;
	v10 =	vmul.f32 v5, v5;
	v12 =	vmul.f32 v2, v2  }
0x13c: {  	v36 =	vmul.f32 v6, v6;
	v13 =	vmul.f32 v7, v7  }
0x13d: {  	v6 =	vmul.f32 v6, v4;
	v7 =	vmul.f32 v7, v5;
	v9 =	vadd.f32 v10, v9  }
0x13e: {  	v37 =	vmul.f32 v8, v8;
	v38 =	vmul.f32 v3, v3;
	v10 =	vadd.f32 v13, v36  }
0x13f: {  	v8 =	vmul.f32 v8, v2;
	v6 =	vadd.f32 v7, v6;
	v9 =	vadd.f32 v12, v9  }
0x140: {  	v39 =	vmul.f32 v11, v11;
	v10 =	vadd.f32 v37, v10  }
0x141: {  	v40 =	vmul.f32 v11, v3;
	v6 =	vadd.f32 v8, v6;
	v7 =	vadd.f32 v38, v9  }
0x142: {  	v41 =	vadd.f32 v39, v10  }
0x143: {  	v6 =	vadd.f32 v40, v6;
	(xrf2) =	vadd.scan.msk.f32 $0xffff, v7  }
0x144: {  	(xrf2) =	vadd.scan.msk.f32 $0xffff, v41  }
0x145: {  	v42 =	vmov s31;
	(xrf2) =	vadd.scan.msk.f32 $0xffff, v6  }
0x146: {  	v43 =	vshll.u32 v42, $0x3  }
0x147: {  	v7 =	vand.u32 $0x7F, v42;
	v6 =	vand.u32 $0xC00, v43  }
0x148: {  	v6 =	vor.u32 v7, v6  }
0x149: {  	v7 =	vor.u32 $0x80, v6  }
0x14a: {  	v44 =	vor.u32 $0x100, v6;
	_ =	sdelay $0x2  }
0x14b: {  	v45, _, _ =	vpop (xrf2)  }
0x14c: {  	[tilespmem:v7+s21+$0x0] =	vst.idx.msk vm0, v45;
	v46, _, _ =	vpop (xrf2)  }
0x14d: {  	[tilespmem:v44+s21+$0x0] =	vst.idx.msk vm0, v46;
	v47, _, _ =	vpop (xrf2)  }
0x14e: {  	[tilespmem:v6+s21+$0x0] =	vst.idx.msk vm0, v47  }
0x14f: {  	v7 =	vld [tilespmem:s29+$0xFFFFFF00]  }
0x150: {  	v8 =	vld [tilespmem:s29+$0xFFFFFF10];
	_ =	sdelay $0x1  }
0x151: {  	v9 =	vld [tilespmem:s29+$0xFFFFFF20];
	_ =	sdelay $0x1  }
0x152: {  	v48 =	vld [tilespmem:s29+$0xFFFFFF30]  }
0x153: {  	v49 =	vmul.f32 v7, v4;
	v50 =	vmul.f32 v8, v5  }
0x154: {  	v7 =	vmul.f32 v7, v7;
	v8 =	vmul.f32 v8, v8  }
0x155: {  	v51 =	vmul.f32 v9, v2;
	v11 =	vadd.f32 v50, v49  }
0x156: {  	v52 =	vmul.f32 v9, v9;
	v7 =	vadd.f32 v8, v7  }
0x157: {  	v54 =	vmul.f32 v48, v3;
	v53 =	vadd.f32 v51, v11  }
0x158: {  	v55 =	vmul.f32 v48, v48;
	v7 =	vadd.f32 v52, v7  }
0x159: {  	v9 =	vadd.f32 v54, v53  }
0x15a: {  	v7 =	vadd.f32 v55, v7  }
0x15b: {  	(xrf2) =	vadd.scan.msk.f32 $0xffff, v9  }
0x15c: {  	(xrf2) =	vadd.scan.msk.f32 $0xffff, v7;
	_ =	sdelay $0x4  }
0x15d: {  	v56 =	vor.u32 $0x1000, v6  }
0x15e: {  	v57 =	vor.u32 $0x4000, v6;
	_ =	sdelay $0x2  }
0x15f: {  	v9, _, _ =	vpop (xrf2)  }
0x160: {  	[tilespmem:v56+s21+$0x0] =	vst.idx.msk vm0, v9;
	v58, _, _ =	vpop (xrf2)  }
0x161: {  	[tilespmem:v57+s21+$0x0] =	vst.idx.msk vm0, v58  }
0x162: {  	v7 =	vld [tilespmem:s29+$0xFFFFFF80]  }
0x163: {  	v8 =	vld [tilespmem:s29+$0xFFFFFF90];
	_ =	sdelay $0x1  }
0x164: {  	v9 =	vld [tilespmem:s29+$0xFFFFFFA0];
	_ =	sdelay $0x1  }
0x165: {  	v59 =	vld [tilespmem:s29+$0xFFFFFFB0]  }
0x166: {  	v60 =	vmul.f32 v7, v4;
	v61 =	vmul.f32 v8, v5  }
0x167: {  	v7 =	vmul.f32 v7, v7;
	v8 =	vmul.f32 v8, v8  }
0x168: {  	v62 =	vmul.f32 v9, v2;
	v11 =	vadd.f32 v61, v60  }
0x169: {  	v63 =	vmul.f32 v9, v9;
	v7 =	vadd.f32 v8, v7  }
0x16a: {  	v14 =	vmul.f32 v59, v3;
	v13 =	vadd.f32 v62, v11  }
0x16b: {  	v15 =	vmul.f32 v59, v59;
	v7 =	vadd.f32 v63, v7  }
0x16c: {  	v9 =	vadd.f32 v14, v13  }
0x16d: {  	v7 =	vadd.f32 v15, v7  }
0x16e: {  	(xrf2) =	vadd.scan.msk.f32 $0xffff, v9  }
0x16f: {  	(xrf2) =	vadd.scan.msk.f32 $0xffff, v7;
	_ =	sdelay $0x4  }
0x170: {  	v16 =	vor.u32 $0x1080, v6  }
0x171: {  	v17 =	vor.u32 $0x4080, v6;
	_ =	sdelay $0x2  }
0x172: {  	v9, _, _ =	vpop (xrf2)  }
0x173: {  	[tilespmem:v16+s21+$0x0] =	vst.idx.msk vm0, v9;
	v18, _, _ =	vpop (xrf2)  }
0x174: {  	[tilespmem:v17+s21+$0x0] =	vst.idx.msk vm0, v18  }
0x175: {  	v7 =	vld [tilespmem:s29+$0x0]  }
0x176: {  	v8 =	vld [tilespmem:s29+$0x10];
	_ =	sdelay $0x1  }
0x177: {  	v9 =	vld [tilespmem:s29+$0x20];
	_ =	sdelay $0x1  }
0x178: {  	v19 =	vld [tilespmem:s29+$0x30]  }
0x179: {  	v20 =	vmul.f32 v7, v4;
	v21 =	vmul.f32 v8, v5  }
0x17a: {  	v7 =	vmul.f32 v7, v7;
	v8 =	vmul.f32 v8, v8  }
0x17b: {  	v22 =	vmul.f32 v9, v2;
	v11 =	vadd.f32 v21, v20  }
0x17c: {  	v23 =	vmul.f32 v9, v9;
	v7 =	vadd.f32 v8, v7  }
0x17d: {  	v25 =	vmul.f32 v19, v3;
	v24 =	vadd.f32 v22, v11  }
0x17e: {  	v26 =	vmul.f32 v19, v19;
	v7 =	vadd.f32 v23, v7  }
0x17f: {  	v9 =	vadd.f32 v25, v24  }
0x180: {  	v7 =	vadd.f32 v26, v7  }
0x181: {  	(xrf2) =	vadd.scan.msk.f32 $0xffff, v9  }
0x182: {  	(xrf2) =	vadd.scan.msk.f32 $0xffff, v7;
	_ =	sdelay $0x4  }
0x183: {  	v27 =	vor.u32 $0x1100, v6  }
0x184: {  	v28 =	vor.u32 $0x4100, v6;
	_ =	sdelay $0x2  }
0x185: {  	v9, _, _ =	vpop (xrf2)  }
0x186: {  	[tilespmem:v27+s21+$0x0] =	vst.idx.msk vm0, v9;
	v29, _, _ =	vpop (xrf2)  }
0x187: {  	[tilespmem:v28+s21+$0x0] =	vst.idx.msk vm0, v29  }
0x188: {  	v7 =	vld [tilespmem:s29+$0x80]  }
0x189: {  	v8 =	vld [tilespmem:s29+$0x90];
	_ =	sdelay $0x1  }
0x18a: {  	v9 =	vld [tilespmem:s29+$0xA0];
	_ =	sdelay $0x1  }
0x18b: {  	v30 =	vld [tilespmem:s29+$0xB0]  }
0x18c: {  	v31 =	vmul.f32 v7, v4;
	v32 =	vmul.f32 v8, v5  }
0x18d: {  	v7 =	vmul.f32 v7, v7;
	v8 =	vmul.f32 v8, v8  }
0x18e: {  	v33 =	vmul.f32 v9, v2;
	v11 =	vadd.f32 v32, v31  }
0x18f: {  	v34 =	vmul.f32 v9, v9;
	v7 =	vadd.f32 v8, v7  }
0x190: {  	v36 =	vmul.f32 v30, v3;
	v35 =	vadd.f32 v33, v11  }
0x191: {  	v37 =	vmul.f32 v30, v30;
	v7 =	vadd.f32 v34, v7  }
0x192: {  	v9 =	vadd.f32 v36, v35  }
0x193: {  	v7 =	vadd.f32 v37, v7  }
0x194: {  	(xrf2) =	vadd.scan.msk.f32 $0xffff, v9  }
0x195: {  	(xrf2) =	vadd.scan.msk.f32 $0xffff, v7;
	_ =	sdelay $0x4  }
0x196: {  	v38 =	vor.u32 $0x1180, v6  }
0x197: {  	v39 =	vor.u32 $0x4180, v6;
	_ =	sdelay $0x2  }
0x198: {  	v9, _, _ =	vpop (xrf2)  }
0x199: {  	[tilespmem:v38+s21+$0x0] =	vst.idx.msk vm0, v9;
	v40, _, _ =	vpop (xrf2)  }
0x19a: {  	[tilespmem:v39+s21+$0x0] =	vst.idx.msk vm0, v40  }
0x19b: {  	v7 =	vld [tilespmem:s29+$0x100]  }
0x19c: {  	v8 =	vld [tilespmem:s29+$0x110];
	_ =	sdelay $0x1  }
0x19d: {  	v9 =	vld [tilespmem:s29+$0x120];
	_ =	sdelay $0x1  }
0x19e: {  	v41 =	vld [tilespmem:s29+$0x130]  }
0x19f: {  	v42 =	vmul.f32 v7, v4;
	v43 =	vmul.f32 v8, v5  }
0x1a0: {  	v7 =	vmul.f32 v7, v7;
	v8 =	vmul.f32 v8, v8  }
0x1a1: {  	v44 =	vmul.f32 v9, v2;
	v11 =	vadd.f32 v43, v42  }
0x1a2: {  	v45 =	vmul.f32 v9, v9;
	v7 =	vadd.f32 v8, v7  }
0x1a3: {  	v47 =	vmul.f32 v41, v3;
	v46 =	vadd.f32 v44, v11  }
0x1a4: {  	v48 =	vmul.f32 v41, v41;
	v7 =	vadd.f32 v45, v7  }
0x1a5: {  	v9 =	vadd.f32 v47, v46  }
0x1a6: {  	v7 =	vadd.f32 v48, v7  }
0x1a7: {  	(xrf2) =	vadd.scan.msk.f32 $0xffff, v9  }
0x1a8: {  	(xrf2) =	vadd.scan.msk.f32 $0xffff, v7;
	_ =	sdelay $0x4  }
0x1a9: {  	v49 =	vor.u32 $0x1200, v6  }
0x1aa: {  	v50 =	vor.u32 $0x4200, v6;
	_ =	sdelay $0x2  }
0x1ab: {  	v9, _, _ =	vpop (xrf2)  }
0x1ac: {  	[tilespmem:v49+s21+$0x0] =	vst.idx.msk vm0, v9;
	v51, _, _ =	vpop (xrf2)  }
0x1ad: {  	[tilespmem:v50+s21+$0x0] =	vst.idx.msk vm0, v51  }
0x1ae: {  	v7 =	vld [tilespmem:s29+$0x180]  }
0x1af: {  	v8 =	vld [tilespmem:s29+$0x190];
	_ =	sdelay $0x1  }
0x1b0: {  	v9 =	vld [tilespmem:s29+$0x1A0];
	_ =	sdelay $0x1  }
0x1b1: {  	v52 =	vld [tilespmem:s29+$0x1B0]  }
0x1b2: {  	v53 =	vmul.f32 v7, v4;
	v54 =	vmul.f32 v8, v5  }
0x1b3: {  	v7 =	vmul.f32 v7, v7;
	v8 =	vmul.f32 v8, v8  }
0x1b4: {  	v55 =	vmul.f32 v9, v2;
	v11 =	vadd.f32 v54, v53  }
0x1b5: {  	v56 =	vmul.f32 v9, v9;
	v7 =	vadd.f32 v8, v7  }
0x1b6: {  	v58 =	vmul.f32 v52, v3;
	v57 =	vadd.f32 v55, v11  }
0x1b7: {  	v59 =	vmul.f32 v52, v52;
	v7 =	vadd.f32 v56, v7  }
0x1b8: {  	v9 =	vadd.f32 v58, v57  }
0x1b9: {  	v7 =	vadd.f32 v59, v7  }
0x1ba: {  	(xrf2) =	vadd.scan.msk.f32 $0xffff, v9  }
0x1bb: {  	(xrf2) =	vadd.scan.msk.f32 $0xffff, v7;
	_ =	sdelay $0x4  }
0x1bc: {  	v60 =	vor.u32 $0x1280, v6  }
0x1bd: {  	v61 =	vor.u32 $0x4280, v6;
	_ =	sdelay $0x2  }
0x1be: {  	v9, _, _ =	vpop (xrf2)  }
0x1bf: {  	[tilespmem:v60+s21+$0x0] =	vst.idx.msk vm0, v9;
	v62, _, _ =	vpop (xrf2)  }
0x1c0: {  	[tilespmem:v61+s21+$0x0] =	vst.idx.msk vm0, v62  }
0x1c1: {  	v7 =	vld [tilespmem:s29+$0x200]  }
0x1c2: {  	v8 =	vld [tilespmem:s29+$0x210];
	_ =	sdelay $0x1  }
0x1c3: {  	v9 =	vld [tilespmem:s29+$0x220];
	_ =	sdelay $0x1  }
0x1c4: {  	v63 =	vld [tilespmem:s29+$0x230]  }
0x1c5: {  	v16 =	vmul.f32 v7, v4;
	v17 =	vmul.f32 v8, v5  }
0x1c6: {  	v7 =	vmul.f32 v7, v7;
	v8 =	vmul.f32 v8, v8  }
0x1c7: {  	v18 =	vmul.f32 v9, v2;
	v11 =	vadd.f32 v17, v16  }
0x1c8: {  	v19 =	vmul.f32 v9, v9;
	v7 =	vadd.f32 v8, v7  }
0x1c9: {  	v21 =	vmul.f32 v63, v3;
	v20 =	vadd.f32 v18, v11  }
0x1ca: {  	v22 =	vmul.f32 v63, v63;
	v7 =	vadd.f32 v19, v7  }
0x1cb: {  	v9 =	vadd.f32 v21, v20  }
0x1cc: {  	v7 =	vadd.f32 v22, v7  }
0x1cd: {  	(xrf2) =	vadd.scan.msk.f32 $0xffff, v9  }
0x1ce: {  	(xrf2) =	vadd.scan.msk.f32 $0xffff, v7;
	_ =	sdelay $0x4  }
0x1cf: {  	v23 =	vor.u32 $0x1300, v6  }
0x1d0: {  	v24 =	vor.u32 $0x4300, v6;
	_ =	sdelay $0x2  }
0x1d1: {  	v9, _, _ =	vpop (xrf2)  }
0x1d2: {  	[tilespmem:v23+s21+$0x0] =	vst.idx.msk vm0, v9;
	v25, _, _ =	vpop (xrf2)  }
0x1d3: {  	[tilespmem:v24+s21+$0x0] =	vst.idx.msk vm0, v25  }
0x1d4: {  	v7 =	vld [tilespmem:s29+$0x280]  }
0x1d5: {  	v8 =	vld [tilespmem:s29+$0x290];
	_ =	sdelay $0x1  }
0x1d6: {  	v9 =	vld [tilespmem:s29+$0x2A0];
	_ =	sdelay $0x1  }
0x1d7: {  	v26 =	vld [tilespmem:s29+$0x2B0]  }
0x1d8: {  	v27 =	vmul.f32 v7, v4;
	v28 =	vmul.f32 v8, v5  }
0x1d9: {  	v7 =	vmul.f32 v7, v7;
	v8 =	vmul.f32 v8, v8  }
0x1da: {  	v29 =	vmul.f32 v9, v2;
	v11 =	vadd.f32 v28, v27  }
0x1db: {  	v30 =	vmul.f32 v9, v9;
	v7 =	vadd.f32 v8, v7  }
0x1dc: {  	v32 =	vmul.f32 v26, v3;
	v31 =	vadd.f32 v29, v11  }
0x1dd: {  	v33 =	vmul.f32 v26, v26;
	v7 =	vadd.f32 v30, v7  }
0x1de: {  	v9 =	vadd.f32 v32, v31  }
0x1df: {  	v7 =	vadd.f32 v33, v7  }
0x1e0: {  	(xrf2) =	vadd.scan.msk.f32 $0xffff, v9  }
0x1e1: {  	(xrf2) =	vadd.scan.msk.f32 $0xffff, v7;
	_ =	sdelay $0x4  }
0x1e2: {  	v34 =	vor.u32 $0x1380, v6  }
0x1e3: {  	v35 =	vor.u32 $0x4380, v6;
	_ =	sdelay $0x2  }
0x1e4: {  	v9, _, _ =	vpop (xrf2)  }
0x1e5: {  	[tilespmem:v34+s21+$0x0] =	vst.idx.msk vm0, v9;
	v36, _, _ =	vpop (xrf2)  }
0x1e6: {  	[tilespmem:v35+s21+$0x0] =	vst.idx.msk vm0, v36  }
0x1e7: {  	v7 =	vld [tilespmem:s29+$0x300]  }
0x1e8: {  	v8 =	vld [tilespmem:s29+$0x310];
	_ =	sdelay $0x1  }
0x1e9: {  	v9 =	vld [tilespmem:s29+$0x320];
	_ =	sdelay $0x1  }
0x1ea: {  	v37 =	vld [tilespmem:s29+$0x330]  }
0x1eb: {  	v38 =	vmul.f32 v7, v4;
	v39 =	vmul.f32 v8, v5  }
0x1ec: {  	v7 =	vmul.f32 v7, v7;
	v8 =	vmul.f32 v8, v8  }
0x1ed: {  	v40 =	vmul.f32 v9, v2;
	v11 =	vadd.f32 v39, v38  }
0x1ee: {  	v41 =	vmul.f32 v9, v9;
	v7 =	vadd.f32 v8, v7  }
0x1ef: {  	v43 =	vmul.f32 v37, v3;
	v42 =	vadd.f32 v40, v11  }
0x1f0: {  	v44 =	vmul.f32 v37, v37;
	v7 =	vadd.f32 v41, v7  }
0x1f1: {  	v9 =	vadd.f32 v43, v42  }
0x1f2: {  	v7 =	vadd.f32 v44, v7  }
0x1f3: {  	(xrf2) =	vadd.scan.msk.f32 $0xffff, v9  }
0x1f4: {  	(xrf2) =	vadd.scan.msk.f32 $0xffff, v7;
	_ =	sdelay $0x4  }
0x1f5: {  	v45 =	vor.u32 $0x2000, v6  }
0x1f6: {  	v46 =	vor.u32 $0x5000, v6;
	_ =	sdelay $0x2  }
0x1f7: {  	v9, _, _ =	vpop (xrf2)  }
0x1f8: {  	[tilespmem:v45+s21+$0x0] =	vst.idx.msk vm0, v9;
	v47, _, _ =	vpop (xrf2)  }
0x1f9: {  	[tilespmem:v46+s21+$0x0] =	vst.idx.msk vm0, v47  }
0x1fa: {  	v7 =	vld [tilespmem:s29+$0x380]  }
0x1fb: {  	v8 =	vld [tilespmem:s29+$0x390];
	_ =	sdelay $0x1  }
0x1fc: {  	v9 =	vld [tilespmem:s29+$0x3A0];
	_ =	sdelay $0x1  }
0x1fd: {  	v48 =	vld [tilespmem:s29+$0x3B0]  }
0x1fe: {  	v49 =	vmul.f32 v7, v4;
	v50 =	vmul.f32 v8, v5  }
0x1ff: {  	v7 =	vmul.f32 v7, v7;
	v8 =	vmul.f32 v8, v8  }
0x200: {  	v51 =	vmul.f32 v9, v2;
	v11 =	vadd.f32 v50, v49  }
0x201: {  	v52 =	vmul.f32 v9, v9;
	v7 =	vadd.f32 v8, v7  }
0x202: {  	v54 =	vmul.f32 v48, v3;
	v53 =	vadd.f32 v51, v11  }
0x203: {  	v55 =	vmul.f32 v48, v48;
	v7 =	vadd.f32 v52, v7  }
0x204: {  	v9 =	vadd.f32 v54, v53  }
0x205: {  	v7 =	vadd.f32 v55, v7  }
0x206: {  	(xrf2) =	vadd.scan.msk.f32 $0xffff, v9  }
0x207: {  	(xrf2) =	vadd.scan.msk.f32 $0xffff, v7;
	_ =	sdelay $0x4  }
0x208: {  	v56 =	vor.u32 $0x2080, v6  }
0x209: {  	v57 =	vor.u32 $0x5080, v6;
	_ =	sdelay $0x2  }
0x20a: {  	v9, _, _ =	vpop (xrf2)  }
0x20b: {  	[tilespmem:v56+s21+$0x0] =	vst.idx.msk vm0, v9;
	v58, _, _ =	vpop (xrf2)  }
0x20c: {  	[tilespmem:v57+s21+$0x0] =	vst.idx.msk vm0, v58  }
0x20d: {  	v7 =	vld [tilespmem:s29+$0x400]  }
0x20e: {  	v8 =	vld [tilespmem:s29+$0x410];
	_ =	sdelay $0x1  }
0x20f: {  	v9 =	vld [tilespmem:s29+$0x420];
	_ =	sdelay $0x1  }
0x210: {  	v59 =	vld [tilespmem:s29+$0x430]  }
0x211: {  	v60 =	vmul.f32 v7, v4;
	v61 =	vmul.f32 v8, v5  }
0x212: {  	v7 =	vmul.f32 v7, v7;
	v8 =	vmul.f32 v8, v8  }
0x213: {  	v62 =	vmul.f32 v9, v2;
	v11 =	vadd.f32 v61, v60  }
0x214: {  	v63 =	vmul.f32 v9, v9;
	v7 =	vadd.f32 v8, v7  }
0x215: {  	v13 =	vmul.f32 v59, v3;
	v12 =	vadd.f32 v62, v11  }
0x216: {  	v14 =	vmul.f32 v59, v59;
	v7 =	vadd.f32 v63, v7  }
0x217: {  	v9 =	vadd.f32 v13, v12  }
0x218: {  	v7 =	vadd.f32 v14, v7  }
0x219: {  	(xrf2) =	vadd.scan.msk.f32 $0xffff, v9  }
0x21a: {  	(xrf2) =	vadd.scan.msk.f32 $0xffff, v7;
	_ =	sdelay $0x4  }
0x21b: {  	v15 =	vor.u32 $0x2100, v6  }
0x21c: {  	v16 =	vor.u32 $0x5100, v6;
	_ =	sdelay $0x2  }
0x21d: {  	v9, _, _ =	vpop (xrf2)  }
0x21e: {  	[tilespmem:v15+s21+$0x0] =	vst.idx.msk vm0, v9;
	v17, _, _ =	vpop (xrf2)  }
0x21f: {  	[tilespmem:v16+s21+$0x0] =	vst.idx.msk vm0, v17  }
0x220: {  	v7 =	vld [tilespmem:s29+$0x480]  }
0x221: {  	v8 =	vld [tilespmem:s29+$0x490];
	_ =	sdelay $0x1  }
0x222: {  	v9 =	vld [tilespmem:s29+$0x4A0];
	_ =	sdelay $0x1  }
0x223: {  	v18 =	vld [tilespmem:s29+$0x4B0]  }
0x224: {  	v19 =	vmul.f32 v7, v4;
	v20 =	vmul.f32 v8, v5  }
0x225: {  	v7 =	vmul.f32 v7, v7;
	v8 =	vmul.f32 v8, v8  }
0x226: {  	v21 =	vmul.f32 v9, v2;
	v11 =	vadd.f32 v20, v19  }
0x227: {  	v22 =	vmul.f32 v9, v9;
	v7 =	vadd.f32 v8, v7  }
0x228: {  	v24 =	vmul.f32 v18, v3;
	v23 =	vadd.f32 v21, v11  }
0x229: {  	v25 =	vmul.f32 v18, v18;
	v7 =	vadd.f32 v22, v7  }
0x22a: {  	v9 =	vadd.f32 v24, v23  }
0x22b: {  	v7 =	vadd.f32 v25, v7  }
0x22c: {  	(xrf2) =	vadd.scan.msk.f32 $0xffff, v9  }
0x22d: {  	(xrf2) =	vadd.scan.msk.f32 $0xffff, v7;
	_ =	sdelay $0x4  }
0x22e: {  	v26 =	vor.u32 $0x2180, v6  }
0x22f: {  	v27 =	vor.u32 $0x5180, v6;
	_ =	sdelay $0x2  }
0x230: {  	v9, _, _ =	vpop (xrf2)  }
0x231: {  	[tilespmem:v26+s21+$0x0] =	vst.idx.msk vm0, v9;
	v28, _, _ =	vpop (xrf2)  }
0x232: {  	[tilespmem:v27+s21+$0x0] =	vst.idx.msk vm0, v28  }
0x233: {  	v7 =	vld [tilespmem:s29+$0x500]  }
0x234: {  	v8 =	vld [tilespmem:s29+$0x510];
	_ =	sdelay $0x1  }
0x235: {  	v9 =	vld [tilespmem:s29+$0x520];
	_ =	sdelay $0x1  }
0x236: {  	v29 =	vld [tilespmem:s29+$0x530]  }
0x237: {  	v30 =	vmul.f32 v7, v4;
	v31 =	vmul.f32 v8, v5  }
0x238: {  	v7 =	vmul.f32 v7, v7;
	v8 =	vmul.f32 v8, v8  }
0x239: {  	v32 =	vmul.f32 v9, v2;
	v11 =	vadd.f32 v31, v30  }
0x23a: {  	v33 =	vmul.f32 v9, v9;
	v7 =	vadd.f32 v8, v7  }
0x23b: {  	v35 =	vmul.f32 v29, v3;
	v34 =	vadd.f32 v32, v11  }
0x23c: {  	v36 =	vmul.f32 v29, v29;
	v7 =	vadd.f32 v33, v7  }
0x23d: {  	v9 =	vadd.f32 v35, v34  }
0x23e: {  	v7 =	vadd.f32 v36, v7  }
0x23f: {  	(xrf2) =	vadd.scan.msk.f32 $0xffff, v9  }
0x240: {  	(xrf2) =	vadd.scan.msk.f32 $0xffff, v7;
	_ =	sdelay $0x4  }
0x241: {  	v37 =	vor.u32 $0x2200, v6  }
0x242: {  	v38 =	vor.u32 $0x5200, v6;
	_ =	sdelay $0x2  }
0x243: {  	v9, _, _ =	vpop (xrf2)  }
0x244: {  	[tilespmem:v37+s21+$0x0] =	vst.idx.msk vm0, v9;
	v39, _, _ =	vpop (xrf2)  }
0x245: {  	[tilespmem:v38+s21+$0x0] =	vst.idx.msk vm0, v39  }
0x246: {  	v7 =	vld [tilespmem:s29+$0x580]  }
0x247: {  	v8 =	vld [tilespmem:s29+$0x590];
	_ =	sdelay $0x1  }
0x248: {  	v9 =	vld [tilespmem:s29+$0x5A0];
	_ =	sdelay $0x1  }
0x249: {  	v40 =	vld [tilespmem:s29+$0x5B0]  }
0x24a: {  	v41 =	vmul.f32 v7, v4;
	v42 =	vmul.f32 v8, v5  }
0x24b: {  	v7 =	vmul.f32 v7, v7;
	v8 =	vmul.f32 v8, v8  }
0x24c: {  	v43 =	vmul.f32 v9, v2;
	v11 =	vadd.f32 v42, v41  }
0x24d: {  	v44 =	vmul.f32 v9, v9;
	v7 =	vadd.f32 v8, v7  }
0x24e: {  	v46 =	vmul.f32 v40, v3;
	v45 =	vadd.f32 v43, v11  }
0x24f: {  	v47 =	vmul.f32 v40, v40;
	v7 =	vadd.f32 v44, v7  }
0x250: {  	v9 =	vadd.f32 v46, v45  }
0x251: {  	v7 =	vadd.f32 v47, v7  }
0x252: {  	(xrf2) =	vadd.scan.msk.f32 $0xffff, v9  }
0x253: {  	(xrf2) =	vadd.scan.msk.f32 $0xffff, v7;
	_ =	sdelay $0x4  }
0x254: {  	v48 =	vor.u32 $0x2280, v6  }
0x255: {  	v49 =	vor.u32 $0x5280, v6;
	_ =	sdelay $0x2  }
0x256: {  	v9, _, _ =	vpop (xrf2)  }
0x257: {  	[tilespmem:v48+s21+$0x0] =	vst.idx.msk vm0, v9;
	v50, _, _ =	vpop (xrf2)  }
0x258: {  	[tilespmem:v49+s21+$0x0] =	vst.idx.msk vm0, v50  }
0x259: {  	v7 =	vld [tilespmem:s29+$0x600]  }
0x25a: {  	v8 =	vld [tilespmem:s29+$0x610];
	_ =	sdelay $0x1  }
0x25b: {  	v9 =	vld [tilespmem:s29+$0x620];
	_ =	sdelay $0x1  }
0x25c: {  	v51 =	vld [tilespmem:s29+$0x630]  }
0x25d: {  	v52 =	vmul.f32 v7, v4;
	v53 =	vmul.f32 v8, v5  }
0x25e: {  	v7 =	vmul.f32 v7, v7;
	v8 =	vmul.f32 v8, v8  }
0x25f: {  	v54 =	vmul.f32 v9, v2;
	v11 =	vadd.f32 v53, v52  }
0x260: {  	v55 =	vmul.f32 v9, v9;
	v7 =	vadd.f32 v8, v7  }
0x261: {  	v57 =	vmul.f32 v51, v3;
	v56 =	vadd.f32 v54, v11  }
0x262: {  	v58 =	vmul.f32 v51, v51;
	v7 =	vadd.f32 v55, v7  }
0x263: {  	v9 =	vadd.f32 v57, v56  }
0x264: {  	v7 =	vadd.f32 v58, v7  }
0x265: {  	(xrf2) =	vadd.scan.msk.f32 $0xffff, v9  }
0x266: {  	(xrf2) =	vadd.scan.msk.f32 $0xffff, v7;
	_ =	sdelay $0x4  }
0x267: {  	v59 =	vor.u32 $0x2300, v6  }
0x268: {  	v60 =	vor.u32 $0x5300, v6;
	_ =	sdelay $0x2  }
0x269: {  	v9, _, _ =	vpop (xrf2)  }
0x26a: {  	[tilespmem:v59+s21+$0x0] =	vst.idx.msk vm0, v9;
	v61, _, _ =	vpop (xrf2)  }
0x26b: {  	[tilespmem:v60+s21+$0x0] =	vst.idx.msk vm0, v61  }
0x26c: {  	v7 =	vld [tilespmem:s29+$0x680]  }
0x26d: {  	v8 =	vld [tilespmem:s29+$0x690];
	_ =	sdelay $0x1  }
0x26e: {  	v9 =	vld [tilespmem:s29+$0x6A0];
	_ =	sdelay $0x1  }
0x26f: {  	v62 =	vld [tilespmem:s29+$0x6B0]  }
0x270: {  	v63 =	vmul.f32 v7, v4;
	v16 =	vmul.f32 v8, v5  }
0x271: {  	v7 =	vmul.f32 v7, v7;
	v8 =	vmul.f32 v8, v8  }
0x272: {  	v17 =	vmul.f32 v9, v2;
	v11 =	vadd.f32 v16, v63  }
0x273: {  	v18 =	vmul.f32 v9, v9;
	v7 =	vadd.f32 v8, v7  }
0x274: {  	v20 =	vmul.f32 v62, v3;
	v19 =	vadd.f32 v17, v11  }
0x275: {  	v21 =	vmul.f32 v62, v62;
	v7 =	vadd.f32 v18, v7  }
0x276: {  	v9 =	vadd.f32 v20, v19  }
0x277: {  	v7 =	vadd.f32 v21, v7  }
0x278: {  	(xrf2) =	vadd.scan.msk.f32 $0xffff, v9  }
0x279: {  	(xrf2) =	vadd.scan.msk.f32 $0xffff, v7;
	_ =	sdelay $0x4  }
0x27a: {  	v22 =	vor.u32 $0x2380, v6  }
0x27b: {  	v23 =	vor.u32 $0x5380, v6;
	_ =	sdelay $0x2  }
0x27c: {  	v9, _, _ =	vpop (xrf2)  }
0x27d: {  	[tilespmem:v22+s21+$0x0] =	vst.idx.msk vm0, v9;
	v24, _, _ =	vpop (xrf2)  }
0x27e: {  	[tilespmem:v23+s21+$0x0] =	vst.idx.msk vm0, v24  }
0x27f: {  	v7 =	vld [tilespmem:s29+$0x700]  }
0x280: {  	v8 =	vld [tilespmem:s29+$0x710];
	_ =	sdelay $0x1  }
0x281: {  	v9 =	vld [tilespmem:s29+$0x720];
	_ =	sdelay $0x1  }
0x282: {  	v25 =	vld [tilespmem:s29+$0x730]  }
0x283: {  	v26 =	vmul.f32 v7, v4;
	v27 =	vmul.f32 v8, v5  }
0x284: {  	v7 =	vmul.f32 v7, v7;
	v8 =	vmul.f32 v8, v8  }
0x285: {  	v28 =	vmul.f32 v9, v2;
	v11 =	vadd.f32 v27, v26  }
0x286: {  	v29 =	vmul.f32 v9, v9;
	v7 =	vadd.f32 v8, v7  }
0x287: {  	v31 =	vmul.f32 v25, v3;
	v30 =	vadd.f32 v28, v11  }
0x288: {  	v32 =	vmul.f32 v25, v25;
	v7 =	vadd.f32 v29, v7  }
0x289: {  	v9 =	vadd.f32 v31, v30  }
0x28a: {  	v7 =	vadd.f32 v32, v7  }
0x28b: {  	(xrf2) =	vadd.scan.msk.f32 $0xffff, v9  }
0x28c: {  	(xrf2) =	vadd.scan.msk.f32 $0xffff, v7;
	_ =	sdelay $0x4  }
0x28d: {  	v33 =	vor.u32 $0x3000, v6  }
0x28e: {  	v34 =	vor.u32 $0x6000, v6;
	_ =	sdelay $0x2  }
0x28f: {  	v9, _, _ =	vpop (xrf2)  }
0x290: {  	[tilespmem:v33+s21+$0x0] =	vst.idx.msk vm0, v9;
	v35, _, _ =	vpop (xrf2)  }
0x291: {  	[tilespmem:v34+s21+$0x0] =	vst.idx.msk vm0, v35  }
0x292: {  	v7 =	vld [tilespmem:s29+$0x780]  }
0x293: {  	v8 =	vld [tilespmem:s29+$0x790];
	_ =	sdelay $0x1  }
0x294: {  	v9 =	vld [tilespmem:s29+$0x7A0];
	_ =	sdelay $0x1  }
0x295: {  	v36 =	vld [tilespmem:s29+$0x7B0]  }
0x296: {  	v37 =	vmul.f32 v7, v4;
	v38 =	vmul.f32 v8, v5  }
0x297: {  	v7 =	vmul.f32 v7, v7;
	v8 =	vmul.f32 v8, v8  }
0x298: {  	v39 =	vmul.f32 v9, v2;
	v11 =	vadd.f32 v38, v37  }
0x299: {  	v40 =	vmul.f32 v9, v9;
	v7 =	vadd.f32 v8, v7  }
0x29a: {  	v42 =	vmul.f32 v36, v3;
	v41 =	vadd.f32 v39, v11  }
0x29b: {  	v43 =	vmul.f32 v36, v36;
	v7 =	vadd.f32 v40, v7  }
0x29c: {  	v9 =	vadd.f32 v42, v41  }
0x29d: {  	v7 =	vadd.f32 v43, v7  }
0x29e: {  	(xrf2) =	vadd.scan.msk.f32 $0xffff, v9  }
0x29f: {  	(xrf2) =	vadd.scan.msk.f32 $0xffff, v7;
	_ =	sdelay $0x4  }
0x2a0: {  	v44 =	vor.u32 $0x3080, v6  }
0x2a1: {  	v45 =	vor.u32 $0x6080, v6;
	_ =	sdelay $0x2  }
0x2a2: {  	v9, _, _ =	vpop (xrf2)  }
0x2a3: {  	[tilespmem:v44+s21+$0x0] =	vst.idx.msk vm0, v9;
	v46, _, _ =	vpop (xrf2)  }
0x2a4: {  	[tilespmem:v45+s21+$0x0] =	vst.idx.msk vm0, v46  }
0x2a5: {  	v7 =	vld [tilespmem:s29+$0x800]  }
0x2a6: {  	v8 =	vld [tilespmem:s29+$0x810];
	_ =	sdelay $0x1  }
0x2a7: {  	v9 =	vld [tilespmem:s29+$0x820];
	_ =	sdelay $0x1  }
0x2a8: {  	v47 =	vld [tilespmem:s29+$0x830]  }
0x2a9: {  	v48 =	vmul.f32 v7, v4;
	v49 =	vmul.f32 v8, v5  }
0x2aa: {  	v7 =	vmul.f32 v7, v7;
	v8 =	vmul.f32 v8, v8  }
0x2ab: {  	v50 =	vmul.f32 v9, v2;
	v11 =	vadd.f32 v49, v48  }
0x2ac: {  	v51 =	vmul.f32 v9, v9;
	v7 =	vadd.f32 v8, v7  }
0x2ad: {  	v53 =	vmul.f32 v47, v3;
	v52 =	vadd.f32 v50, v11  }
0x2ae: {  	v54 =	vmul.f32 v47, v47;
	v7 =	vadd.f32 v51, v7  }
0x2af: {  	v9 =	vadd.f32 v53, v52  }
0x2b0: {  	v7 =	vadd.f32 v54, v7  }
0x2b1: {  	(xrf2) =	vadd.scan.msk.f32 $0xffff, v9  }
0x2b2: {  	(xrf2) =	vadd.scan.msk.f32 $0xffff, v7;
	_ =	sdelay $0x4  }
0x2b3: {  	v55 =	vor.u32 $0x3100, v6  }
0x2b4: {  	v56 =	vor.u32 $0x6100, v6;
	_ =	sdelay $0x2  }
0x2b5: {  	v9, _, _ =	vpop (xrf2)  }
0x2b6: {  	[tilespmem:v55+s21+$0x0] =	vst.idx.msk vm0, v9;
	v57, _, _ =	vpop (xrf2)  }
0x2b7: {  	[tilespmem:v56+s21+$0x0] =	vst.idx.msk vm0, v57  }
0x2b8: {  	v7 =	vld [tilespmem:s29+$0x880]  }
0x2b9: {  	v8 =	vld [tilespmem:s29+$0x890];
	_ =	sdelay $0x1  }
0x2ba: {  	v9 =	vld [tilespmem:s29+$0x8A0];
	_ =	sdelay $0x1  }
0x2bb: {  	v58 =	vld [tilespmem:s29+$0x8B0]  }
0x2bc: {  	v4 =	vmul.f32 v7, v4;
	v5 =	vmul.f32 v8, v5  }
0x2bd: {  	v7 =	vmul.f32 v7, v7;
	v8 =	vmul.f32 v8, v8  }
0x2be: {  	v2 =	vmul.f32 v9, v2;
	v4 =	vadd.f32 v5, v4  }
0x2bf: {  	v60 =	vmul.f32 v9, v9;
	v59 =	vadd.f32 v8, v7  }
0x2c0: {  	v3 =	vmul.f32 v58, v3;
	v2 =	vadd.f32 v2, v4  }
0x2c1: {  	v62 =	vmul.f32 v58, v58;
	v61 =	vadd.f32 v60, v59  }
0x2c2: {  	v2 =	vadd.f32 v3, v2  }
0x2c3: {  	v3 =	vadd.f32 v62, v61  }
0x2c4: {  	(xrf2) =	vadd.scan.msk.f32 $0xffff, v2  }
0x2c5: {  	(xrf2) =	vadd.scan.msk.f32 $0xffff, v3;
	_ =	sdelay $0x4  }
0x2c6: {  	v2 =	vor.u32 $0x3180, v6  }
0x2c7: {  	p2 =	seq.s32 s30, $0x1E00;
	v3 =	vor.u32 $0x6180, v6  }
.Ltmp3:
0x2c8: {  	_ = 	snop;
	(pc) =	sbr.rel @!p2 .LBB2_10-.Ltmp3, $4  }
0x2c9: {  	_ = 	snop  }
0x2ca: {  	v63, _, _ =	vpop (xrf2)  }
0x2cb: {  	[tilespmem:v2+s21+$0x0] =	vst.idx.msk vm0, v63;
	v2, _, _ =	vpop (xrf2)  }
0x2cc: {  	s31 =	sadd.s32 $0x1, s31;
	s30 =	sadd.s32 $0x200, s30;
	s29 =	sadd.s32 $0xA00, s29;
	[tilespmem:v3+s21+$0x0] =	vst.idx.msk vm0, v2  }
0x2cd: {  	p2 =	seq.s32 s28, $0x20  }
.Ltmp4:
0x2ce: {  	_ = 	snop;
	(pc) =	sbr.rel @!p2 .LBB2_5-.Ltmp4, $3  }
0x2cf: {  	_ =	sdelay $0x1  }
0x2d0: {  	p0 =	por !p0, !p0  }
0x2d1: {  	s26 =	sadd.s32 $0x10, s26;
	p1 =	por !p1, !p1;
	s29 =	smov.u32 s28  }
0x2d2: {  	s0 =	rddreg [dreg:$0xb]  }
0x2d3: {  	s1 =	simm.s32 $0x1000;
	s2 =	simm.s32 $0x20000;
	s29 =	simm.s32 $0x4  }
0x2d4: {  	[hbm4b:s0+s1] =	stream.strided.scatter [tilespmem:s21], [sflag:$0x4], $0x8000, s2, s1, $0x38;
	[tilespmem:$0x1E300] =	vst v63  }
0x2d5: {  	_ =	swait.ge [sflag:s29], $0x8000  }
0x2d6: {  	s30 =	rddreg [dreg:$0xd]  }
0x2d7: {  	s31 =	rddreg [dreg:$0xc];
	s2 =	sadd.s32 $0x1, s30  }
0x2d8: {  	p0 =	sne.s32 s2, s31  }
.Ltmp5:
0x2d9: {  	_ = 	snop;
	(pc) =	sbr.rel @p0 .LBB2_1-.Ltmp5, $3  }
0x2da: {  	_ =	sdelay $0x1  }
0x2db: {  	[sflag:s29] =	ssyncset.done $0x0  }
0x2dc: {  	[sflag:s29] =	ssyncadd.s32 $0xFFFF8000  }
0x2dd: {  	_ =	sfence.sel $0x180000  }
0x2de: {  	[bflag:$0x0] =	sbarrier.arrive $0xFFFF  }
0x2df: {  	_ =	strace $0x9000004A  }
0x2e0: {  	s0 =	stileid.u32;
	[bflag:$0x2] =	sbarrier.arrive $0xFFFF  }
0x2e1: {  	p0 =	sne.s32 s0, $0x0;
	s0 =	rddreg [dreg:$0x2]  }
0x2e2: {  	s0 =	sadd.s32 @!p0 $0x100000, s0  }
0x2e3: {  	[sflag:s0] =	ssyncadd.tile.s32 @!p0 $0x1;
	_ =	shalt  }
.Lfunc_end2:
_tile_overlayer_lowered:
.L_overlay_start_2:
0x2e4: {  	(tag) =	ssettag $0x2  }
0x2e5: {  	s0 =	rddreg [dreg:$0x0];
	s2 =	stileid.u32  }
0x2e6: {  	s1 =	rddreg [dreg:$0x1];
	p0 =	sne.s32 s2, $0x0  }
0x2e7: {  	s3 =	rddreg [dreg:$0x2];
	[bflag:$0x3] =	sbarrier.arrive $0xFFFF;
	s2 =	simm.s32 @!p0 $0x1C05  }
0x2e8: {  	[timem:s3], [sflag:s2] =	dma.local @!p0 [hbm:s0], s1  }
0x2e9: {  	s0 =	simm.s32 @!p0 $0x5  }
0x2ea: {  	_ =	swait.ge @!p0 [sflag:s0], s1  }
0x2eb: {  	s1 =	ssub.s32 @!p0 $0x0, s1;
	[sflag:s0] =	ssyncset.done @!p0 $0x0  }
0x2ec: {  	[sflag:s0] =	ssyncadd.s32 @!p0 s1  }
0x2ed: {  	[bflag:$0x3] =	sbarrier.arrive $0xFFFF  }
0x2ee: {  	_ =	shalt  }

</sc_bundles>
